<compile_context>
chip_gen: v7x
topology: tpu7x:2x2x1
jax: 0.10.2.dev20260603
libtpu: 0.0.44.dev20260713+nightly
codegen_flags: <defaults>
</compile_context>

<pallas_src>
import functools

import jax
import jax.numpy as jnp
from jax import lax
from jax.experimental import pallas as pl
from jax.experimental.pallas import tpu as pltpu
from jax.experimental.pallas import tpu_sc as plsc

VOCAB = 1000000
D = 64
SEQ = 200
BATCH = 4096
L = 16
NC, NS = 2, 16
NW = NC * NS

K_SEQ = 4
G_SPLIT = ((0, 104), (104, 96))
SEQ_PER_W = BATCH // NW
N_CHUNKS = SEQ_PER_W // K_SEQ
N_GROUPS = N_CHUNKS // 2
D_CH = D // L


def _positional_encoding():
    i = jnp.arange(0, D, 2) / D
    pos = jnp.arange(0, SEQ)[:, None].astype(jnp.float32)
    angle_freq = jnp.exp(i * -jnp.log(jnp.array(10000.0)))
    out = jnp.zeros((SEQ, D), dtype=jnp.float32)
    out = out.at[:, 0::2].set(jnp.sin(pos * angle_freq))
    out = out.at[:, 1::2].set(jnp.cos(pos * angle_freq))
    return out


def _sc_embed(idx, table, pos):
    mesh = plsc.VectorSubcoreMesh(core_axis_name="c", subcore_axis_name="s")

    @functools.partial(
        pl.kernel,
        out_type=jax.ShapeDtypeStruct((BATCH * SEQ, 128), jnp.float32),
        mesh=mesh,
        compiler_params=pltpu.CompilerParams(use_tc_tiling_on_sc=False),
        scratch_types=[
            pltpu.VMEM((2, 8, SEQ), jnp.int32),
            pltpu.VMEM((2, K_SEQ * SEQ, D), jnp.float32),
            pltpu.VMEM((SEQ, D), jnp.float32),
            pltpu.SemaphoreType.DMA,
            pltpu.SemaphoreType.DMA,
            pltpu.SemaphoreType.DMA,
            pltpu.SemaphoreType.DMA,
        ],
    )
    def body(idx_hbm, table_hbm, pos_hbm, out_hbm,
             idx_v, rows_v, pos_v, gsem0, gsem1, osem0, osem1):
        wid = lax.axis_index("s") * NC + lax.axis_index("c")
        seq0 = wid * SEQ_PER_W
        gsems = (gsem0, gsem1)
        osems = (osem0, osem1)
        pltpu.sync_copy(pos_hbm, pos_v)

        def stage_idx(g):
            base = pl.multiple_of(seq0 + g * 8, 8)
            pltpu.sync_copy(idx_hbm.at[pl.ds(base, 8)], idx_v.at[lax.rem(g, 2)])

        def fire_gathers(c, nb):
            pg = lax.rem(c // 2, 2)
            ls = lax.rem(c, 2) * K_SEQ
            for s in range(K_SEQ):
                for off, sz in G_SPLIT:
                    pltpu.async_copy(
                        table_hbm.at[idx_v.at[pg, ls + s, pl.ds(off, sz)]],
                        rows_v.at[nb, pl.ds(s * SEQ + off, sz)],
                        gsems[nb],
                    )

        CROWS = K_SEQ * SEQ

        def chunk_slice(c):
            base = pl.multiple_of((seq0 + c * K_SEQ) * SEQ, CROWS)
            return (pl.ds(base, CROWS), pl.ds(0, D))

        def handle(c, nb):
            pltpu.make_async_copy(
                out_hbm.at[chunk_slice(c)[0], chunk_slice(c)[1]], rows_v.at[nb], gsems[nb]).wait()

            for j in range(D_CH):
                jo = j * L

                def add_body(p, carry):
                    pv = pos_v[p, pl.ds(jo, L)]
                    for s in range(K_SEQ):
                        r = s * SEQ + p
                        rows_v[nb, r, pl.ds(jo, L)] = (
                            rows_v[nb, r, pl.ds(jo, L)] + pv)
                    return carry

                lax.fori_loop(0, SEQ, add_body, 0, unroll=2)

            @pl.when(c > 0)
            def _():
                pltpu.make_async_copy(
                    rows_v.at[1 - nb], out_hbm.at[chunk_slice(c - 1)[0], chunk_slice(c - 1)[1]],
                    osems[1 - nb]).wait()

            pltpu.async_copy(rows_v.at[nb], out_hbm.at[chunk_slice(c)[0], chunk_slice(c)[1]],
                             osems[nb])

            @pl.when(c + 1 < N_CHUNKS)
            def _():
                @pl.when(lax.rem(c + 1, 2) == 0)
                def _():
                    stage_idx((c + 1) // 2)
                fire_gathers(c + 1, 1 - nb)

        stage_idx(0)
        fire_gathers(0, 0)

        def pair_body(g, carry):
            handle(2 * g, 0)
            handle(2 * g + 1, 1)
            return carry

        lax.fori_loop(0, N_GROUPS, pair_body, 0)

        pltpu.make_async_copy(
            rows_v.at[1], out_hbm.at[chunk_slice(N_CHUNKS - 1)[0], chunk_slice(N_CHUNKS - 1)[1]], osem1).wait()

    return body(idx, table, pos)


def kernel(inputs, table):
    idx = inputs.astype(jnp.int32)
    pos = _positional_encoding()
    out2d = _sc_embed(idx, table, pos)
    return out2d[:, :D].reshape(BATCH, SEQ, D)

# --- scband reference (transcript-rebuilt; emitter-appended) ---
"""Pipeline reference for scband-embedding-32392643346792 (READ-ONLY COPY).

The authoritative reference and input builder live on the scoring server;
editing this copy changes nothing except your own understanding.
"""

import jax, jax.numpy as jnp
import numpy as np

VOCAB_SIZE = 1000000
D_MODEL = 64
MAX_LENGTH = 200
BATCH = 4096
SEQ_LEN = 200


def positional_encoding(d_model, max_length):
    i = jnp.arange(0, d_model, 2) / d_model
    pos = jnp.arange(0, max_length)[:, None].astype(jnp.float32)
    angle_freq = jnp.exp(i * -jnp.log(jnp.array(10000.0)))
    out = jnp.zeros((max_length, d_model), dtype=jnp.float32)
    out = out.at[:, 0::2].set(jnp.sin(pos * angle_freq))
    out = out.at[:, 1::2].set(jnp.cos(pos * angle_freq))
    return out


def setup_inputs(seed: int = 0) -> dict:
    key = jax.random.key(seed)
    k_idx, k_tab = jax.random.split(key)
    inputs = jax.random.randint(k_idx, (BATCH, SEQ_LEN), 0, VOCAB_SIZE, dtype=jnp.int64 if jax.config.jax_enable_x64 else jnp.int32)
    table = jax.random.normal(k_tab, (VOCAB_SIZE, D_MODEL), dtype=jnp.float32)
    return {"inputs": inputs, "table": table}


def reference(inputs, table):
    sequence_length = inputs.shape[-1]
    pos_enc = positional_encoding(D_MODEL, MAX_LENGTH)
    outputs = jnp.take(table, inputs, axis=0) + pos_enc[:sequence_length]
    return outputs

if __name__ == "__main__":
    import jax
    _d = setup_inputs()
    print(jax.jit(kernel)(*tuple(_d.values())))

</pallas_src>

<mosaic_0001>
#map = affine_map<(d0, d1) -> (0, 0)>
module attributes {stable_mosaic.version = 14 : i64} {
  func.func @body(%arg0: i32, %arg1: i32, %arg2: memref<4096x200xi32, #tpu.memory_space<hbm>>, %arg3: memref<1000000x64xf32, #tpu.memory_space<hbm>>, %arg4: memref<200x64xf32, #tpu.memory_space<hbm>>, %arg5: memref<819200x128xf32, #tpu.memory_space<hbm>>, %arg6: memref<2x8x200xi32, #tpu.memory_space<vmem>>, %arg7: memref<2x800x64xf32, #tpu.memory_space<vmem>>, %arg8: memref<200x64xf32, #tpu.memory_space<vmem>>, %arg9: memref<!tpu.dma_semaphore, #tpu.memory_space<semaphore_mem>>, %arg10: memref<!tpu.dma_semaphore, #tpu.memory_space<semaphore_mem>>, %arg11: memref<!tpu.dma_semaphore, #tpu.memory_space<semaphore_mem>>, %arg12: memref<!tpu.dma_semaphore, #tpu.memory_space<semaphore_mem>>) attributes {dimension_semantics = [#tpu.dimension_semantics<core_parallel>, #tpu.dimension_semantics<subcore_parallel>], iteration_bounds = array<i64: 2, 16>, scalar_prefetch = 0 : i64, scratch_operands = 7 : i64, tpu.core_type = #tpu.core_type<sc_vector_subcore>, window_params = [{transform_indices = #map}, {transform_indices = #map}, {transform_indices = #map}, {transform_indices = #map}]} {
    %mul3A = arith.constant 2 : i32
    %mul3A_0 = arith.muli %arg1, %mul3A : i32
    %add3A = arith.addi %mul3A_0, %arg0 : i32
    %mul3A_1 = arith.constant 128 : i32
    %mul3A_2 = arith.muli %add3A, %mul3A_1 : i32
    "tpu.region"() ({
      %run_scoped3A = tpu.sem_alloc : memref<!tpu.dma_semaphore, #tpu.memory_space<semaphore_mem>>
      tpu.enqueue_dma source(%arg4 : memref<200x64xf32, #tpu.memory_space<hbm>>) target(%arg8 : memref<200x64xf32, #tpu.memory_space<vmem>>) target_semaphore(%run_scoped3A : memref<!tpu.dma_semaphore, #tpu.memory_space<semaphore_mem>>)
      tpu.wait_dma2 semaphore(%run_scoped3A : memref<!tpu.dma_semaphore, #tpu.memory_space<semaphore_mem>>) src(%arg4 : memref<200x64xf32, #tpu.memory_space<hbm>>) dst(%arg8 : memref<200x64xf32, #tpu.memory_space<vmem>>)
      tpu.yield
    }) : () -> ()
    %add3A_3 = arith.constant 0 : i32
    %add3A_4 = arith.addi %mul3A_2, %add3A_3 : i32
    %multiple_of3A = tpu.assume_multiple %add3A_4, 8 : i32
    %rem3A = arith.constant 0 : i32
    %rem3A_5 = arith.constant 2 : i32
    %rem3A_6 = arith.remsi %rem3A, %rem3A_5 : i32
    "tpu.region"() ({
      %run_scoped3A = tpu.sem_alloc : memref<!tpu.dma_semaphore, #tpu.memory_space<semaphore_mem>>
      %dma_start3A_145 = arith.constant 0 : i32
      %dma_start3A_146 = arith.constant 0 : i32
      %dma_start3A_147 = tpu.memref_slice %arg6[%rem3A_6, %dma_start3A_145, %dma_start3A_146] : memref<2x8x200xi32, #tpu.memory_space<vmem>> -> memref<1x8x200xi32, #tpu.memory_space<vmem>>
      %dma_start3A_148 = tpu.memref_squeeze %dma_start3A_147 : memref<1x8x200xi32, #tpu.memory_space<vmem>> -> memref<8x200xi32, #tpu.memory_space<vmem>>
      %dma_start3A_149 = arith.constant 0 : i32
      %dma_start3A_150 = tpu.memref_slice %arg2[%multiple_of3A, %dma_start3A_149] : memref<4096x200xi32, #tpu.memory_space<hbm>> -> memref<8x200xi32, #tpu.memory_space<hbm>>
      %dma_start3A_151 = arith.constant 0 : i32
      %dma_start3A_152 = arith.constant 0 : i32
      %dma_start3A_153 = tpu.memref_slice %arg6[%rem3A_6, %dma_start3A_151, %dma_start3A_152] : memref<2x8x200xi32, #tpu.memory_space<vmem>> -> memref<1x8x200xi32, #tpu.memory_space<vmem>>
      %dma_start3A_154 = tpu.memref_squeeze %dma_start3A_153 : memref<1x8x200xi32, #tpu.memory_space<vmem>> -> memref<8x200xi32, #tpu.memory_space<vmem>>
      %dma_start3A_155 = arith.constant 0 : i32
      %dma_start3A_156 = tpu.memref_slice %arg2[%multiple_of3A, %dma_start3A_155] : memref<4096x200xi32, #tpu.memory_space<hbm>> -> memref<8x200xi32, #tpu.memory_space<hbm>>
      tpu.enqueue_dma source(%dma_start3A_156 : memref<8x200xi32, #tpu.memory_space<hbm>>) target(%dma_start3A_154 : memref<8x200xi32, #tpu.memory_space<vmem>>) target_semaphore(%run_scoped3A : memref<!tpu.dma_semaphore, #tpu.memory_space<semaphore_mem>>)
      %dma_wait3A_157 = arith.constant 0 : i32
      %dma_wait3A_158 = arith.constant 0 : i32
      %dma_wait3A_159 = tpu.memref_slice %arg6[%rem3A_6, %dma_wait3A_157, %dma_wait3A_158] : memref<2x8x200xi32, #tpu.memory_space<vmem>> -> memref<1x8x200xi32, #tpu.memory_space<vmem>>
      %dma_wait3A_160 = tpu.memref_squeeze %dma_wait3A_159 : memref<1x8x200xi32, #tpu.memory_space<vmem>> -> memref<8x200xi32, #tpu.memory_space<vmem>>
      %dma_wait3A_161 = arith.constant 0 : i32
      %dma_wait3A_162 = tpu.memref_slice %arg2[%multiple_of3A, %dma_wait3A_161] : memref<4096x200xi32, #tpu.memory_space<hbm>> -> memref<8x200xi32, #tpu.memory_space<hbm>>
      %dma_wait3A_163 = arith.constant 0 : i32
      %dma_wait3A_164 = arith.constant 0 : i32
      %dma_wait3A_165 = tpu.memref_slice %arg6[%rem3A_6, %dma_wait3A_163, %dma_wait3A_164] : memref<2x8x200xi32, #tpu.memory_space<vmem>> -> memref<1x8x200xi32, #tpu.memory_space<vmem>>
      %dma_wait3A_166 = tpu.memref_squeeze %dma_wait3A_165 : memref<1x8x200xi32, #tpu.memory_space<vmem>> -> memref<8x200xi32, #tpu.memory_space<vmem>>
      %dma_wait3A_167 = arith.constant 0 : i32
      %dma_wait3A_168 = tpu.memref_slice %arg2[%multiple_of3A, %dma_wait3A_167] : memref<4096x200xi32, #tpu.memory_space<hbm>> -> memref<8x200xi32, #tpu.memory_space<hbm>>
      tpu.wait_dma2 semaphore(%run_scoped3A : memref<!tpu.dma_semaphore, #tpu.memory_space<semaphore_mem>>) src(%dma_wait3A_168 : memref<8x200xi32, #tpu.memory_space<hbm>>) dst(%dma_wait3A_166 : memref<8x200xi32, #tpu.memory_space<vmem>>)
      tpu.yield
    }) : () -> ()
    %rem3A_7 = arith.constant 0 : i32
    %rem3A_8 = arith.constant 2 : i32
    %rem3A_9 = arith.remsi %rem3A_7, %rem3A_8 : i32
    %rem3A_10 = arith.constant 0 : i32
    %rem3A_11 = arith.constant 2 : i32
    %rem3A_12 = arith.remsi %rem3A_10, %rem3A_11 : i32
    %mul3A_13 = arith.constant 4 : i32
    %mul3A_14 = arith.muli %rem3A_12, %mul3A_13 : i32
    %add3A_15 = arith.constant 0 : i32
    %add3A_16 = arith.addi %mul3A_14, %add3A_15 : i32
    %dma_start3A = arith.constant 0 : i32
    %dma_start3A_17 = arith.constant 0 : i32
    %dma_start3A_18 = arith.constant 0 : i32
    %dma_start3A_19 = tpu.memref_slice %arg7[%dma_start3A, %dma_start3A_17, %dma_start3A_18] : memref<2x800x64xf32, #tpu.memory_space<vmem>> -> memref<1x104x64xf32, #tpu.memory_space<vmem>>
    %dma_start3A_20 = tpu.memref_squeeze %dma_start3A_19 : memref<1x104x64xf32, #tpu.memory_space<vmem>> -> memref<104x64xf32, #tpu.memory_space<vmem>>
    %dma_start3A_21 = arith.constant 0 : i32
    %dma_start3A_22 = tpu.memref_slice %arg6[%rem3A_9, %add3A_16, %dma_start3A_21] : memref<2x8x200xi32, #tpu.memory_space<vmem>> -> memref<1x1x104xi32, #tpu.memory_space<vmem>>
    %dma_start3A_23 = tpu.memref_squeeze %dma_start3A_22 : memref<1x1x104xi32, #tpu.memory_space<vmem>> -> memref<104xi32, #tpu.memory_space<vmem>>
    %dma_start3A_24 = arith.constant 0 : i32
    %dma_start3A_25 = arith.constant 0 : i32
    %dma_start3A_26 = tpu.memref_slice %arg3[%dma_start3A_24, %dma_start3A_25] : memref<1000000x64xf32, #tpu.memory_space<hbm>> -> memref<1000000x64xf32, #tpu.memory_space<hbm>>
    tpu.enqueue_indirect_dma source(%dma_start3A_26 : memref<1000000x64xf32, #tpu.memory_space<hbm>>) target(%dma_start3A_20 : memref<104x64xf32, #tpu.memory_space<vmem>>) offsets(%dma_start3A_23 : memref<104xi32, #tpu.memory_space<vmem>>) semaphore(%arg9 : memref<!tpu.dma_semaphore, #tpu.memory_space<semaphore_mem>>)
    %add3A_27 = arith.constant 0 : i32
    %add3A_28 = arith.addi %mul3A_14, %add3A_27 : i32
    %dma_start3A_29 = arith.constant 0 : i32
    %dma_start3A_30 = arith.constant 104 : i32
    %dma_start3A_31 = arith.constant 0 : i32
    %dma_start3A_32 = tpu.memref_slice %arg7[%dma_start3A_29, %dma_start3A_30, %dma_start3A_31] : memref<2x800x64xf32, #tpu.memory_space<vmem>> -> memref<1x96x64xf32, #tpu.memory_space<vmem>>
    %dma_start3A_33 = tpu.memref_squeeze %dma_start3A_32 : memref<1x96x64xf32, #tpu.memory_space<vmem>> -> memref<96x64xf32, #tpu.memory_space<vmem>>
    %dma_start3A_34 = arith.constant 104 : i32
    %dma_start3A_35 = tpu.memref_slice %arg6[%rem3A_9, %add3A_28, %dma_start3A_34] : memref<2x8x200xi32, #tpu.memory_space<vmem>> -> memref<1x1x96xi32, #tpu.memory_space<vmem>>
    %dma_start3A_36 = tpu.memref_squeeze %dma_start3A_35 : memref<1x1x96xi32, #tpu.memory_space<vmem>> -> memref<96xi32, #tpu.memory_space<vmem>>
    %dma_start3A_37 = arith.constant 0 : i32
    %dma_start3A_38 = arith.constant 0 : i32
    %dma_start3A_39 = tpu.memref_slice %arg3[%dma_start3A_37, %dma_start3A_38] : memref<1000000x64xf32, #tpu.memory_space<hbm>> -> memref<1000000x64xf32, #tpu.memory_space<hbm>>
    tpu.enqueue_indirect_dma source(%dma_start3A_39 : memref<1000000x64xf32, #tpu.memory_space<hbm>>) target(%dma_start3A_33 : memref<96x64xf32, #tpu.memory_space<vmem>>) offsets(%dma_start3A_36 : memref<96xi32, #tpu.memory_space<vmem>>) semaphore(%arg9 : memref<!tpu.dma_semaphore, #tpu.memory_space<semaphore_mem>>)
    %add3A_40 = arith.constant 1 : i32
    %add3A_41 = arith.addi %mul3A_14, %add3A_40 : i32
    %dma_start3A_42 = arith.constant 0 : i32
    %dma_start3A_43 = arith.constant 200 : i32
    %dma_start3A_44 = arith.constant 0 : i32
    %dma_start3A_45 = tpu.memref_slice %arg7[%dma_start3A_42, %dma_start3A_43, %dma_start3A_44] : memref<2x800x64xf32, #tpu.memory_space<vmem>> -> memref<1x104x64xf32, #tpu.memory_space<vmem>>
    %dma_start3A_46 = tpu.memref_squeeze %dma_start3A_45 : memref<1x104x64xf32, #tpu.memory_space<vmem>> -> memref<104x64xf32, #tpu.memory_space<vmem>>
    %dma_start3A_47 = arith.constant 0 : i32
    %dma_start3A_48 = tpu.memref_slice %arg6[%rem3A_9, %add3A_41, %dma_start3A_47] : memref<2x8x200xi32, #tpu.memory_space<vmem>> -> memref<1x1x104xi32, #tpu.memory_space<vmem>>
    %dma_start3A_49 = tpu.memref_squeeze %dma_start3A_48 : memref<1x1x104xi32, #tpu.memory_space<vmem>> -> memref<104xi32, #tpu.memory_space<vmem>>
    %dma_start3A_50 = arith.constant 0 : i32
    %dma_start3A_51 = arith.constant 0 : i32
    %dma_start3A_52 = tpu.memref_slice %arg3[%dma_start3A_50, %dma_start3A_51] : memref<1000000x64xf32, #tpu.memory_space<hbm>> -> memref<1000000x64xf32, #tpu.memory_space<hbm>>
    tpu.enqueue_indirect_dma source(%dma_start3A_52 : memref<1000000x64xf32, #tpu.memory_space<hbm>>) target(%dma_start3A_46 : memref<104x64xf32, #tpu.memory_space<vmem>>) offsets(%dma_start3A_49 : memref<104xi32, #tpu.memory_space<vmem>>) semaphore(%arg9 : memref<!tpu.dma_semaphore, #tpu.memory_space<semaphore_mem>>)
    %add3A_53 = arith.constant 1 : i32
    %add3A_54 = arith.addi %mul3A_14, %add3A_53 : i32
    %dma_start3A_55 = arith.constant 0 : i32
    %dma_start3A_56 = arith.constant 304 : i32
    %dma_start3A_57 = arith.constant 0 : i32
    %dma_start3A_58 = tpu.memref_slice %arg7[%dma_start3A_55, %dma_start3A_56, %dma_start3A_57] : memref<2x800x64xf32, #tpu.memory_space<vmem>> -> memref<1x96x64xf32, #tpu.memory_space<vmem>>
    %dma_start3A_59 = tpu.memref_squeeze %dma_start3A_58 : memref<1x96x64xf32, #tpu.memory_space<vmem>> -> memref<96x64xf32, #tpu.memory_space<vmem>>
    %dma_start3A_60 = arith.constant 104 : i32
    %dma_start3A_61 = tpu.memref_slice %arg6[%rem3A_9, %add3A_54, %dma_start3A_60] : memref<2x8x200xi32, #tpu.memory_space<vmem>> -> memref<1x1x96xi32, #tpu.memory_space<vmem>>
    %dma_start3A_62 = tpu.memref_squeeze %dma_start3A_61 : memref<1x1x96xi32, #tpu.memory_space<vmem>> -> memref<96xi32, #tpu.memory_space<vmem>>
    %dma_start3A_63 = arith.constant 0 : i32
    %dma_start3A_64 = arith.constant 0 : i32
    %dma_start3A_65 = tpu.memref_slice %arg3[%dma_start3A_63, %dma_start3A_64] : memref<1000000x64xf32, #tpu.memory_space<hbm>> -> memref<1000000x64xf32, #tpu.memory_space<hbm>>
    tpu.enqueue_indirect_dma source(%dma_start3A_65 : memref<1000000x64xf32, #tpu.memory_space<hbm>>) target(%dma_start3A_59 : memref<96x64xf32, #tpu.memory_space<vmem>>) offsets(%dma_start3A_62 : memref<96xi32, #tpu.memory_space<vmem>>) semaphore(%arg9 : memref<!tpu.dma_semaphore, #tpu.memory_space<semaphore_mem>>)
    %add3A_66 = arith.constant 2 : i32
    %add3A_67 = arith.addi %mul3A_14, %add3A_66 : i32
    %dma_start3A_68 = arith.constant 0 : i32
    %dma_start3A_69 = arith.constant 400 : i32
    %dma_start3A_70 = arith.constant 0 : i32
    %dma_start3A_71 = tpu.memref_slice %arg7[%dma_start3A_68, %dma_start3A_69, %dma_start3A_70] : memref<2x800x64xf32, #tpu.memory_space<vmem>> -> memref<1x104x64xf32, #tpu.memory_space<vmem>>
    %dma_start3A_72 = tpu.memref_squeeze %dma_start3A_71 : memref<1x104x64xf32, #tpu.memory_space<vmem>> -> memref<104x64xf32, #tpu.memory_space<vmem>>
    %dma_start3A_73 = arith.constant 0 : i32
    %dma_start3A_74 = tpu.memref_slice %arg6[%rem3A_9, %add3A_67, %dma_start3A_73] : memref<2x8x200xi32, #tpu.memory_space<vmem>> -> memref<1x1x104xi32, #tpu.memory_space<vmem>>
    %dma_start3A_75 = tpu.memref_squeeze %dma_start3A_74 : memref<1x1x104xi32, #tpu.memory_space<vmem>> -> memref<104xi32, #tpu.memory_space<vmem>>
    %dma_start3A_76 = arith.constant 0 : i32
    %dma_start3A_77 = arith.constant 0 : i32
    %dma_start3A_78 = tpu.memref_slice %arg3[%dma_start3A_76, %dma_start3A_77] : memref<1000000x64xf32, #tpu.memory_space<hbm>> -> memref<1000000x64xf32, #tpu.memory_space<hbm>>
    tpu.enqueue_indirect_dma source(%dma_start3A_78 : memref<1000000x64xf32, #tpu.memory_space<hbm>>) target(%dma_start3A_72 : memref<104x64xf32, #tpu.memory_space<vmem>>) offsets(%dma_start3A_75 : memref<104xi32, #tpu.memory_space<vmem>>) semaphore(%arg9 : memref<!tpu.dma_semaphore, #tpu.memory_space<semaphore_mem>>)
    %add3A_79 = arith.constant 2 : i32
    %add3A_80 = arith.addi %mul3A_14, %add3A_79 : i32
    %dma_start3A_81 = arith.constant 0 : i32
    %dma_start3A_82 = arith.constant 504 : i32
    %dma_start3A_83 = arith.constant 0 : i32
    %dma_start3A_84 = tpu.memref_slice %arg7[%dma_start3A_81, %dma_start3A_82, %dma_start3A_83] : memref<2x800x64xf32, #tpu.memory_space<vmem>> -> memref<1x96x64xf32, #tpu.memory_space<vmem>>
    %dma_start3A_85 = tpu.memref_squeeze %dma_start3A_84 : memref<1x96x64xf32, #tpu.memory_space<vmem>> -> memref<96x64xf32, #tpu.memory_space<vmem>>
    %dma_start3A_86 = arith.constant 104 : i32
    %dma_start3A_87 = tpu.memref_slice %arg6[%rem3A_9, %add3A_80, %dma_start3A_86] : memref<2x8x200xi32, #tpu.memory_space<vmem>> -> memref<1x1x96xi32, #tpu.memory_space<vmem>>
    %dma_start3A_88 = tpu.memref_squeeze %dma_start3A_87 : memref<1x1x96xi32, #tpu.memory_space<vmem>> -> memref<96xi32, #tpu.memory_space<vmem>>
    %dma_start3A_89 = arith.constant 0 : i32
    %dma_start3A_90 = arith.constant 0 : i32
    %dma_start3A_91 = tpu.memref_slice %arg3[%dma_start3A_89, %dma_start3A_90] : memref<1000000x64xf32, #tpu.memory_space<hbm>> -> memref<1000000x64xf32, #tpu.memory_space<hbm>>
    tpu.enqueue_indirect_dma source(%dma_start3A_91 : memref<1000000x64xf32, #tpu.memory_space<hbm>>) target(%dma_start3A_85 : memref<96x64xf32, #tpu.memory_space<vmem>>) offsets(%dma_start3A_88 : memref<96xi32, #tpu.memory_space<vmem>>) semaphore(%arg9 : memref<!tpu.dma_semaphore, #tpu.memory_space<semaphore_mem>>)
    %add3A_92 = arith.constant 3 : i32
    %add3A_93 = arith.addi %mul3A_14, %add3A_92 : i32
    %dma_start3A_94 = arith.constant 0 : i32
    %dma_start3A_95 = arith.constant 600 : i32
    %dma_start3A_96 = arith.constant 0 : i32
    %dma_start3A_97 = tpu.memref_slice %arg7[%dma_start3A_94, %dma_start3A_95, %dma_start3A_96] : memref<2x800x64xf32, #tpu.memory_space<vmem>> -> memref<1x104x64xf32, #tpu.memory_space<vmem>>
    %dma_start3A_98 = tpu.memref_squeeze %dma_start3A_97 : memref<1x104x64xf32, #tpu.memory_space<vmem>> -> memref<104x64xf32, #tpu.memory_space<vmem>>
    %dma_start3A_99 = arith.constant 0 : i32
    %dma_start3A_100 = tpu.memref_slice %arg6[%rem3A_9, %add3A_93, %dma_start3A_99] : memref<2x8x200xi32, #tpu.memory_space<vmem>> -> memref<1x1x104xi32, #tpu.memory_space<vmem>>
    %dma_start3A_101 = tpu.memref_squeeze %dma_start3A_100 : memref<1x1x104xi32, #tpu.memory_space<vmem>> -> memref<104xi32, #tpu.memory_space<vmem>>
    %dma_start3A_102 = arith.constant 0 : i32
    %dma_start3A_103 = arith.constant 0 : i32
    %dma_start3A_104 = tpu.memref_slice %arg3[%dma_start3A_102, %dma_start3A_103] : memref<1000000x64xf32, #tpu.memory_space<hbm>> -> memref<1000000x64xf32, #tpu.memory_space<hbm>>
    tpu.enqueue_indirect_dma source(%dma_start3A_104 : memref<1000000x64xf32, #tpu.memory_space<hbm>>) target(%dma_start3A_98 : memref<104x64xf32, #tpu.memory_space<vmem>>) offsets(%dma_start3A_101 : memref<104xi32, #tpu.memory_space<vmem>>) semaphore(%arg9 : memref<!tpu.dma_semaphore, #tpu.memory_space<semaphore_mem>>)
    %add3A_105 = arith.constant 3 : i32
    %add3A_106 = arith.addi %mul3A_14, %add3A_105 : i32
    %dma_start3A_107 = arith.constant 0 : i32
    %dma_start3A_108 = arith.constant 704 : i32
    %dma_start3A_109 = arith.constant 0 : i32
    %dma_start3A_110 = tpu.memref_slice %arg7[%dma_start3A_107, %dma_start3A_108, %dma_start3A_109] : memref<2x800x64xf32, #tpu.memory_space<vmem>> -> memref<1x96x64xf32, #tpu.memory_space<vmem>>
    %dma_start3A_111 = tpu.memref_squeeze %dma_start3A_110 : memref<1x96x64xf32, #tpu.memory_space<vmem>> -> memref<96x64xf32, #tpu.memory_space<vmem>>
    %dma_start3A_112 = arith.constant 104 : i32
    %dma_start3A_113 = tpu.memref_slice %arg6[%rem3A_9, %add3A_106, %dma_start3A_112] : memref<2x8x200xi32, #tpu.memory_space<vmem>> -> memref<1x1x96xi32, #tpu.memory_space<vmem>>
    %dma_start3A_114 = tpu.memref_squeeze %dma_start3A_113 : memref<1x1x96xi32, #tpu.memory_space<vmem>> -> memref<96xi32, #tpu.memory_space<vmem>>
    %dma_start3A_115 = arith.constant 0 : i32
    %dma_start3A_116 = arith.constant 0 : i32
    %dma_start3A_117 = tpu.memref_slice %arg3[%dma_start3A_115, %dma_start3A_116] : memref<1000000x64xf32, #tpu.memory_space<hbm>> -> memref<1000000x64xf32, #tpu.memory_space<hbm>>
    tpu.enqueue_indirect_dma source(%dma_start3A_117 : memref<1000000x64xf32, #tpu.memory_space<hbm>>) target(%dma_start3A_111 : memref<96x64xf32, #tpu.memory_space<vmem>>) offsets(%dma_start3A_114 : memref<96xi32, #tpu.memory_space<vmem>>) semaphore(%arg9 : memref<!tpu.dma_semaphore, #tpu.memory_space<semaphore_mem>>)
    %scan3A = arith.constant 0 : i32
    %scan3A_118 = arith.constant 0 : i32
    %scan3A_119 = arith.constant 16 : i32
    %scan3A_120 = arith.addi %scan3A_118, %scan3A_119 : i32
    %scan3A_121 = arith.constant 1 : i32
    scf.for %scan3A_145 = %scan3A_118 to %scan3A_120 step %scan3A_121  : i32 {
      %mul3A_146 = arith.constant 2 : i32
      %mul3A_147 = arith.muli %mul3A_146, %scan3A_145 : i32
      %mul3A_148 = arith.constant 4 : i32
      %mul3A_149 = arith.muli %mul3A_147, %mul3A_148 : i32
      %add3A_150 = arith.addi %mul3A_2, %mul3A_149 : i32
      %mul3A_151 = arith.constant 200 : i32
      %mul3A_152 = arith.muli %add3A_150, %mul3A_151 : i32
      %multiple_of3A_153 = tpu.assume_multiple %mul3A_152, 800 : i32
      %mul3A_154 = arith.constant 4 : i32
      %mul3A_155 = arith.muli %mul3A_147, %mul3A_154 : i32
      %add3A_156 = arith.addi %mul3A_2, %mul3A_155 : i32
      %mul3A_157 = arith.constant 200 : i32
      %mul3A_158 = arith.muli %add3A_156, %mul3A_157 : i32
      %multiple_of3A_159 = tpu.assume_multiple %mul3A_158, 800 : i32
      %dma_wait3A_160 = arith.constant 0 : i32
      %dma_wait3A_161 = arith.constant 0 : i32
      %dma_wait3A_162 = arith.constant 0 : i32
      %dma_wait3A_163 = tpu.memref_slice %arg7[%dma_wait3A_160, %dma_wait3A_161, %dma_wait3A_162] : memref<2x800x64xf32, #tpu.memory_space<vmem>> -> memref<1x800x64xf32, #tpu.memory_space<vmem>>
      %dma_wait3A_164 = tpu.memref_squeeze %dma_wait3A_163 : memref<1x800x64xf32, #tpu.memory_space<vmem>> -> memref<800x64xf32, #tpu.memory_space<vmem>>
      %dma_wait3A_165 = arith.constant 0 : i32
      %dma_wait3A_166 = tpu.memref_slice %arg5[%multiple_of3A_153, %dma_wait3A_165] : memref<819200x128xf32, #tpu.memory_space<hbm>> -> memref<800x64xf32, #tpu.memory_space<hbm>>
      %dma_wait3A_167 = arith.constant 0 : i32
      %dma_wait3A_168 = arith.constant 0 : i32
      %dma_wait3A_169 = tpu.memref_slice %arg7[%dma_wait3A_160, %dma_wait3A_167, %dma_wait3A_168] : memref<2x800x64xf32, #tpu.memory_space<vmem>> -> memref<1x800x64xf32, #tpu.memory_space<vmem>>
      %dma_wait3A_170 = tpu.memref_squeeze %dma_wait3A_169 : memref<1x800x64xf32, #tpu.memory_space<vmem>> -> memref<800x64xf32, #tpu.memory_space<vmem>>
      %dma_wait3A_171 = arith.constant 0 : i32
      %dma_wait3A_172 = tpu.memref_slice %arg5[%multiple_of3A_153, %dma_wait3A_171] : memref<819200x128xf32, #tpu.memory_space<hbm>> -> memref<800x64xf32, #tpu.memory_space<hbm>>
      tpu.wait_dma2 semaphore(%arg9 : memref<!tpu.dma_semaphore, #tpu.memory_space<semaphore_mem>>) src(%dma_wait3A_172 : memref<800x64xf32, #tpu.memory_space<hbm>>) dst(%dma_wait3A_170 : memref<800x64xf32, #tpu.memory_space<vmem>>)
      %scan3A_173 = arith.constant 0 : i32
      %scan3A_174 = arith.constant 0 : i32
      %scan3A_175 = arith.constant 200 : i32
      %scan3A_176 = arith.addi %scan3A_174, %scan3A_175 : i32
      %scan3A_177 = arith.constant 2 : i32
      scf.for %scan3A_320 = %scan3A_174 to %scan3A_176 step %scan3A_177  : i32 {
        %get3A = arith.index_cast %scan3A_320 : i32 to index
        %get3A_321 = arith.constant 0 : index
        %get3A_322 = tpu.vector_load %arg8[%get3A, %get3A_321] {strides = array<i32>} : memref<200x64xf32, #tpu.memory_space<vmem>>, vector<1x16xf32>,
        %get3A_323 = vector.shape_cast %get3A_322 : vector<1x16xf32> to vector<16xf32>
        %add3A_324 = arith.constant 0 : i32
        %add3A_325 = arith.addi %add3A_324, %scan3A_320 : i32
        %get3A_326 = arith.constant 0 : i32
        %get3A_327 = arith.index_cast %get3A_326 : i32 to index
        %get3A_328 = arith.index_cast %add3A_325 : i32 to index
        %get3A_329 = arith.constant 0 : index
        %get3A_330 = tpu.vector_load %arg7[%get3A_327, %get3A_328, %get3A_329] {strides = array<i32>} : memref<2x800x64xf32, #tpu.memory_space<vmem>>, vector<1x1x16xf32>,
        %get3A_331 = vector.shape_cast %get3A_330 : vector<1x1x16xf32> to vector<16xf32>
        %add3A_332 = arith.addf %get3A_331, %get3A_323 : vector<16xf32>
        %swap3A = arith.constant 0 : i32
        %swap3A_333 = arith.index_cast %swap3A : i32 to index
        %swap3A_334 = arith.index_cast %add3A_325 : i32 to index
        %swap3A_335 = arith.constant 0 : index
        %swap3A_336 = tpu.vector_load %arg7[%swap3A_333, %swap3A_334, %swap3A_335] {strides = array<i32>} : memref<2x800x64xf32, #tpu.memory_space<vmem>>, vector<1x1x16xf32>,
        %swap3A_337 = vector.shape_cast %swap3A_336 : vector<1x1x16xf32> to vector<16xf32>
        %swap3A_338 = vector.shape_cast %add3A_332 : vector<16xf32> to vector<1x1x16xf32>
        tpu.vector_store %arg7[%swap3A_333, %swap3A_334, %swap3A_335], %swap3A_338 {strides = array<i32>} : memref<2x800x64xf32, #tpu.memory_space<vmem>>, vector<1x1x16xf32>,
        %add3A_339 = arith.constant 200 : i32
        %add3A_340 = arith.addi %add3A_339, %scan3A_320 : i32
        %get3A_341 = arith.constant 0 : i32
        %get3A_342 = arith.index_cast %get3A_341 : i32 to index
        %get3A_343 = arith.index_cast %add3A_340 : i32 to index
        %get3A_344 = arith.constant 0 : index
        %get3A_345 = tpu.vector_load %arg7[%get3A_342, %get3A_343, %get3A_344] {strides = array<i32>} : memref<2x800x64xf32, #tpu.memory_space<vmem>>, vector<1x1x16xf32>,
        %get3A_346 = vector.shape_cast %get3A_345 : vector<1x1x16xf32> to vector<16xf32>
        %add3A_347 = arith.addf %get3A_346, %get3A_323 : vector<16xf32>
        %swap3A_348 = arith.constant 0 : i32
        %swap3A_349 = arith.index_cast %swap3A_348 : i32 to index
        %swap3A_350 = arith.index_cast %add3A_340 : i32 to index
        %swap3A_351 = arith.constant 0 : index
        %swap3A_352 = tpu.vector_load %arg7[%swap3A_349, %swap3A_350, %swap3A_351] {strides = array<i32>} : memref<2x800x64xf32, #tpu.memory_space<vmem>>, vector<1x1x16xf32>,
        %swap3A_353 = vector.shape_cast %swap3A_352 : vector<1x1x16xf32> to vector<16xf32>
        %swap3A_354 = vector.shape_cast %add3A_347 : vector<16xf32> to vector<1x1x16xf32>
        tpu.vector_store %arg7[%swap3A_349, %swap3A_350, %swap3A_351], %swap3A_354 {strides = array<i32>} : memref<2x800x64xf32, #tpu.memory_space<vmem>>, vector<1x1x16xf32>,
        %add3A_355 = arith.constant 400 : i32
        %add3A_356 = arith.addi %add3A_355, %scan3A_320 : i32
        %get3A_357 = arith.constant 0 : i32
        %get3A_358 = arith.index_cast %get3A_357 : i32 to index
        %get3A_359 = arith.index_cast %add3A_356 : i32 to index
        %get3A_360 = arith.constant 0 : index
        %get3A_361 = tpu.vector_load %arg7[%get3A_358, %get3A_359, %get3A_360] {strides = array<i32>} : memref<2x800x64xf32, #tpu.memory_space<vmem>>, vector<1x1x16xf32>,
        %get3A_362 = vector.shape_cast %get3A_361 : vector<1x1x16xf32> to vector<16xf32>
        %add3A_363 = arith.addf %get3A_362, %get3A_323 : vector<16xf32>
        %swap3A_364 = arith.constant 0 : i32
        %swap3A_365 = arith.index_cast %swap3A_364 : i32 to index
        %swap3A_366 = arith.index_cast %add3A_356 : i32 to index
        %swap3A_367 = arith.constant 0 : index
        %swap3A_368 = tpu.vector_load %arg7[%swap3A_365, %swap3A_366, %swap3A_367] {strides = array<i32>} : memref<2x800x64xf32, #tpu.memory_space<vmem>>, vector<1x1x16xf32>,
        %swap3A_369 = vector.shape_cast %swap3A_368 : vector<1x1x16xf32> to vector<16xf32>
        %swap3A_370 = vector.shape_cast %add3A_363 : vector<16xf32> to vector<1x1x16xf32>
        tpu.vector_store %arg7[%swap3A_365, %swap3A_366, %swap3A_367], %swap3A_370 {strides = array<i32>} : memref<2x800x64xf32, #tpu.memory_space<vmem>>, vector<1x1x16xf32>,
        %add3A_371 = arith.constant 600 : i32
        %add3A_372 = arith.addi %add3A_371, %scan3A_320 : i32
        %get3A_373 = arith.constant 0 : i32
        %get3A_374 = arith.index_cast %get3A_373 : i32 to index
        %get3A_375 = arith.index_cast %add3A_372 : i32 to index
        %get3A_376 = arith.constant 0 : index
        %get3A_377 = tpu.vector_load %arg7[%get3A_374, %get3A_375, %get3A_376] {strides = array<i32>} : memref<2x800x64xf32, #tpu.memory_space<vmem>>, vector<1x1x16xf32>,
        %get3A_378 = vector.shape_cast %get3A_377 : vector<1x1x16xf32> to vector<16xf32>
        %add3A_379 = arith.addf %get3A_378, %get3A_323 : vector<16xf32>
        %swap3A_380 = arith.constant 0 : i32
        %swap3A_381 = arith.index_cast %swap3A_380 : i32 to index
        %swap3A_382 = arith.index_cast %add3A_372 : i32 to index
        %swap3A_383 = arith.constant 0 : index
        %swap3A_384 = tpu.vector_load %arg7[%swap3A_381, %swap3A_382, %swap3A_383] {strides = array<i32>} : memref<2x800x64xf32, #tpu.memory_space<vmem>>, vector<1x1x16xf32>,
        %swap3A_385 = vector.shape_cast %swap3A_384 : vector<1x1x16xf32> to vector<16xf32>
        %swap3A_386 = vector.shape_cast %add3A_379 : vector<16xf32> to vector<1x1x16xf32>
        tpu.vector_store %arg7[%swap3A_381, %swap3A_382, %swap3A_383], %swap3A_386 {strides = array<i32>} : memref<2x800x64xf32, #tpu.memory_space<vmem>>, vector<1x1x16xf32>,
        %scan3A_387 = arith.constant 1 : i32
        %scan3A_388 = arith.addi %scan3A_320, %scan3A_387 : i32
        %get3A_389 = arith.index_cast %scan3A_388 : i32 to index
        %get3A_390 = arith.constant 0 : index
        %get3A_391 = tpu.vector_load %arg8[%get3A_389, %get3A_390] {strides = array<i32>} : memref<200x64xf32, #tpu.memory_space<vmem>>, vector<1x16xf32>,
        %get3A_392 = vector.shape_cast %get3A_391 : vector<1x16xf32> to vector<16xf32>
        %add3A_393 = arith.constant 0 : i32
        %add3A_394 = arith.addi %add3A_393, %scan3A_388 : i32
        %get3A_395 = arith.constant 0 : i32
        %get3A_396 = arith.index_cast %get3A_395 : i32 to index
        %get3A_397 = arith.index_cast %add3A_394 : i32 to index
        %get3A_398 = arith.constant 0 : index
        %get3A_399 = tpu.vector_load %arg7[%get3A_396, %get3A_397, %get3A_398] {strides = array<i32>} : memref<2x800x64xf32, #tpu.memory_space<vmem>>, vector<1x1x16xf32>,
        %get3A_400 = vector.shape_cast %get3A_399 : vector<1x1x16xf32> to vector<16xf32>
        %add3A_401 = arith.addf %get3A_400, %get3A_392 : vector<16xf32>
        %swap3A_402 = arith.constant 0 : i32
        %swap3A_403 = arith.index_cast %swap3A_402 : i32 to index
        %swap3A_404 = arith.index_cast %add3A_394 : i32 to index
        %swap3A_405 = arith.constant 0 : index
        %swap3A_406 = tpu.vector_load %arg7[%swap3A_403, %swap3A_404, %swap3A_405] {strides = array<i32>} : memref<2x800x64xf32, #tpu.memory_space<vmem>>, vector<1x1x16xf32>,
        %swap3A_407 = vector.shape_cast %swap3A_406 : vector<1x1x16xf32> to vector<16xf32>
        %swap3A_408 = vector.shape_cast %add3A_401 : vector<16xf32> to vector<1x1x16xf32>
        tpu.vector_store %arg7[%swap3A_403, %swap3A_404, %swap3A_405], %swap3A_408 {strides = array<i32>} : memref<2x800x64xf32, #tpu.memory_space<vmem>>, vector<1x1x16xf32>,
        %add3A_409 = arith.constant 200 : i32
        %add3A_410 = arith.addi %add3A_409, %scan3A_388 : i32
        %get3A_411 = arith.constant 0 : i32
        %get3A_412 = arith.index_cast %get3A_411 : i32 to index
        %get3A_413 = arith.index_cast %add3A_410 : i32 to index
        %get3A_414 = arith.constant 0 : index
        %get3A_415 = tpu.vector_load %arg7[%get3A_412, %get3A_413, %get3A_414] {strides = array<i32>} : memref<2x800x64xf32, #tpu.memory_space<vmem>>, vector<1x1x16xf32>,
        %get3A_416 = vector.shape_cast %get3A_415 : vector<1x1x16xf32> to vector<16xf32>
        %add3A_417 = arith.addf %get3A_416, %get3A_392 : vector<16xf32>
        %swap3A_418 = arith.constant 0 : i32
        %swap3A_419 = arith.index_cast %swap3A_418 : i32 to index
        %swap3A_420 = arith.index_cast %add3A_410 : i32 to index
        %swap3A_421 = arith.constant 0 : index
        %swap3A_422 = tpu.vector_load %arg7[%swap3A_419, %swap3A_420, %swap3A_421] {strides = array<i32>} : memref<2x800x64xf32, #tpu.memory_space<vmem>>, vector<1x1x16xf32>,
        %swap3A_423 = vector.shape_cast %swap3A_422 : vector<1x1x16xf32> to vector<16xf32>
        %swap3A_424 = vector.shape_cast %add3A_417 : vector<16xf32> to vector<1x1x16xf32>
        tpu.vector_store %arg7[%swap3A_419, %swap3A_420, %swap3A_421], %swap3A_424 {strides = array<i32>} : memref<2x800x64xf32, #tpu.memory_space<vmem>>, vector<1x1x16xf32>,
        %add3A_425 = arith.constant 400 : i32
        %add3A_426 = arith.addi %add3A_425, %scan3A_388 : i32
        %get3A_427 = arith.constant 0 : i32
        %get3A_428 = arith.index_cast %get3A_427 : i32 to index
        %get3A_429 = arith.index_cast %add3A_426 : i32 to index
        %get3A_430 = arith.constant 0 : index
        %get3A_431 = tpu.vector_load %arg7[%get3A_428, %get3A_429, %get3A_430] {strides = array<i32>} : memref<2x800x64xf32, #tpu.memory_space<vmem>>, vector<1x1x16xf32>,
        %get3A_432 = vector.shape_cast %get3A_431 : vector<1x1x16xf32> to vector<16xf32>
        %add3A_433 = arith.addf %get3A_432, %get3A_392 : vector<16xf32>
        %swap3A_434 = arith.constant 0 : i32
        %swap3A_435 = arith.index_cast %swap3A_434 : i32 to index
        %swap3A_436 = arith.index_cast %add3A_426 : i32 to index
        %swap3A_437 = arith.constant 0 : index
        %swap3A_438 = tpu.vector_load %arg7[%swap3A_435, %swap3A_436, %swap3A_437] {strides = array<i32>} : memref<2x800x64xf32, #tpu.memory_space<vmem>>, vector<1x1x16xf32>,
        %swap3A_439 = vector.shape_cast %swap3A_438 : vector<1x1x16xf32> to vector<16xf32>
        %swap3A_440 = vector.shape_cast %add3A_433 : vector<16xf32> to vector<1x1x16xf32>
        tpu.vector_store %arg7[%swap3A_435, %swap3A_436, %swap3A_437], %swap3A_440 {strides = array<i32>} : memref<2x800x64xf32, #tpu.memory_space<vmem>>, vector<1x1x16xf32>,
        %add3A_441 = arith.constant 600 : i32
        %add3A_442 = arith.addi %add3A_441, %scan3A_388 : i32
        %get3A_443 = arith.constant 0 : i32
        %get3A_444 = arith.index_cast %get3A_443 : i32 to index
        %get3A_445 = arith.index_cast %add3A_442 : i32 to index
        %get3A_446 = arith.constant 0 : index
        %get3A_447 = tpu.vector_load %arg7[%get3A_444, %get3A_445, %get3A_446] {strides = array<i32>} : memref<2x800x64xf32, #tpu.memory_space<vmem>>, vector<1x1x16xf32>,
        %get3A_448 = vector.shape_cast %get3A_447 : vector<1x1x16xf32> to vector<16xf32>
        %add3A_449 = arith.addf %get3A_448, %get3A_392 : vector<16xf32>
        %swap3A_450 = arith.constant 0 : i32
        %swap3A_451 = arith.index_cast %swap3A_450 : i32 to index
        %swap3A_452 = arith.index_cast %add3A_442 : i32 to index
        %swap3A_453 = arith.constant 0 : index
        %swap3A_454 = tpu.vector_load %arg7[%swap3A_451, %swap3A_452, %swap3A_453] {strides = array<i32>} : memref<2x800x64xf32, #tpu.memory_space<vmem>>, vector<1x1x16xf32>,
        %swap3A_455 = vector.shape_cast %swap3A_454 : vector<1x1x16xf32> to vector<16xf32>
        %swap3A_456 = vector.shape_cast %add3A_449 : vector<16xf32> to vector<1x1x16xf32>
        tpu.vector_store %arg7[%swap3A_451, %swap3A_452, %swap3A_453], %swap3A_456 {strides = array<i32>} : memref<2x800x64xf32, #tpu.memory_space<vmem>>, vector<1x1x16xf32>,
      }
      %scan3A_178 = arith.constant 200 : i32
      %scan3A_179 = arith.constant 0 : i32
      %scan3A_180 = arith.constant 0 : i32
      %scan3A_181 = arith.constant 200 : i32
      %scan3A_182 = arith.addi %scan3A_180, %scan3A_181 : i32
      %scan3A_183 = arith.constant 2 : i32
      scf.for %scan3A_320 = %scan3A_180 to %scan3A_182 step %scan3A_183  : i32 {
        %get3A = arith.index_cast %scan3A_320 : i32 to index
        %get3A_321 = arith.constant 16 : index
        %get3A_322 = tpu.vector_load %arg8[%get3A, %get3A_321] {strides = array<i32>} : memref<200x64xf32, #tpu.memory_space<vmem>>, vector<1x16xf32>,
        %get3A_323 = vector.shape_cast %get3A_322 : vector<1x16xf32> to vector<16xf32>
        %add3A_324 = arith.constant 0 : i32
        %add3A_325 = arith.addi %add3A_324, %scan3A_320 : i32
        %get3A_326 = arith.constant 0 : i32
        %get3A_327 = arith.index_cast %get3A_326 : i32 to index
        %get3A_328 = arith.index_cast %add3A_325 : i32 to index
        %get3A_329 = arith.constant 16 : index
        %get3A_330 = tpu.vector_load %arg7[%get3A_327, %get3A_328, %get3A_329] {strides = array<i32>} : memref<2x800x64xf32, #tpu.memory_space<vmem>>, vector<1x1x16xf32>,
        %get3A_331 = vector.shape_cast %get3A_330 : vector<1x1x16xf32> to vector<16xf32>
        %add3A_332 = arith.addf %get3A_331, %get3A_323 : vector<16xf32>
        %swap3A = arith.constant 0 : i32
        %swap3A_333 = arith.index_cast %swap3A : i32 to index
        %swap3A_334 = arith.index_cast %add3A_325 : i32 to index
        %swap3A_335 = arith.constant 16 : index
        %swap3A_336 = tpu.vector_load %arg7[%swap3A_333, %swap3A_334, %swap3A_335] {strides = array<i32>} : memref<2x800x64xf32, #tpu.memory_space<vmem>>, vector<1x1x16xf32>,
        %swap3A_337 = vector.shape_cast %swap3A_336 : vector<1x1x16xf32> to vector<16xf32>
        %swap3A_338 = vector.shape_cast %add3A_332 : vector<16xf32> to vector<1x1x16xf32>
        tpu.vector_store %arg7[%swap3A_333, %swap3A_334, %swap3A_335], %swap3A_338 {strides = array<i32>} : memref<2x800x64xf32, #tpu.memory_space<vmem>>, vector<1x1x16xf32>,
        %add3A_339 = arith.constant 200 : i32
        %add3A_340 = arith.addi %add3A_339, %scan3A_320 : i32
        %get3A_341 = arith.constant 0 : i32
        %get3A_342 = arith.index_cast %get3A_341 : i32 to index
        %get3A_343 = arith.index_cast %add3A_340 : i32 to index
        %get3A_344 = arith.constant 16 : index
        %get3A_345 = tpu.vector_load %arg7[%get3A_342, %get3A_343, %get3A_344] {strides = array<i32>} : memref<2x800x64xf32, #tpu.memory_space<vmem>>, vector<1x1x16xf32>,
        %get3A_346 = vector.shape_cast %get3A_345 : vector<1x1x16xf32> to vector<16xf32>
        %add3A_347 = arith.addf %get3A_346, %get3A_323 : vector<16xf32>
        %swap3A_348 = arith.constant 0 : i32
        %swap3A_349 = arith.index_cast %swap3A_348 : i32 to index
        %swap3A_350 = arith.index_cast %add3A_340 : i32 to index
        %swap3A_351 = arith.constant 16 : index
        %swap3A_352 = tpu.vector_load %arg7[%swap3A_349, %swap3A_350, %swap3A_351] {strides = array<i32>} : memref<2x800x64xf32, #tpu.memory_space<vmem>>, vector<1x1x16xf32>,
        %swap3A_353 = vector.shape_cast %swap3A_352 : vector<1x1x16xf32> to vector<16xf32>
        %swap3A_354 = vector.shape_cast %add3A_347 : vector<16xf32> to vector<1x1x16xf32>
        tpu.vector_store %arg7[%swap3A_349, %swap3A_350, %swap3A_351], %swap3A_354 {strides = array<i32>} : memref<2x800x64xf32, #tpu.memory_space<vmem>>, vector<1x1x16xf32>,
        %add3A_355 = arith.constant 400 : i32
        %add3A_356 = arith.addi %add3A_355, %scan3A_320 : i32
        %get3A_357 = arith.constant 0 : i32
        %get3A_358 = arith.index_cast %get3A_357 : i32 to index
        %get3A_359 = arith.index_cast %add3A_356 : i32 to index
        %get3A_360 = arith.constant 16 : index
        %get3A_361 = tpu.vector_load %arg7[%get3A_358, %get3A_359, %get3A_360] {strides = array<i32>} : memref<2x800x64xf32, #tpu.memory_space<vmem>>, vector<1x1x16xf32>,
        %get3A_362 = vector.shape_cast %get3A_361 : vector<1x1x16xf32> to vector<16xf32>
        %add3A_363 = arith.addf %get3A_362, %get3A_323 : vector<16xf32>
        %swap3A_364 = arith.constant 0 : i32
        %swap3A_365 = arith.index_cast %swap3A_364 : i32 to index
        %swap3A_366 = arith.index_cast %add3A_356 : i32 to index
        %swap3A_367 = arith.constant 16 : index
        %swap3A_368 = tpu.vector_load %arg7[%swap3A_365, %swap3A_366, %swap3A_367] {strides = array<i32>} : memref<2x800x64xf32, #tpu.memory_space<vmem>>, vector<1x1x16xf32>,
        %swap3A_369 = vector.shape_cast %swap3A_368 : vector<1x1x16xf32> to vector<16xf32>
        %swap3A_370 = vector.shape_cast %add3A_363 : vector<16xf32> to vector<1x1x16xf32>
        tpu.vector_store %arg7[%swap3A_365, %swap3A_366, %swap3A_367], %swap3A_370 {strides = array<i32>} : memref<2x800x64xf32, #tpu.memory_space<vmem>>, vector<1x1x16xf32>,
        %add3A_371 = arith.constant 600 : i32
        %add3A_372 = arith.addi %add3A_371, %scan3A_320 : i32
        %get3A_373 = arith.constant 0 : i32
        %get3A_374 = arith.index_cast %get3A_373 : i32 to index
        %get3A_375 = arith.index_cast %add3A_372 : i32 to index
        %get3A_376 = arith.constant 16 : index
        %get3A_377 = tpu.vector_load %arg7[%get3A_374, %get3A_375, %get3A_376] {strides = array<i32>} : memref<2x800x64xf32, #tpu.memory_space<vmem>>, vector<1x1x16xf32>,
        %get3A_378 = vector.shape_cast %get3A_377 : vector<1x1x16xf32> to vector<16xf32>
        %add3A_379 = arith.addf %get3A_378, %get3A_323 : vector<16xf32>
        %swap3A_380 = arith.constant 0 : i32
        %swap3A_381 = arith.index_cast %swap3A_380 : i32 to index
        %swap3A_382 = arith.index_cast %add3A_372 : i32 to index
        %swap3A_383 = arith.constant 16 : index
        %swap3A_384 = tpu.vector_load %arg7[%swap3A_381, %swap3A_382, %swap3A_383] {strides = array<i32>} : memref<2x800x64xf32, #tpu.memory_space<vmem>>, vector<1x1x16xf32>,
        %swap3A_385 = vector.shape_cast %swap3A_384 : vector<1x1x16xf32> to vector<16xf32>
        %swap3A_386 = vector.shape_cast %add3A_379 : vector<16xf32> to vector<1x1x16xf32>
        tpu.vector_store %arg7[%swap3A_381, %swap3A_382, %swap3A_383], %swap3A_386 {strides = array<i32>} : memref<2x800x64xf32, #tpu.memory_space<vmem>>, vector<1x1x16xf32>,
        %scan3A_387 = arith.constant 1 : i32
        %scan3A_388 = arith.addi %scan3A_320, %scan3A_387 : i32
        %get3A_389 = arith.index_cast %scan3A_388 : i32 to index
        %get3A_390 = arith.constant 16 : index
        %get3A_391 = tpu.vector_load %arg8[%get3A_389, %get3A_390] {strides = array<i32>} : memref<200x64xf32, #tpu.memory_space<vmem>>, vector<1x16xf32>,
        %get3A_392 = vector.shape_cast %get3A_391 : vector<1x16xf32> to vector<16xf32>
        %add3A_393 = arith.constant 0 : i32
        %add3A_394 = arith.addi %add3A_393, %scan3A_388 : i32
        %get3A_395 = arith.constant 0 : i32
        %get3A_396 = arith.index_cast %get3A_395 : i32 to index
        %get3A_397 = arith.index_cast %add3A_394 : i32 to index
        %get3A_398 = arith.constant 16 : index
        %get3A_399 = tpu.vector_load %arg7[%get3A_396, %get3A_397, %get3A_398] {strides = array<i32>} : memref<2x800x64xf32, #tpu.memory_space<vmem>>, vector<1x1x16xf32>,
        %get3A_400 = vector.shape_cast %get3A_399 : vector<1x1x16xf32> to vector<16xf32>
        %add3A_401 = arith.addf %get3A_400, %get3A_392 : vector<16xf32>
        %swap3A_402 = arith.constant 0 : i32
        %swap3A_403 = arith.index_cast %swap3A_402 : i32 to index
        %swap3A_404 = arith.index_cast %add3A_394 : i32 to index
        %swap3A_405 = arith.constant 16 : index
        %swap3A_406 = tpu.vector_load %arg7[%swap3A_403, %swap3A_404, %swap3A_405] {strides = array<i32>} : memref<2x800x64xf32, #tpu.memory_space<vmem>>, vector<1x1x16xf32>,
        %swap3A_407 = vector.shape_cast %swap3A_406 : vector<1x1x16xf32> to vector<16xf32>
        %swap3A_408 = vector.shape_cast %add3A_401 : vector<16xf32> to vector<1x1x16xf32>
        tpu.vector_store %arg7[%swap3A_403, %swap3A_404, %swap3A_405], %swap3A_408 {strides = array<i32>} : memref<2x800x64xf32, #tpu.memory_space<vmem>>, vector<1x1x16xf32>,
        %add3A_409 = arith.constant 200 : i32
        %add3A_410 = arith.addi %add3A_409, %scan3A_388 : i32
        %get3A_411 = arith.constant 0 : i32
        %get3A_412 = arith.index_cast %get3A_411 : i32 to index
        %get3A_413 = arith.index_cast %add3A_410 : i32 to index
        %get3A_414 = arith.constant 16 : index
        %get3A_415 = tpu.vector_load %arg7[%get3A_412, %get3A_413, %get3A_414] {strides = array<i32>} : memref<2x800x64xf32, #tpu.memory_space<vmem>>, vector<1x1x16xf32>,
        %get3A_416 = vector.shape_cast %get3A_415 : vector<1x1x16xf32> to vector<16xf32>
        %add3A_417 = arith.addf %get3A_416, %get3A_392 : vector<16xf32>
        %swap3A_418 = arith.constant 0 : i32
        %swap3A_419 = arith.index_cast %swap3A_418 : i32 to index
        %swap3A_420 = arith.index_cast %add3A_410 : i32 to index
        %swap3A_421 = arith.constant 16 : index
        %swap3A_422 = tpu.vector_load %arg7[%swap3A_419, %swap3A_420, %swap3A_421] {strides = array<i32>} : memref<2x800x64xf32, #tpu.memory_space<vmem>>, vector<1x1x16xf32>,
        %swap3A_423 = vector.shape_cast %swap3A_422 : vector<1x1x16xf32> to vector<16xf32>
        %swap3A_424 = vector.shape_cast %add3A_417 : vector<16xf32> to vector<1x1x16xf32>
        tpu.vector_store %arg7[%swap3A_419, %swap3A_420, %swap3A_421], %swap3A_424 {strides = array<i32>} : memref<2x800x64xf32, #tpu.memory_space<vmem>>, vector<1x1x16xf32>,
        %add3A_425 = arith.constant 400 : i32
        %add3A_426 = arith.addi %add3A_425, %scan3A_388 : i32
        %get3A_427 = arith.constant 0 : i32
        %get3A_428 = arith.index_cast %get3A_427 : i32 to index
        %get3A_429 = arith.index_cast %add3A_426 : i32 to index
        %get3A_430 = arith.constant 16 : index
        %get3A_431 = tpu.vector_load %arg7[%get3A_428, %get3A_429, %get3A_430] {strides = array<i32>} : memref<2x800x64xf32, #tpu.memory_space<vmem>>, vector<1x1x16xf32>,
        %get3A_432 = vector.shape_cast %get3A_431 : vector<1x1x16xf32> to vector<16xf32>
        %add3A_433 = arith.addf %get3A_432, %get3A_392 : vector<16xf32>
        %swap3A_434 = arith.constant 0 : i32
        %swap3A_435 = arith.index_cast %swap3A_434 : i32 to index
        %swap3A_436 = arith.index_cast %add3A_426 : i32 to index
        %swap3A_437 = arith.constant 16 : index
        %swap3A_438 = tpu.vector_load %arg7[%swap3A_435, %swap3A_436, %swap3A_437] {strides = array<i32>} : memref<2x800x64xf32, #tpu.memory_space<vmem>>, vector<1x1x16xf32>,
        %swap3A_439 = vector.shape_cast %swap3A_438 : vector<1x1x16xf32> to vector<16xf32>
        %swap3A_440 = vector.shape_cast %add3A_433 : vector<16xf32> to vector<1x1x16xf32>
        tpu.vector_store %arg7[%swap3A_435, %swap3A_436, %swap3A_437], %swap3A_440 {strides = array<i32>} : memref<2x800x64xf32, #tpu.memory_space<vmem>>, vector<1x1x16xf32>,
        %add3A_441 = arith.constant 600 : i32
        %add3A_442 = arith.addi %add3A_441, %scan3A_388 : i32
        %get3A_443 = arith.constant 0 : i32
        %get3A_444 = arith.index_cast %get3A_443 : i32 to index
        %get3A_445 = arith.index_cast %add3A_442 : i32 to index
        %get3A_446 = arith.constant 16 : index
        %get3A_447 = tpu.vector_load %arg7[%get3A_444, %get3A_445, %get3A_446] {strides = array<i32>} : memref<2x800x64xf32, #tpu.memory_space<vmem>>, vector<1x1x16xf32>,
        %get3A_448 = vector.shape_cast %get3A_447 : vector<1x1x16xf32> to vector<16xf32>
        %add3A_449 = arith.addf %get3A_448, %get3A_392 : vector<16xf32>
        %swap3A_450 = arith.constant 0 : i32
        %swap3A_451 = arith.index_cast %swap3A_450 : i32 to index
        %swap3A_452 = arith.index_cast %add3A_442 : i32 to index
        %swap3A_453 = arith.constant 16 : index
        %swap3A_454 = tpu.vector_load %arg7[%swap3A_451, %swap3A_452, %swap3A_453] {strides = array<i32>} : memref<2x800x64xf32, #tpu.memory_space<vmem>>, vector<1x1x16xf32>,
        %swap3A_455 = vector.shape_cast %swap3A_454 : vector<1x1x16xf32> to vector<16xf32>
        %swap3A_456 = vector.shape_cast %add3A_449 : vector<16xf32> to vector<1x1x16xf32>
        tpu.vector_store %arg7[%swap3A_451, %swap3A_452, %swap3A_453], %swap3A_456 {strides = array<i32>} : memref<2x800x64xf32, #tpu.memory_space<vmem>>, vector<1x1x16xf32>,
      }
      %scan3A_184 = arith.constant 200 : i32
      %scan3A_185 = arith.constant 0 : i32
      %scan3A_186 = arith.constant 0 : i32
      %scan3A_187 = arith.constant 200 : i32
      %scan3A_188 = arith.addi %scan3A_186, %scan3A_187 : i32
      %scan3A_189 = arith.constant 2 : i32
      scf.for %scan3A_320 = %scan3A_186 to %scan3A_188 step %scan3A_189  : i32 {
        %get3A = arith.index_cast %scan3A_320 : i32 to index
        %get3A_321 = arith.constant 32 : index
        %get3A_322 = tpu.vector_load %arg8[%get3A, %get3A_321] {strides = array<i32>} : memref<200x64xf32, #tpu.memory_space<vmem>>, vector<1x16xf32>,
        %get3A_323 = vector.shape_cast %get3A_322 : vector<1x16xf32> to vector<16xf32>
        %add3A_324 = arith.constant 0 : i32
        %add3A_325 = arith.addi %add3A_324, %scan3A_320 : i32
        %get3A_326 = arith.constant 0 : i32
        %get3A_327 = arith.index_cast %get3A_326 : i32 to index
        %get3A_328 = arith.index_cast %add3A_325 : i32 to index
        %get3A_329 = arith.constant 32 : index
        %get3A_330 = tpu.vector_load %arg7[%get3A_327, %get3A_328, %get3A_329] {strides = array<i32>} : memref<2x800x64xf32, #tpu.memory_space<vmem>>, vector<1x1x16xf32>,
        %get3A_331 = vector.shape_cast %get3A_330 : vector<1x1x16xf32> to vector<16xf32>
        %add3A_332 = arith.addf %get3A_331, %get3A_323 : vector<16xf32>
        %swap3A = arith.constant 0 : i32
        %swap3A_333 = arith.index_cast %swap3A : i32 to index
        %swap3A_334 = arith.index_cast %add3A_325 : i32 to index
        %swap3A_335 = arith.constant 32 : index
        %swap3A_336 = tpu.vector_load %arg7[%swap3A_333, %swap3A_334, %swap3A_335] {strides = array<i32>} : memref<2x800x64xf32, #tpu.memory_space<vmem>>, vector<1x1x16xf32>,
        %swap3A_337 = vector.shape_cast %swap3A_336 : vector<1x1x16xf32> to vector<16xf32>
        %swap3A_338 = vector.shape_cast %add3A_332 : vector<16xf32> to vector<1x1x16xf32>
        tpu.vector_store %arg7[%swap3A_333, %swap3A_334, %swap3A_335], %swap3A_338 {strides = array<i32>} : memref<2x800x64xf32, #tpu.memory_space<vmem>>, vector<1x1x16xf32>,
        %add3A_339 = arith.constant 200 : i32
        %add3A_340 = arith.addi %add3A_339, %scan3A_320 : i32
        %get3A_341 = arith.constant 0 : i32
        %get3A_342 = arith.index_cast %get3A_341 : i32 to index
        %get3A_343 = arith.index_cast %add3A_340 : i32 to index
        %get3A_344 = arith.constant 32 : index
        %get3A_345 = tpu.vector_load %arg7[%get3A_342, %get3A_343, %get3A_344] {strides = array<i32>} : memref<2x800x64xf32, #tpu.memory_space<vmem>>, vector<1x1x16xf32>,
        %get3A_346 = vector.shape_cast %get3A_345 : vector<1x1x16xf32> to vector<16xf32>
        %add3A_347 = arith.addf %get3A_346, %get3A_323 : vector<16xf32>
        %swap3A_348 = arith.constant 0 : i32
        %swap3A_349 = arith.index_cast %swap3A_348 : i32 to index
        %swap3A_350 = arith.index_cast %add3A_340 : i32 to index
        %swap3A_351 = arith.constant 32 : index
        %swap3A_352 = tpu.vector_load %arg7[%swap3A_349, %swap3A_350, %swap3A_351] {strides = array<i32>} : memref<2x800x64xf32, #tpu.memory_space<vmem>>, vector<1x1x16xf32>,
        %swap3A_353 = vector.shape_cast %swap3A_352 : vector<1x1x16xf32> to vector<16xf32>
        %swap3A_354 = vector.shape_cast %add3A_347 : vector<16xf32> to vector<1x1x16xf32>
        tpu.vector_store %arg7[%swap3A_349, %swap3A_350, %swap3A_351], %swap3A_354 {strides = array<i32>} : memref<2x800x64xf32, #tpu.memory_space<vmem>>, vector<1x1x16xf32>,
        %add3A_355 = arith.constant 400 : i32
        %add3A_356 = arith.addi %add3A_355, %scan3A_320 : i32
        %get3A_357 = arith.constant 0 : i32
        %get3A_358 = arith.index_cast %get3A_357 : i32 to index
        %get3A_359 = arith.index_cast %add3A_356 : i32 to index
        %get3A_360 = arith.constant 32 : index
        %get3A_361 = tpu.vector_load %arg7[%get3A_358, %get3A_359, %get3A_360] {strides = array<i32>} : memref<2x800x64xf32, #tpu.memory_space<vmem>>, vector<1x1x16xf32>,
        %get3A_362 = vector.shape_cast %get3A_361 : vector<1x1x16xf32> to vector<16xf32>
        %add3A_363 = arith.addf %get3A_362, %get3A_323 : vector<16xf32>
        %swap3A_364 = arith.constant 0 : i32
        %swap3A_365 = arith.index_cast %swap3A_364 : i32 to index
        %swap3A_366 = arith.index_cast %add3A_356 : i32 to index
        %swap3A_367 = arith.constant 32 : index
        %swap3A_368 = tpu.vector_load %arg7[%swap3A_365, %swap3A_366, %swap3A_367] {strides = array<i32>} : memref<2x800x64xf32, #tpu.memory_space<vmem>>, vector<1x1x16xf32>,
        %swap3A_369 = vector.shape_cast %swap3A_368 : vector<1x1x16xf32> to vector<16xf32>
        %swap3A_370 = vector.shape_cast %add3A_363 : vector<16xf32> to vector<1x1x16xf32>
        tpu.vector_store %arg7[%swap3A_365, %swap3A_366, %swap3A_367], %swap3A_370 {strides = array<i32>} : memref<2x800x64xf32, #tpu.memory_space<vmem>>, vector<1x1x16xf32>,
        %add3A_371 = arith.constant 600 : i32
        %add3A_372 = arith.addi %add3A_371, %scan3A_320 : i32
        %get3A_373 = arith.constant 0 : i32
        %get3A_374 = arith.index_cast %get3A_373 : i32 to index
        %get3A_375 = arith.index_cast %add3A_372 : i32 to index
        %get3A_376 = arith.constant 32 : index
        %get3A_377 = tpu.vector_load %arg7[%get3A_374, %get3A_375, %get3A_376] {strides = array<i32>} : memref<2x800x64xf32, #tpu.memory_space<vmem>>, vector<1x1x16xf32>,
        %get3A_378 = vector.shape_cast %get3A_377 : vector<1x1x16xf32> to vector<16xf32>
        %add3A_379 = arith.addf %get3A_378, %get3A_323 : vector<16xf32>
        %swap3A_380 = arith.constant 0 : i32
        %swap3A_381 = arith.index_cast %swap3A_380 : i32 to index
        %swap3A_382 = arith.index_cast %add3A_372 : i32 to index
        %swap3A_383 = arith.constant 32 : index
        %swap3A_384 = tpu.vector_load %arg7[%swap3A_381, %swap3A_382, %swap3A_383] {strides = array<i32>} : memref<2x800x64xf32, #tpu.memory_space<vmem>>, vector<1x1x16xf32>,
        %swap3A_385 = vector.shape_cast %swap3A_384 : vector<1x1x16xf32> to vector<16xf32>
        %swap3A_386 = vector.shape_cast %add3A_379 : vector<16xf32> to vector<1x1x16xf32>
        tpu.vector_store %arg7[%swap3A_381, %swap3A_382, %swap3A_383], %swap3A_386 {strides = array<i32>} : memref<2x800x64xf32, #tpu.memory_space<vmem>>, vector<1x1x16xf32>,
        %scan3A_387 = arith.constant 1 : i32
        %scan3A_388 = arith.addi %scan3A_320, %scan3A_387 : i32
        %get3A_389 = arith.index_cast %scan3A_388 : i32 to index
        %get3A_390 = arith.constant 32 : index
        %get3A_391 = tpu.vector_load %arg8[%get3A_389, %get3A_390] {strides = array<i32>} : memref<200x64xf32, #tpu.memory_space<vmem>>, vector<1x16xf32>,
        %get3A_392 = vector.shape_cast %get3A_391 : vector<1x16xf32> to vector<16xf32>
        %add3A_393 = arith.constant 0 : i32
        %add3A_394 = arith.addi %add3A_393, %scan3A_388 : i32
        %get3A_395 = arith.constant 0 : i32
        %get3A_396 = arith.index_cast %get3A_395 : i32 to index
        %get3A_397 = arith.index_cast %add3A_394 : i32 to index
        %get3A_398 = arith.constant 32 : index
        %get3A_399 = tpu.vector_load %arg7[%get3A_396, %get3A_397, %get3A_398] {strides = array<i32>} : memref<2x800x64xf32, #tpu.memory_space<vmem>>, vector<1x1x16xf32>,
        %get3A_400 = vector.shape_cast %get3A_399 : vector<1x1x16xf32> to vector<16xf32>
        %add3A_401 = arith.addf %get3A_400, %get3A_392 : vector<16xf32>
        %swap3A_402 = arith.constant 0 : i32
        %swap3A_403 = arith.index_cast %swap3A_402 : i32 to index
        %swap3A_404 = arith.index_cast %add3A_394 : i32 to index
        %swap3A_405 = arith.constant 32 : index
        %swap3A_406 = tpu.vector_load %arg7[%swap3A_403, %swap3A_404, %swap3A_405] {strides = array<i32>} : memref<2x800x64xf32, #tpu.memory_space<vmem>>, vector<1x1x16xf32>,
        %swap3A_407 = vector.shape_cast %swap3A_406 : vector<1x1x16xf32> to vector<16xf32>
        %swap3A_408 = vector.shape_cast %add3A_401 : vector<16xf32> to vector<1x1x16xf32>
        tpu.vector_store %arg7[%swap3A_403, %swap3A_404, %swap3A_405], %swap3A_408 {strides = array<i32>} : memref<2x800x64xf32, #tpu.memory_space<vmem>>, vector<1x1x16xf32>,
        %add3A_409 = arith.constant 200 : i32
        %add3A_410 = arith.addi %add3A_409, %scan3A_388 : i32
        %get3A_411 = arith.constant 0 : i32
        %get3A_412 = arith.index_cast %get3A_411 : i32 to index
        %get3A_413 = arith.index_cast %add3A_410 : i32 to index
        %get3A_414 = arith.constant 32 : index
        %get3A_415 = tpu.vector_load %arg7[%get3A_412, %get3A_413, %get3A_414] {strides = array<i32>} : memref<2x800x64xf32, #tpu.memory_space<vmem>>, vector<1x1x16xf32>,
        %get3A_416 = vector.shape_cast %get3A_415 : vector<1x1x16xf32> to vector<16xf32>
        %add3A_417 = arith.addf %get3A_416, %get3A_392 : vector<16xf32>
        %swap3A_418 = arith.constant 0 : i32
        %swap3A_419 = arith.index_cast %swap3A_418 : i32 to index
        %swap3A_420 = arith.index_cast %add3A_410 : i32 to index
        %swap3A_421 = arith.constant 32 : index
        %swap3A_422 = tpu.vector_load %arg7[%swap3A_419, %swap3A_420, %swap3A_421] {strides = array<i32>} : memref<2x800x64xf32, #tpu.memory_space<vmem>>, vector<1x1x16xf32>,
        %swap3A_423 = vector.shape_cast %swap3A_422 : vector<1x1x16xf32> to vector<16xf32>
        %swap3A_424 = vector.shape_cast %add3A_417 : vector<16xf32> to vector<1x1x16xf32>
        tpu.vector_store %arg7[%swap3A_419, %swap3A_420, %swap3A_421], %swap3A_424 {strides = array<i32>} : memref<2x800x64xf32, #tpu.memory_space<vmem>>, vector<1x1x16xf32>,
        %add3A_425 = arith.constant 400 : i32
        %add3A_426 = arith.addi %add3A_425, %scan3A_388 : i32
        %get3A_427 = arith.constant 0 : i32
        %get3A_428 = arith.index_cast %get3A_427 : i32 to index
        %get3A_429 = arith.index_cast %add3A_426 : i32 to index
        %get3A_430 = arith.constant 32 : index
        %get3A_431 = tpu.vector_load %arg7[%get3A_428, %get3A_429, %get3A_430] {strides = array<i32>} : memref<2x800x64xf32, #tpu.memory_space<vmem>>, vector<1x1x16xf32>,
        %get3A_432 = vector.shape_cast %get3A_431 : vector<1x1x16xf32> to vector<16xf32>
        %add3A_433 = arith.addf %get3A_432, %get3A_392 : vector<16xf32>
        %swap3A_434 = arith.constant 0 : i32
        %swap3A_435 = arith.index_cast %swap3A_434 : i32 to index
        %swap3A_436 = arith.index_cast %add3A_426 : i32 to index
        %swap3A_437 = arith.constant 32 : index
        %swap3A_438 = tpu.vector_load %arg7[%swap3A_435, %swap3A_436, %swap3A_437] {strides = array<i32>} : memref<2x800x64xf32, #tpu.memory_space<vmem>>, vector<1x1x16xf32>,
        %swap3A_439 = vector.shape_cast %swap3A_438 : vector<1x1x16xf32> to vector<16xf32>
        %swap3A_440 = vector.shape_cast %add3A_433 : vector<16xf32> to vector<1x1x16xf32>
        tpu.vector_store %arg7[%swap3A_435, %swap3A_436, %swap3A_437], %swap3A_440 {strides = array<i32>} : memref<2x800x64xf32, #tpu.memory_space<vmem>>, vector<1x1x16xf32>,
        %add3A_441 = arith.constant 600 : i32
        %add3A_442 = arith.addi %add3A_441, %scan3A_388 : i32
        %get3A_443 = arith.constant 0 : i32
        %get3A_444 = arith.index_cast %get3A_443 : i32 to index
        %get3A_445 = arith.index_cast %add3A_442 : i32 to index
        %get3A_446 = arith.constant 32 : index
        %get3A_447 = tpu.vector_load %arg7[%get3A_444, %get3A_445, %get3A_446] {strides = array<i32>} : memref<2x800x64xf32, #tpu.memory_space<vmem>>, vector<1x1x16xf32>,
        %get3A_448 = vector.shape_cast %get3A_447 : vector<1x1x16xf32> to vector<16xf32>
        %add3A_449 = arith.addf %get3A_448, %get3A_392 : vector<16xf32>
        %swap3A_450 = arith.constant 0 : i32
        %swap3A_451 = arith.index_cast %swap3A_450 : i32 to index
        %swap3A_452 = arith.index_cast %add3A_442 : i32 to index
        %swap3A_453 = arith.constant 32 : index
        %swap3A_454 = tpu.vector_load %arg7[%swap3A_451, %swap3A_452, %swap3A_453] {strides = array<i32>} : memref<2x800x64xf32, #tpu.memory_space<vmem>>, vector<1x1x16xf32>,
        %swap3A_455 = vector.shape_cast %swap3A_454 : vector<1x1x16xf32> to vector<16xf32>
        %swap3A_456 = vector.shape_cast %add3A_449 : vector<16xf32> to vector<1x1x16xf32>
        tpu.vector_store %arg7[%swap3A_451, %swap3A_452, %swap3A_453], %swap3A_456 {strides = array<i32>} : memref<2x800x64xf32, #tpu.memory_space<vmem>>, vector<1x1x16xf32>,
      }
      %scan3A_190 = arith.constant 200 : i32
      %scan3A_191 = arith.constant 0 : i32
      %scan3A_192 = arith.constant 0 : i32
      %scan3A_193 = arith.constant 200 : i32
      %scan3A_194 = arith.addi %scan3A_192, %scan3A_193 : i32
      %scan3A_195 = arith.constant 2 : i32
      scf.for %scan3A_320 = %scan3A_192 to %scan3A_194 step %scan3A_195  : i32 {
        %get3A = arith.index_cast %scan3A_320 : i32 to index
        %get3A_321 = arith.constant 48 : index
        %get3A_322 = tpu.vector_load %arg8[%get3A, %get3A_321] {strides = array<i32>} : memref<200x64xf32, #tpu.memory_space<vmem>>, vector<1x16xf32>,
        %get3A_323 = vector.shape_cast %get3A_322 : vector<1x16xf32> to vector<16xf32>
        %add3A_324 = arith.constant 0 : i32
        %add3A_325 = arith.addi %add3A_324, %scan3A_320 : i32
        %get3A_326 = arith.constant 0 : i32
        %get3A_327 = arith.index_cast %get3A_326 : i32 to index
        %get3A_328 = arith.index_cast %add3A_325 : i32 to index
        %get3A_329 = arith.constant 48 : index
        %get3A_330 = tpu.vector_load %arg7[%get3A_327, %get3A_328, %get3A_329] {strides = array<i32>} : memref<2x800x64xf32, #tpu.memory_space<vmem>>, vector<1x1x16xf32>,
        %get3A_331 = vector.shape_cast %get3A_330 : vector<1x1x16xf32> to vector<16xf32>
        %add3A_332 = arith.addf %get3A_331, %get3A_323 : vector<16xf32>
        %swap3A = arith.constant 0 : i32
        %swap3A_333 = arith.index_cast %swap3A : i32 to index
        %swap3A_334 = arith.index_cast %add3A_325 : i32 to index
        %swap3A_335 = arith.constant 48 : index
        %swap3A_336 = tpu.vector_load %arg7[%swap3A_333, %swap3A_334, %swap3A_335] {strides = array<i32>} : memref<2x800x64xf32, #tpu.memory_space<vmem>>, vector<1x1x16xf32>,
        %swap3A_337 = vector.shape_cast %swap3A_336 : vector<1x1x16xf32> to vector<16xf32>
        %swap3A_338 = vector.shape_cast %add3A_332 : vector<16xf32> to vector<1x1x16xf32>
        tpu.vector_store %arg7[%swap3A_333, %swap3A_334, %swap3A_335], %swap3A_338 {strides = array<i32>} : memref<2x800x64xf32, #tpu.memory_space<vmem>>, vector<1x1x16xf32>,
        %add3A_339 = arith.constant 200 : i32
        %add3A_340 = arith.addi %add3A_339, %scan3A_320 : i32
        %get3A_341 = arith.constant 0 : i32
        %get3A_342 = arith.index_cast %get3A_341 : i32 to index
        %get3A_343 = arith.index_cast %add3A_340 : i32 to index
        %get3A_344 = arith.constant 48 : index
        %get3A_345 = tpu.vector_load %arg7[%get3A_342, %get3A_343, %get3A_344] {strides = array<i32>} : memref<2x800x64xf32, #tpu.memory_space<vmem>>, vector<1x1x16xf32>,
        %get3A_346 = vector.shape_cast %get3A_345 : vector<1x1x16xf32> to vector<16xf32>
        %add3A_347 = arith.addf %get3A_346, %get3A_323 : vector<16xf32>
        %swap3A_348 = arith.constant 0 : i32
        %swap3A_349 = arith.index_cast %swap3A_348 : i32 to index
        %swap3A_350 = arith.index_cast %add3A_340 : i32 to index
        %swap3A_351 = arith.constant 48 : index
        %swap3A_352 = tpu.vector_load %arg7[%swap3A_349, %swap3A_350, %swap3A_351] {strides = array<i32>} : memref<2x800x64xf32, #tpu.memory_space<vmem>>, vector<1x1x16xf32>,
        %swap3A_353 = vector.shape_cast %swap3A_352 : vector<1x1x16xf32> to vector<16xf32>
        %swap3A_354 = vector.shape_cast %add3A_347 : vector<16xf32> to vector<1x1x16xf32>
        tpu.vector_store %arg7[%swap3A_349, %swap3A_350, %swap3A_351], %swap3A_354 {strides = array<i32>} : memref<2x800x64xf32, #tpu.memory_space<vmem>>, vector<1x1x16xf32>,
        %add3A_355 = arith.constant 400 : i32
        %add3A_356 = arith.addi %add3A_355, %scan3A_320 : i32
        %get3A_357 = arith.constant 0 : i32
        %get3A_358 = arith.index_cast %get3A_357 : i32 to index
        %get3A_359 = arith.index_cast %add3A_356 : i32 to index
        %get3A_360 = arith.constant 48 : index
        %get3A_361 = tpu.vector_load %arg7[%get3A_358, %get3A_359, %get3A_360] {strides = array<i32>} : memref<2x800x64xf32, #tpu.memory_space<vmem>>, vector<1x1x16xf32>,
        %get3A_362 = vector.shape_cast %get3A_361 : vector<1x1x16xf32> to vector<16xf32>
        %add3A_363 = arith.addf %get3A_362, %get3A_323 : vector<16xf32>
        %swap3A_364 = arith.constant 0 : i32
        %swap3A_365 = arith.index_cast %swap3A_364 : i32 to index
        %swap3A_366 = arith.index_cast %add3A_356 : i32 to index
        %swap3A_367 = arith.constant 48 : index
        %swap3A_368 = tpu.vector_load %arg7[%swap3A_365, %swap3A_366, %swap3A_367] {strides = array<i32>} : memref<2x800x64xf32, #tpu.memory_space<vmem>>, vector<1x1x16xf32>,
        %swap3A_369 = vector.shape_cast %swap3A_368 : vector<1x1x16xf32> to vector<16xf32>
        %swap3A_370 = vector.shape_cast %add3A_363 : vector<16xf32> to vector<1x1x16xf32>
        tpu.vector_store %arg7[%swap3A_365, %swap3A_366, %swap3A_367], %swap3A_370 {strides = array<i32>} : memref<2x800x64xf32, #tpu.memory_space<vmem>>, vector<1x1x16xf32>,
        %add3A_371 = arith.constant 600 : i32
        %add3A_372 = arith.addi %add3A_371, %scan3A_320 : i32
        %get3A_373 = arith.constant 0 : i32
        %get3A_374 = arith.index_cast %get3A_373 : i32 to index
        %get3A_375 = arith.index_cast %add3A_372 : i32 to index
        %get3A_376 = arith.constant 48 : index
        %get3A_377 = tpu.vector_load %arg7[%get3A_374, %get3A_375, %get3A_376] {strides = array<i32>} : memref<2x800x64xf32, #tpu.memory_space<vmem>>, vector<1x1x16xf32>,
        %get3A_378 = vector.shape_cast %get3A_377 : vector<1x1x16xf32> to vector<16xf32>
        %add3A_379 = arith.addf %get3A_378, %get3A_323 : vector<16xf32>
        %swap3A_380 = arith.constant 0 : i32
        %swap3A_381 = arith.index_cast %swap3A_380 : i32 to index
        %swap3A_382 = arith.index_cast %add3A_372 : i32 to index
        %swap3A_383 = arith.constant 48 : index
        %swap3A_384 = tpu.vector_load %arg7[%swap3A_381, %swap3A_382, %swap3A_383] {strides = array<i32>} : memref<2x800x64xf32, #tpu.memory_space<vmem>>, vector<1x1x16xf32>,
        %swap3A_385 = vector.shape_cast %swap3A_384 : vector<1x1x16xf32> to vector<16xf32>
        %swap3A_386 = vector.shape_cast %add3A_379 : vector<16xf32> to vector<1x1x16xf32>
        tpu.vector_store %arg7[%swap3A_381, %swap3A_382, %swap3A_383], %swap3A_386 {strides = array<i32>} : memref<2x800x64xf32, #tpu.memory_space<vmem>>, vector<1x1x16xf32>,
        %scan3A_387 = arith.constant 1 : i32
        %scan3A_388 = arith.addi %scan3A_320, %scan3A_387 : i32
        %get3A_389 = arith.index_cast %scan3A_388 : i32 to index
        %get3A_390 = arith.constant 48 : index
        %get3A_391 = tpu.vector_load %arg8[%get3A_389, %get3A_390] {strides = array<i32>} : memref<200x64xf32, #tpu.memory_space<vmem>>, vector<1x16xf32>,
        %get3A_392 = vector.shape_cast %get3A_391 : vector<1x16xf32> to vector<16xf32>
        %add3A_393 = arith.constant 0 : i32
        %add3A_394 = arith.addi %add3A_393, %scan3A_388 : i32
        %get3A_395 = arith.constant 0 : i32
        %get3A_396 = arith.index_cast %get3A_395 : i32 to index
        %get3A_397 = arith.index_cast %add3A_394 : i32 to index
        %get3A_398 = arith.constant 48 : index
        %get3A_399 = tpu.vector_load %arg7[%get3A_396, %get3A_397, %get3A_398] {strides = array<i32>} : memref<2x800x64xf32, #tpu.memory_space<vmem>>, vector<1x1x16xf32>,
        %get3A_400 = vector.shape_cast %get3A_399 : vector<1x1x16xf32> to vector<16xf32>
        %add3A_401 = arith.addf %get3A_400, %get3A_392 : vector<16xf32>
        %swap3A_402 = arith.constant 0 : i32
        %swap3A_403 = arith.index_cast %swap3A_402 : i32 to index
        %swap3A_404 = arith.index_cast %add3A_394 : i32 to index
        %swap3A_405 = arith.constant 48 : index
        %swap3A_406 = tpu.vector_load %arg7[%swap3A_403, %swap3A_404, %swap3A_405] {strides = array<i32>} : memref<2x800x64xf32, #tpu.memory_space<vmem>>, vector<1x1x16xf32>,
        %swap3A_407 = vector.shape_cast %swap3A_406 : vector<1x1x16xf32> to vector<16xf32>
        %swap3A_408 = vector.shape_cast %add3A_401 : vector<16xf32> to vector<1x1x16xf32>
        tpu.vector_store %arg7[%swap3A_403, %swap3A_404, %swap3A_405], %swap3A_408 {strides = array<i32>} : memref<2x800x64xf32, #tpu.memory_space<vmem>>, vector<1x1x16xf32>,
        %add3A_409 = arith.constant 200 : i32
        %add3A_410 = arith.addi %add3A_409, %scan3A_388 : i32
        %get3A_411 = arith.constant 0 : i32
        %get3A_412 = arith.index_cast %get3A_411 : i32 to index
        %get3A_413 = arith.index_cast %add3A_410 : i32 to index
        %get3A_414 = arith.constant 48 : index
        %get3A_415 = tpu.vector_load %arg7[%get3A_412, %get3A_413, %get3A_414] {strides = array<i32>} : memref<2x800x64xf32, #tpu.memory_space<vmem>>, vector<1x1x16xf32>,
        %get3A_416 = vector.shape_cast %get3A_415 : vector<1x1x16xf32> to vector<16xf32>
        %add3A_417 = arith.addf %get3A_416, %get3A_392 : vector<16xf32>
        %swap3A_418 = arith.constant 0 : i32
        %swap3A_419 = arith.index_cast %swap3A_418 : i32 to index
        %swap3A_420 = arith.index_cast %add3A_410 : i32 to index
        %swap3A_421 = arith.constant 48 : index
        %swap3A_422 = tpu.vector_load %arg7[%swap3A_419, %swap3A_420, %swap3A_421] {strides = array<i32>} : memref<2x800x64xf32, #tpu.memory_space<vmem>>, vector<1x1x16xf32>,
        %swap3A_423 = vector.shape_cast %swap3A_422 : vector<1x1x16xf32> to vector<16xf32>
        %swap3A_424 = vector.shape_cast %add3A_417 : vector<16xf32> to vector<1x1x16xf32>
        tpu.vector_store %arg7[%swap3A_419, %swap3A_420, %swap3A_421], %swap3A_424 {strides = array<i32>} : memref<2x800x64xf32, #tpu.memory_space<vmem>>, vector<1x1x16xf32>,
        %add3A_425 = arith.constant 400 : i32
        %add3A_426 = arith.addi %add3A_425, %scan3A_388 : i32
        %get3A_427 = arith.constant 0 : i32
        %get3A_428 = arith.index_cast %get3A_427 : i32 to index
        %get3A_429 = arith.index_cast %add3A_426 : i32 to index
        %get3A_430 = arith.constant 48 : index
        %get3A_431 = tpu.vector_load %arg7[%get3A_428, %get3A_429, %get3A_430] {strides = array<i32>} : memref<2x800x64xf32, #tpu.memory_space<vmem>>, vector<1x1x16xf32>,
        %get3A_432 = vector.shape_cast %get3A_431 : vector<1x1x16xf32> to vector<16xf32>
        %add3A_433 = arith.addf %get3A_432, %get3A_392 : vector<16xf32>
        %swap3A_434 = arith.constant 0 : i32
        %swap3A_435 = arith.index_cast %swap3A_434 : i32 to index
        %swap3A_436 = arith.index_cast %add3A_426 : i32 to index
        %swap3A_437 = arith.constant 48 : index
        %swap3A_438 = tpu.vector_load %arg7[%swap3A_435, %swap3A_436, %swap3A_437] {strides = array<i32>} : memref<2x800x64xf32, #tpu.memory_space<vmem>>, vector<1x1x16xf32>,
        %swap3A_439 = vector.shape_cast %swap3A_438 : vector<1x1x16xf32> to vector<16xf32>
        %swap3A_440 = vector.shape_cast %add3A_433 : vector<16xf32> to vector<1x1x16xf32>
        tpu.vector_store %arg7[%swap3A_435, %swap3A_436, %swap3A_437], %swap3A_440 {strides = array<i32>} : memref<2x800x64xf32, #tpu.memory_space<vmem>>, vector<1x1x16xf32>,
        %add3A_441 = arith.constant 600 : i32
        %add3A_442 = arith.addi %add3A_441, %scan3A_388 : i32
        %get3A_443 = arith.constant 0 : i32
        %get3A_444 = arith.index_cast %get3A_443 : i32 to index
        %get3A_445 = arith.index_cast %add3A_442 : i32 to index
        %get3A_446 = arith.constant 48 : index
        %get3A_447 = tpu.vector_load %arg7[%get3A_444, %get3A_445, %get3A_446] {strides = array<i32>} : memref<2x800x64xf32, #tpu.memory_space<vmem>>, vector<1x1x16xf32>,
        %get3A_448 = vector.shape_cast %get3A_447 : vector<1x1x16xf32> to vector<16xf32>
        %add3A_449 = arith.addf %get3A_448, %get3A_392 : vector<16xf32>
        %swap3A_450 = arith.constant 0 : i32
        %swap3A_451 = arith.index_cast %swap3A_450 : i32 to index
        %swap3A_452 = arith.index_cast %add3A_442 : i32 to index
        %swap3A_453 = arith.constant 48 : index
        %swap3A_454 = tpu.vector_load %arg7[%swap3A_451, %swap3A_452, %swap3A_453] {strides = array<i32>} : memref<2x800x64xf32, #tpu.memory_space<vmem>>, vector<1x1x16xf32>,
        %swap3A_455 = vector.shape_cast %swap3A_454 : vector<1x1x16xf32> to vector<16xf32>
        %swap3A_456 = vector.shape_cast %add3A_449 : vector<16xf32> to vector<1x1x16xf32>
        tpu.vector_store %arg7[%swap3A_451, %swap3A_452, %swap3A_453], %swap3A_456 {strides = array<i32>} : memref<2x800x64xf32, #tpu.memory_space<vmem>>, vector<1x1x16xf32>,
      }
      %scan3A_196 = arith.constant 200 : i32
      %gt3A = arith.constant 0 : i32
      %gt3A_197 = arith.cmpi sgt, %mul3A_147, %gt3A : i32
      %convert_element_type3A = arith.extui %gt3A_197 : i1 to i32
      %cond3A = arith.constant 0 : i32
      %cond3A_198 = arith.cmpi ne, %convert_element_type3A, %cond3A : i32
      scf.if %cond3A_198 {
        %sub3A = arith.constant 1 : i32
        %sub3A_320 = arith.subi %mul3A_147, %sub3A : i32
        %mul3A_321 = arith.constant 4 : i32
        %mul3A_322 = arith.muli %sub3A_320, %mul3A_321 : i32
        %add3A_323 = arith.addi %mul3A_2, %mul3A_322 : i32
        %mul3A_324 = arith.constant 200 : i32
        %mul3A_325 = arith.muli %add3A_323, %mul3A_324 : i32
        %multiple_of3A_326 = tpu.assume_multiple %mul3A_325, 800 : i32
        %sub3A_327 = arith.constant 1 : i32
        %sub3A_328 = arith.subi %mul3A_147, %sub3A_327 : i32
        %mul3A_329 = arith.constant 4 : i32
        %mul3A_330 = arith.muli %sub3A_328, %mul3A_329 : i32
        %add3A_331 = arith.addi %mul3A_2, %mul3A_330 : i32
        %mul3A_332 = arith.constant 200 : i32
        %mul3A_333 = arith.muli %add3A_331, %mul3A_332 : i32
        %multiple_of3A_334 = tpu.assume_multiple %mul3A_333, 800 : i32
        %dma_wait3A_335 = arith.constant 1 : i32
        %dma_wait3A_336 = arith.constant 0 : i32
        %dma_wait3A_337 = arith.constant 0 : i32
        %dma_wait3A_338 = tpu.memref_slice %arg7[%dma_wait3A_335, %dma_wait3A_336, %dma_wait3A_337] : memref<2x800x64xf32, #tpu.memory_space<vmem>> -> memref<1x800x64xf32, #tpu.memory_space<vmem>>
        %dma_wait3A_339 = tpu.memref_squeeze %dma_wait3A_338 : memref<1x800x64xf32, #tpu.memory_space<vmem>> -> memref<800x64xf32, #tpu.memory_space<vmem>>
        %dma_wait3A_340 = arith.constant 0 : i32
        %dma_wait3A_341 = tpu.memref_slice %arg5[%multiple_of3A_326, %dma_wait3A_340] : memref<819200x128xf32, #tpu.memory_space<hbm>> -> memref<800x64xf32, #tpu.memory_space<hbm>>
        %dma_wait3A_342 = arith.constant 0 : i32
        %dma_wait3A_343 = tpu.memref_slice %arg5[%multiple_of3A_326, %dma_wait3A_342] : memref<819200x128xf32, #tpu.memory_space<hbm>> -> memref<800x64xf32, #tpu.memory_space<hbm>>
        %dma_wait3A_344 = arith.constant 0 : i32
        %dma_wait3A_345 = arith.constant 0 : i32
        %dma_wait3A_346 = tpu.memref_slice %arg7[%dma_wait3A_335, %dma_wait3A_344, %dma_wait3A_345] : memref<2x800x64xf32, #tpu.memory_space<vmem>> -> memref<1x800x64xf32, #tpu.memory_space<vmem>>
        %dma_wait3A_347 = tpu.memref_squeeze %dma_wait3A_346 : memref<1x800x64xf32, #tpu.memory_space<vmem>> -> memref<800x64xf32, #tpu.memory_space<vmem>>
        tpu.wait_dma2 semaphore(%arg12 : memref<!tpu.dma_semaphore, #tpu.memory_space<semaphore_mem>>) src(%dma_wait3A_347 : memref<800x64xf32, #tpu.memory_space<vmem>>) dst(%dma_wait3A_343 : memref<800x64xf32, #tpu.memory_space<hbm>>)
      } else {
      }
      %mul3A_199 = arith.constant 4 : i32
      %mul3A_200 = arith.muli %mul3A_147, %mul3A_199 : i32
      %add3A_201 = arith.addi %mul3A_2, %mul3A_200 : i32
      %mul3A_202 = arith.constant 200 : i32
      %mul3A_203 = arith.muli %add3A_201, %mul3A_202 : i32
      %multiple_of3A_204 = tpu.assume_multiple %mul3A_203, 800 : i32
      %mul3A_205 = arith.constant 4 : i32
      %mul3A_206 = arith.muli %mul3A_147, %mul3A_205 : i32
      %add3A_207 = arith.addi %mul3A_2, %mul3A_206 : i32
      %mul3A_208 = arith.constant 200 : i32
      %mul3A_209 = arith.muli %add3A_207, %mul3A_208 : i32
      %multiple_of3A_210 = tpu.assume_multiple %mul3A_209, 800 : i32
      %dma_start3A_211 = arith.constant 0 : i32
      %dma_start3A_212 = arith.constant 0 : i32
      %dma_start3A_213 = arith.constant 0 : i32
      %dma_start3A_214 = tpu.memref_slice %arg7[%dma_start3A_211, %dma_start3A_212, %dma_start3A_213] : memref<2x800x64xf32, #tpu.memory_space<vmem>> -> memref<1x800x64xf32, #tpu.memory_space<vmem>>
      %dma_start3A_215 = tpu.memref_squeeze %dma_start3A_214 : memref<1x800x64xf32, #tpu.memory_space<vmem>> -> memref<800x64xf32, #tpu.memory_space<vmem>>
      %dma_start3A_216 = arith.constant 0 : i32
      %dma_start3A_217 = tpu.memref_slice %arg5[%multiple_of3A_204, %dma_start3A_216] : memref<819200x128xf32, #tpu.memory_space<hbm>> -> memref<800x64xf32, #tpu.memory_space<hbm>>
      %dma_start3A_218 = arith.constant 0 : i32
      %dma_start3A_219 = tpu.memref_slice %arg5[%multiple_of3A_204, %dma_start3A_218] : memref<819200x128xf32, #tpu.memory_space<hbm>> -> memref<800x64xf32, #tpu.memory_space<hbm>>
      %dma_start3A_220 = arith.constant 0 : i32
      %dma_start3A_221 = arith.constant 0 : i32
      %dma_start3A_222 = tpu.memref_slice %arg7[%dma_start3A_211, %dma_start3A_220, %dma_start3A_221] : memref<2x800x64xf32, #tpu.memory_space<vmem>> -> memref<1x800x64xf32, #tpu.memory_space<vmem>>
      %dma_start3A_223 = tpu.memref_squeeze %dma_start3A_222 : memref<1x800x64xf32, #tpu.memory_space<vmem>> -> memref<800x64xf32, #tpu.memory_space<vmem>>
      tpu.enqueue_dma source(%dma_start3A_223 : memref<800x64xf32, #tpu.memory_space<vmem>>) target(%dma_start3A_219 : memref<800x64xf32, #tpu.memory_space<hbm>>) target_semaphore(%arg11 : memref<!tpu.dma_semaphore, #tpu.memory_space<semaphore_mem>>)
      %add3A_224 = arith.constant 1 : i32
      %add3A_225 = arith.addi %mul3A_147, %add3A_224 : i32
      %lt3A = arith.constant 32 : i32
      %lt3A_226 = arith.cmpi slt, %add3A_225, %lt3A : i32
      %convert_element_type3A_227 = arith.extui %lt3A_226 : i1 to i32
      %cond3A_228 = arith.constant 0 : i32
      %cond3A_229 = arith.cmpi ne, %convert_element_type3A_227, %cond3A_228 : i32
      scf.if %cond3A_229 {
        %add3A_320 = arith.constant 1 : i32
        %add3A_321 = arith.addi %mul3A_147, %add3A_320 : i32
        %rem3A_322 = arith.constant 2 : i32
        %rem3A_323 = arith.remsi %add3A_321, %rem3A_322 : i32
        %eq3A = arith.constant 0 : i32
        %eq3A_324 = arith.cmpi eq, %rem3A_323, %eq3A : i32
        %convert_element_type3A_325 = arith.extui %eq3A_324 : i1 to i32
        %cond3A_326 = arith.constant 0 : i32
        %cond3A_327 = arith.cmpi ne, %convert_element_type3A_325, %cond3A_326 : i32
        scf.if %cond3A_327 {
          %add3A_457 = arith.constant 1 : i32
          %add3A_458 = arith.addi %mul3A_147, %add3A_457 : i32
          %jit3A_459 = arith.constant 2 : i32
          %div3A_460 = arith.divsi %add3A_458, %jit3A_459 : i32
          %sign3A_461 = arith.constant 0 : i32
          %sign3A_462 = arith.cmpi sgt, %add3A_458, %sign3A_461 : i32
          %sign3A_463 = arith.extui %sign3A_462 : i1 to i32
          %sign3A_464 = arith.constant 0 : i32
          %sign3A_465 = arith.cmpi slt, %add3A_458, %sign3A_464 : i32
          %sign3A_466 = arith.extui %sign3A_465 : i1 to i32
          %sign3A_467 = arith.subi %sign3A_463, %sign3A_466 : i32
          %sign3A_468 = arith.constant 0 : i32
          %sign3A_469 = arith.cmpi sgt, %jit3A_459, %sign3A_468 : i32
          %sign3A_470 = arith.extui %sign3A_469 : i1 to i32
          %sign3A_471 = arith.constant 0 : i32
          %sign3A_472 = arith.cmpi slt, %jit3A_459, %sign3A_471 : i32
          %sign3A_473 = arith.extui %sign3A_472 : i1 to i32
          %sign3A_474 = arith.subi %sign3A_470, %sign3A_473 : i32
          %ne3A_475 = arith.cmpi ne, %sign3A_467, %sign3A_474 : i32
          %rem3A_476 = arith.remsi %add3A_458, %jit3A_459 : i32
          %ne3A_477 = arith.constant 0 : i32
          %ne3A_478 = arith.cmpi ne, %rem3A_476, %ne3A_477 : i32
          %and3A_479 = arith.andi %ne3A_475, %ne3A_478 : i1
          %sub3A_480 = arith.constant 1 : i32
          %sub3A_481 = arith.subi %div3A_460, %sub3A_480 : i32
          %select_n3A_482 = arith.select %and3A_479, %sub3A_481, %div3A_460 : i32
          %mul3A_483 = arith.constant 8 : i32
          %mul3A_484 = arith.muli %select_n3A_482, %mul3A_483 : i32
          %add3A_485 = arith.addi %mul3A_2, %mul3A_484 : i32
          %multiple_of3A_486 = tpu.assume_multiple %add3A_485, 8 : i32
          %rem3A_487 = arith.constant 2 : i32
          %rem3A_488 = arith.remsi %select_n3A_482, %rem3A_487 : i32
          "tpu.region"() ({
            %run_scoped3A = tpu.sem_alloc : memref<!tpu.dma_semaphore, #tpu.memory_space<semaphore_mem>>
            %dma_start3A_489 = arith.constant 0 : i32
            %dma_start3A_490 = arith.constant 0 : i32
            %dma_start3A_491 = tpu.memref_slice %arg6[%rem3A_488, %dma_start3A_489, %dma_start3A_490] : memref<2x8x200xi32, #tpu.memory_space<vmem>> -> memref<1x8x200xi32, #tpu.memory_space<vmem>>
            %dma_start3A_492 = tpu.memref_squeeze %dma_start3A_491 : memref<1x8x200xi32, #tpu.memory_space<vmem>> -> memref<8x200xi32, #tpu.memory_space<vmem>>
            %dma_start3A_493 = arith.constant 0 : i32
            %dma_start3A_494 = tpu.memref_slice %arg2[%multiple_of3A_486, %dma_start3A_493] : memref<4096x200xi32, #tpu.memory_space<hbm>> -> memref<8x200xi32, #tpu.memory_space<hbm>>
            %dma_start3A_495 = arith.constant 0 : i32
            %dma_start3A_496 = arith.constant 0 : i32
            %dma_start3A_497 = tpu.memref_slice %arg6[%rem3A_488, %dma_start3A_495, %dma_start3A_496] : memref<2x8x200xi32, #tpu.memory_space<vmem>> -> memref<1x8x200xi32, #tpu.memory_space<vmem>>
            %dma_start3A_498 = tpu.memref_squeeze %dma_start3A_497 : memref<1x8x200xi32, #tpu.memory_space<vmem>> -> memref<8x200xi32, #tpu.memory_space<vmem>>
            %dma_start3A_499 = arith.constant 0 : i32
            %dma_start3A_500 = tpu.memref_slice %arg2[%multiple_of3A_486, %dma_start3A_499] : memref<4096x200xi32, #tpu.memory_space<hbm>> -> memref<8x200xi32, #tpu.memory_space<hbm>>
            tpu.enqueue_dma source(%dma_start3A_500 : memref<8x200xi32, #tpu.memory_space<hbm>>) target(%dma_start3A_498 : memref<8x200xi32, #tpu.memory_space<vmem>>) target_semaphore(%run_scoped3A : memref<!tpu.dma_semaphore, #tpu.memory_space<semaphore_mem>>)
            %dma_wait3A_501 = arith.constant 0 : i32
            %dma_wait3A_502 = arith.constant 0 : i32
            %dma_wait3A_503 = tpu.memref_slice %arg6[%rem3A_488, %dma_wait3A_501, %dma_wait3A_502] : memref<2x8x200xi32, #tpu.memory_space<vmem>> -> memref<1x8x200xi32, #tpu.memory_space<vmem>>
            %dma_wait3A_504 = tpu.memref_squeeze %dma_wait3A_503 : memref<1x8x200xi32, #tpu.memory_space<vmem>> -> memref<8x200xi32, #tpu.memory_space<vmem>>
            %dma_wait3A_505 = arith.constant 0 : i32
            %dma_wait3A_506 = tpu.memref_slice %arg2[%multiple_of3A_486, %dma_wait3A_505] : memref<4096x200xi32, #tpu.memory_space<hbm>> -> memref<8x200xi32, #tpu.memory_space<hbm>>
            %dma_wait3A_507 = arith.constant 0 : i32
            %dma_wait3A_508 = arith.constant 0 : i32
            %dma_wait3A_509 = tpu.memref_slice %arg6[%rem3A_488, %dma_wait3A_507, %dma_wait3A_508] : memref<2x8x200xi32, #tpu.memory_space<vmem>> -> memref<1x8x200xi32, #tpu.memory_space<vmem>>
            %dma_wait3A_510 = tpu.memref_squeeze %dma_wait3A_509 : memref<1x8x200xi32, #tpu.memory_space<vmem>> -> memref<8x200xi32, #tpu.memory_space<vmem>>
            %dma_wait3A_511 = arith.constant 0 : i32
            %dma_wait3A_512 = tpu.memref_slice %arg2[%multiple_of3A_486, %dma_wait3A_511] : memref<4096x200xi32, #tpu.memory_space<hbm>> -> memref<8x200xi32, #tpu.memory_space<hbm>>
            tpu.wait_dma2 semaphore(%run_scoped3A : memref<!tpu.dma_semaphore, #tpu.memory_space<semaphore_mem>>) src(%dma_wait3A_512 : memref<8x200xi32, #tpu.memory_space<hbm>>) dst(%dma_wait3A_510 : memref<8x200xi32, #tpu.memory_space<vmem>>)
            tpu.yield
          }) : () -> ()
        } else {
        }
        %add3A_328 = arith.constant 1 : i32
        %add3A_329 = arith.addi %mul3A_147, %add3A_328 : i32
        %jit3A = arith.constant 2 : i32
        %div3A = arith.divsi %add3A_329, %jit3A : i32
        %sign3A = arith.constant 0 : i32
        %sign3A_330 = arith.cmpi sgt, %add3A_329, %sign3A : i32
        %sign3A_331 = arith.extui %sign3A_330 : i1 to i32
        %sign3A_332 = arith.constant 0 : i32
        %sign3A_333 = arith.cmpi slt, %add3A_329, %sign3A_332 : i32
        %sign3A_334 = arith.extui %sign3A_333 : i1 to i32
        %sign3A_335 = arith.subi %sign3A_331, %sign3A_334 : i32
        %sign3A_336 = arith.constant 0 : i32
        %sign3A_337 = arith.cmpi sgt, %jit3A, %sign3A_336 : i32
        %sign3A_338 = arith.extui %sign3A_337 : i1 to i32
        %sign3A_339 = arith.constant 0 : i32
        %sign3A_340 = arith.cmpi slt, %jit3A, %sign3A_339 : i32
        %sign3A_341 = arith.extui %sign3A_340 : i1 to i32
        %sign3A_342 = arith.subi %sign3A_338, %sign3A_341 : i32
        %ne3A = arith.cmpi ne, %sign3A_335, %sign3A_342 : i32
        %rem3A_343 = arith.remsi %add3A_329, %jit3A : i32
        %ne3A_344 = arith.constant 0 : i32
        %ne3A_345 = arith.cmpi ne, %rem3A_343, %ne3A_344 : i32
        %and3A = arith.andi %ne3A, %ne3A_345 : i1
        %sub3A = arith.constant 1 : i32
        %sub3A_346 = arith.subi %div3A, %sub3A : i32
        %select_n3A = arith.select %and3A, %sub3A_346, %div3A : i32
        %rem3A_347 = arith.constant 2 : i32
        %rem3A_348 = arith.remsi %select_n3A, %rem3A_347 : i32
        %rem3A_349 = arith.constant 2 : i32
        %rem3A_350 = arith.remsi %add3A_329, %rem3A_349 : i32
        %mul3A_351 = arith.constant 4 : i32
        %mul3A_352 = arith.muli %rem3A_350, %mul3A_351 : i32
        %add3A_353 = arith.constant 0 : i32
        %add3A_354 = arith.addi %mul3A_352, %add3A_353 : i32
        %dma_start3A_355 = arith.constant 1 : i32
        %dma_start3A_356 = arith.constant 0 : i32
        %dma_start3A_357 = arith.constant 0 : i32
        %dma_start3A_358 = tpu.memref_slice %arg7[%dma_start3A_355, %dma_start3A_356, %dma_start3A_357] : memref<2x800x64xf32, #tpu.memory_space<vmem>> -> memref<1x104x64xf32, #tpu.memory_space<vmem>>
        %dma_start3A_359 = tpu.memref_squeeze %dma_start3A_358 : memref<1x104x64xf32, #tpu.memory_space<vmem>> -> memref<104x64xf32, #tpu.memory_space<vmem>>
        %dma_start3A_360 = arith.constant 0 : i32
        %dma_start3A_361 = tpu.memref_slice %arg6[%rem3A_348, %add3A_354, %dma_start3A_360] : memref<2x8x200xi32, #tpu.memory_space<vmem>> -> memref<1x1x104xi32, #tpu.memory_space<vmem>>
        %dma_start3A_362 = tpu.memref_squeeze %dma_start3A_361 : memref<1x1x104xi32, #tpu.memory_space<vmem>> -> memref<104xi32, #tpu.memory_space<vmem>>
        %dma_start3A_363 = arith.constant 0 : i32
        %dma_start3A_364 = arith.constant 0 : i32
        %dma_start3A_365 = tpu.memref_slice %arg3[%dma_start3A_363, %dma_start3A_364] : memref<1000000x64xf32, #tpu.memory_space<hbm>> -> memref<1000000x64xf32, #tpu.memory_space<hbm>>
        tpu.enqueue_indirect_dma source(%dma_start3A_365 : memref<1000000x64xf32, #tpu.memory_space<hbm>>) target(%dma_start3A_359 : memref<104x64xf32, #tpu.memory_space<vmem>>) offsets(%dma_start3A_362 : memref<104xi32, #tpu.memory_space<vmem>>) semaphore(%arg10 : memref<!tpu.dma_semaphore, #tpu.memory_space<semaphore_mem>>)
        %add3A_366 = arith.constant 0 : i32
        %add3A_367 = arith.addi %mul3A_352, %add3A_366 : i32
        %dma_start3A_368 = arith.constant 1 : i32
        %dma_start3A_369 = arith.constant 104 : i32
        %dma_start3A_370 = arith.constant 0 : i32
        %dma_start3A_371 = tpu.memref_slice %arg7[%dma_start3A_368, %dma_start3A_369, %dma_start3A_370] : memref<2x800x64xf32, #tpu.memory_space<vmem>> -> memref<1x96x64xf32, #tpu.memory_space<vmem>>
        %dma_start3A_372 = tpu.memref_squeeze %dma_start3A_371 : memref<1x96x64xf32, #tpu.memory_space<vmem>> -> memref<96x64xf32, #tpu.memory_space<vmem>>
        %dma_start3A_373 = arith.constant 104 : i32
        %dma_start3A_374 = tpu.memref_slice %arg6[%rem3A_348, %add3A_367, %dma_start3A_373] : memref<2x8x200xi32, #tpu.memory_space<vmem>> -> memref<1x1x96xi32, #tpu.memory_space<vmem>>
        %dma_start3A_375 = tpu.memref_squeeze %dma_start3A_374 : memref<1x1x96xi32, #tpu.memory_space<vmem>> -> memref<96xi32, #tpu.memory_space<vmem>>
        %dma_start3A_376 = arith.constant 0 : i32
        %dma_start3A_377 = arith.constant 0 : i32
        %dma_start3A_378 = tpu.memref_slice %arg3[%dma_start3A_376, %dma_start3A_377] : memref<1000000x64xf32, #tpu.memory_space<hbm>> -> memref<1000000x64xf32, #tpu.memory_space<hbm>>
        tpu.enqueue_indirect_dma source(%dma_start3A_378 : memref<1000000x64xf32, #tpu.memory_space<hbm>>) target(%dma_start3A_372 : memref<96x64xf32, #tpu.memory_space<vmem>>) offsets(%dma_start3A_375 : memref<96xi32, #tpu.memory_space<vmem>>) semaphore(%arg10 : memref<!tpu.dma_semaphore, #tpu.memory_space<semaphore_mem>>)
        %add3A_379 = arith.constant 1 : i32
        %add3A_380 = arith.addi %mul3A_352, %add3A_379 : i32
        %dma_start3A_381 = arith.constant 1 : i32
        %dma_start3A_382 = arith.constant 200 : i32
        %dma_start3A_383 = arith.constant 0 : i32
        %dma_start3A_384 = tpu.memref_slice %arg7[%dma_start3A_381, %dma_start3A_382, %dma_start3A_383] : memref<2x800x64xf32, #tpu.memory_space<vmem>> -> memref<1x104x64xf32, #tpu.memory_space<vmem>>
        %dma_start3A_385 = tpu.memref_squeeze %dma_start3A_384 : memref<1x104x64xf32, #tpu.memory_space<vmem>> -> memref<104x64xf32, #tpu.memory_space<vmem>>
        %dma_start3A_386 = arith.constant 0 : i32
        %dma_start3A_387 = tpu.memref_slice %arg6[%rem3A_348, %add3A_380, %dma_start3A_386] : memref<2x8x200xi32, #tpu.memory_space<vmem>> -> memref<1x1x104xi32, #tpu.memory_space<vmem>>
        %dma_start3A_388 = tpu.memref_squeeze %dma_start3A_387 : memref<1x1x104xi32, #tpu.memory_space<vmem>> -> memref<104xi32, #tpu.memory_space<vmem>>
        %dma_start3A_389 = arith.constant 0 : i32
        %dma_start3A_390 = arith.constant 0 : i32
        %dma_start3A_391 = tpu.memref_slice %arg3[%dma_start3A_389, %dma_start3A_390] : memref<1000000x64xf32, #tpu.memory_space<hbm>> -> memref<1000000x64xf32, #tpu.memory_space<hbm>>
        tpu.enqueue_indirect_dma source(%dma_start3A_391 : memref<1000000x64xf32, #tpu.memory_space<hbm>>) target(%dma_start3A_385 : memref<104x64xf32, #tpu.memory_space<vmem>>) offsets(%dma_start3A_388 : memref<104xi32, #tpu.memory_space<vmem>>) semaphore(%arg10 : memref<!tpu.dma_semaphore, #tpu.memory_space<semaphore_mem>>)
        %add3A_392 = arith.constant 1 : i32
        %add3A_393 = arith.addi %mul3A_352, %add3A_392 : i32
        %dma_start3A_394 = arith.constant 1 : i32
        %dma_start3A_395 = arith.constant 304 : i32
        %dma_start3A_396 = arith.constant 0 : i32
        %dma_start3A_397 = tpu.memref_slice %arg7[%dma_start3A_394, %dma_start3A_395, %dma_start3A_396] : memref<2x800x64xf32, #tpu.memory_space<vmem>> -> memref<1x96x64xf32, #tpu.memory_space<vmem>>
        %dma_start3A_398 = tpu.memref_squeeze %dma_start3A_397 : memref<1x96x64xf32, #tpu.memory_space<vmem>> -> memref<96x64xf32, #tpu.memory_space<vmem>>
        %dma_start3A_399 = arith.constant 104 : i32
        %dma_start3A_400 = tpu.memref_slice %arg6[%rem3A_348, %add3A_393, %dma_start3A_399] : memref<2x8x200xi32, #tpu.memory_space<vmem>> -> memref<1x1x96xi32, #tpu.memory_space<vmem>>
        %dma_start3A_401 = tpu.memref_squeeze %dma_start3A_400 : memref<1x1x96xi32, #tpu.memory_space<vmem>> -> memref<96xi32, #tpu.memory_space<vmem>>
        %dma_start3A_402 = arith.constant 0 : i32
        %dma_start3A_403 = arith.constant 0 : i32
        %dma_start3A_404 = tpu.memref_slice %arg3[%dma_start3A_402, %dma_start3A_403] : memref<1000000x64xf32, #tpu.memory_space<hbm>> -> memref<1000000x64xf32, #tpu.memory_space<hbm>>
        tpu.enqueue_indirect_dma source(%dma_start3A_404 : memref<1000000x64xf32, #tpu.memory_space<hbm>>) target(%dma_start3A_398 : memref<96x64xf32, #tpu.memory_space<vmem>>) offsets(%dma_start3A_401 : memref<96xi32, #tpu.memory_space<vmem>>) semaphore(%arg10 : memref<!tpu.dma_semaphore, #tpu.memory_space<semaphore_mem>>)
        %add3A_405 = arith.constant 2 : i32
        %add3A_406 = arith.addi %mul3A_352, %add3A_405 : i32
        %dma_start3A_407 = arith.constant 1 : i32
        %dma_start3A_408 = arith.constant 400 : i32
        %dma_start3A_409 = arith.constant 0 : i32
        %dma_start3A_410 = tpu.memref_slice %arg7[%dma_start3A_407, %dma_start3A_408, %dma_start3A_409] : memref<2x800x64xf32, #tpu.memory_space<vmem>> -> memref<1x104x64xf32, #tpu.memory_space<vmem>>
        %dma_start3A_411 = tpu.memref_squeeze %dma_start3A_410 : memref<1x104x64xf32, #tpu.memory_space<vmem>> -> memref<104x64xf32, #tpu.memory_space<vmem>>
        %dma_start3A_412 = arith.constant 0 : i32
        %dma_start3A_413 = tpu.memref_slice %arg6[%rem3A_348, %add3A_406, %dma_start3A_412] : memref<2x8x200xi32, #tpu.memory_space<vmem>> -> memref<1x1x104xi32, #tpu.memory_space<vmem>>
        %dma_start3A_414 = tpu.memref_squeeze %dma_start3A_413 : memref<1x1x104xi32, #tpu.memory_space<vmem>> -> memref<104xi32, #tpu.memory_space<vmem>>
        %dma_start3A_415 = arith.constant 0 : i32
        %dma_start3A_416 = arith.constant 0 : i32
        %dma_start3A_417 = tpu.memref_slice %arg3[%dma_start3A_415, %dma_start3A_416] : memref<1000000x64xf32, #tpu.memory_space<hbm>> -> memref<1000000x64xf32, #tpu.memory_space<hbm>>
        tpu.enqueue_indirect_dma source(%dma_start3A_417 : memref<1000000x64xf32, #tpu.memory_space<hbm>>) target(%dma_start3A_411 : memref<104x64xf32, #tpu.memory_space<vmem>>) offsets(%dma_start3A_414 : memref<104xi32, #tpu.memory_space<vmem>>) semaphore(%arg10 : memref<!tpu.dma_semaphore, #tpu.memory_space<semaphore_mem>>)
        %add3A_418 = arith.constant 2 : i32
        %add3A_419 = arith.addi %mul3A_352, %add3A_418 : i32
        %dma_start3A_420 = arith.constant 1 : i32
        %dma_start3A_421 = arith.constant 504 : i32
        %dma_start3A_422 = arith.constant 0 : i32
        %dma_start3A_423 = tpu.memref_slice %arg7[%dma_start3A_420, %dma_start3A_421, %dma_start3A_422] : memref<2x800x64xf32, #tpu.memory_space<vmem>> -> memref<1x96x64xf32, #tpu.memory_space<vmem>>
        %dma_start3A_424 = tpu.memref_squeeze %dma_start3A_423 : memref<1x96x64xf32, #tpu.memory_space<vmem>> -> memref<96x64xf32, #tpu.memory_space<vmem>>
        %dma_start3A_425 = arith.constant 104 : i32
        %dma_start3A_426 = tpu.memref_slice %arg6[%rem3A_348, %add3A_419, %dma_start3A_425] : memref<2x8x200xi32, #tpu.memory_space<vmem>> -> memref<1x1x96xi32, #tpu.memory_space<vmem>>
        %dma_start3A_427 = tpu.memref_squeeze %dma_start3A_426 : memref<1x1x96xi32, #tpu.memory_space<vmem>> -> memref<96xi32, #tpu.memory_space<vmem>>
        %dma_start3A_428 = arith.constant 0 : i32
        %dma_start3A_429 = arith.constant 0 : i32
        %dma_start3A_430 = tpu.memref_slice %arg3[%dma_start3A_428, %dma_start3A_429] : memref<1000000x64xf32, #tpu.memory_space<hbm>> -> memref<1000000x64xf32, #tpu.memory_space<hbm>>
        tpu.enqueue_indirect_dma source(%dma_start3A_430 : memref<1000000x64xf32, #tpu.memory_space<hbm>>) target(%dma_start3A_424 : memref<96x64xf32, #tpu.memory_space<vmem>>) offsets(%dma_start3A_427 : memref<96xi32, #tpu.memory_space<vmem>>) semaphore(%arg10 : memref<!tpu.dma_semaphore, #tpu.memory_space<semaphore_mem>>)
        %add3A_431 = arith.constant 3 : i32
        %add3A_432 = arith.addi %mul3A_352, %add3A_431 : i32
        %dma_start3A_433 = arith.constant 1 : i32
        %dma_start3A_434 = arith.constant 600 : i32
        %dma_start3A_435 = arith.constant 0 : i32
        %dma_start3A_436 = tpu.memref_slice %arg7[%dma_start3A_433, %dma_start3A_434, %dma_start3A_435] : memref<2x800x64xf32, #tpu.memory_space<vmem>> -> memref<1x104x64xf32, #tpu.memory_space<vmem>>
        %dma_start3A_437 = tpu.memref_squeeze %dma_start3A_436 : memref<1x104x64xf32, #tpu.memory_space<vmem>> -> memref<104x64xf32, #tpu.memory_space<vmem>>
        %dma_start3A_438 = arith.constant 0 : i32
        %dma_start3A_439 = tpu.memref_slice %arg6[%rem3A_348, %add3A_432, %dma_start3A_438] : memref<2x8x200xi32, #tpu.memory_space<vmem>> -> memref<1x1x104xi32, #tpu.memory_space<vmem>>
        %dma_start3A_440 = tpu.memref_squeeze %dma_start3A_439 : memref<1x1x104xi32, #tpu.memory_space<vmem>> -> memref<104xi32, #tpu.memory_space<vmem>>
        %dma_start3A_441 = arith.constant 0 : i32
        %dma_start3A_442 = arith.constant 0 : i32
        %dma_start3A_443 = tpu.memref_slice %arg3[%dma_start3A_441, %dma_start3A_442] : memref<1000000x64xf32, #tpu.memory_space<hbm>> -> memref<1000000x64xf32, #tpu.memory_space<hbm>>
        tpu.enqueue_indirect_dma source(%dma_start3A_443 : memref<1000000x64xf32, #tpu.memory_space<hbm>>) target(%dma_start3A_437 : memref<104x64xf32, #tpu.memory_space<vmem>>) offsets(%dma_start3A_440 : memref<104xi32, #tpu.memory_space<vmem>>) semaphore(%arg10 : memref<!tpu.dma_semaphore, #tpu.memory_space<semaphore_mem>>)
        %add3A_444 = arith.constant 3 : i32
        %add3A_445 = arith.addi %mul3A_352, %add3A_444 : i32
        %dma_start3A_446 = arith.constant 1 : i32
        %dma_start3A_447 = arith.constant 704 : i32
        %dma_start3A_448 = arith.constant 0 : i32
        %dma_start3A_449 = tpu.memref_slice %arg7[%dma_start3A_446, %dma_start3A_447, %dma_start3A_448] : memref<2x800x64xf32, #tpu.memory_space<vmem>> -> memref<1x96x64xf32, #tpu.memory_space<vmem>>
        %dma_start3A_450 = tpu.memref_squeeze %dma_start3A_449 : memref<1x96x64xf32, #tpu.memory_space<vmem>> -> memref<96x64xf32, #tpu.memory_space<vmem>>
        %dma_start3A_451 = arith.constant 104 : i32
        %dma_start3A_452 = tpu.memref_slice %arg6[%rem3A_348, %add3A_445, %dma_start3A_451] : memref<2x8x200xi32, #tpu.memory_space<vmem>> -> memref<1x1x96xi32, #tpu.memory_space<vmem>>
        %dma_start3A_453 = tpu.memref_squeeze %dma_start3A_452 : memref<1x1x96xi32, #tpu.memory_space<vmem>> -> memref<96xi32, #tpu.memory_space<vmem>>
        %dma_start3A_454 = arith.constant 0 : i32
        %dma_start3A_455 = arith.constant 0 : i32
        %dma_start3A_456 = tpu.memref_slice %arg3[%dma_start3A_454, %dma_start3A_455] : memref<1000000x64xf32, #tpu.memory_space<hbm>> -> memref<1000000x64xf32, #tpu.memory_space<hbm>>
        tpu.enqueue_indirect_dma source(%dma_start3A_456 : memref<1000000x64xf32, #tpu.memory_space<hbm>>) target(%dma_start3A_450 : memref<96x64xf32, #tpu.memory_space<vmem>>) offsets(%dma_start3A_453 : memref<96xi32, #tpu.memory_space<vmem>>) semaphore(%arg10 : memref<!tpu.dma_semaphore, #tpu.memory_space<semaphore_mem>>)
      } else {
      }
      %mul3A_230 = arith.constant 2 : i32
      %mul3A_231 = arith.muli %mul3A_230, %scan3A_145 : i32
      %add3A_232 = arith.constant 1 : i32
      %add3A_233 = arith.addi %mul3A_231, %add3A_232 : i32
      %mul3A_234 = arith.constant 4 : i32
      %mul3A_235 = arith.muli %add3A_233, %mul3A_234 : i32
      %add3A_236 = arith.addi %mul3A_2, %mul3A_235 : i32
      %mul3A_237 = arith.constant 200 : i32
      %mul3A_238 = arith.muli %add3A_236, %mul3A_237 : i32
      %multiple_of3A_239 = tpu.assume_multiple %mul3A_238, 800 : i32
      %mul3A_240 = arith.constant 4 : i32
      %mul3A_241 = arith.muli %add3A_233, %mul3A_240 : i32
      %add3A_242 = arith.addi %mul3A_2, %mul3A_241 : i32
      %mul3A_243 = arith.constant 200 : i32
      %mul3A_244 = arith.muli %add3A_242, %mul3A_243 : i32
      %multiple_of3A_245 = tpu.assume_multiple %mul3A_244, 800 : i32
      %dma_wait3A_246 = arith.constant 1 : i32
      %dma_wait3A_247 = arith.constant 0 : i32
      %dma_wait3A_248 = arith.constant 0 : i32
      %dma_wait3A_249 = tpu.memref_slice %arg7[%dma_wait3A_246, %dma_wait3A_247, %dma_wait3A_248] : memref<2x800x64xf32, #tpu.memory_space<vmem>> -> memref<1x800x64xf32, #tpu.memory_space<vmem>>
      %dma_wait3A_250 = tpu.memref_squeeze %dma_wait3A_249 : memref<1x800x64xf32, #tpu.memory_space<vmem>> -> memref<800x64xf32, #tpu.memory_space<vmem>>
      %dma_wait3A_251 = arith.constant 0 : i32
      %dma_wait3A_252 = tpu.memref_slice %arg5[%multiple_of3A_239, %dma_wait3A_251] : memref<819200x128xf32, #tpu.memory_space<hbm>> -> memref<800x64xf32, #tpu.memory_space<hbm>>
      %dma_wait3A_253 = arith.constant 0 : i32
      %dma_wait3A_254 = arith.constant 0 : i32
      %dma_wait3A_255 = tpu.memref_slice %arg7[%dma_wait3A_246, %dma_wait3A_253, %dma_wait3A_254] : memref<2x800x64xf32, #tpu.memory_space<vmem>> -> memref<1x800x64xf32, #tpu.memory_space<vmem>>
      %dma_wait3A_256 = tpu.memref_squeeze %dma_wait3A_255 : memref<1x800x64xf32, #tpu.memory_space<vmem>> -> memref<800x64xf32, #tpu.memory_space<vmem>>
      %dma_wait3A_257 = arith.constant 0 : i32
      %dma_wait3A_258 = tpu.memref_slice %arg5[%multiple_of3A_239, %dma_wait3A_257] : memref<819200x128xf32, #tpu.memory_space<hbm>> -> memref<800x64xf32, #tpu.memory_space<hbm>>
      tpu.wait_dma2 semaphore(%arg10 : memref<!tpu.dma_semaphore, #tpu.memory_space<semaphore_mem>>) src(%dma_wait3A_258 : memref<800x64xf32, #tpu.memory_space<hbm>>) dst(%dma_wait3A_256 : memref<800x64xf32, #tpu.memory_space<vmem>>)
      %scan3A_259 = arith.constant 0 : i32
      %scan3A_260 = arith.constant 0 : i32
      %scan3A_261 = arith.constant 200 : i32
      %scan3A_262 = arith.addi %scan3A_260, %scan3A_261 : i32
      %scan3A_263 = arith.constant 2 : i32
      scf.for %scan3A_320 = %scan3A_260 to %scan3A_262 step %scan3A_263  : i32 {
        %get3A = arith.index_cast %scan3A_320 : i32 to index
        %get3A_321 = arith.constant 0 : index
        %get3A_322 = tpu.vector_load %arg8[%get3A, %get3A_321] {strides = array<i32>} : memref<200x64xf32, #tpu.memory_space<vmem>>, vector<1x16xf32>,
        %get3A_323 = vector.shape_cast %get3A_322 : vector<1x16xf32> to vector<16xf32>
        %add3A_324 = arith.constant 0 : i32
        %add3A_325 = arith.addi %add3A_324, %scan3A_320 : i32
        %get3A_326 = arith.constant 1 : i32
        %get3A_327 = arith.index_cast %get3A_326 : i32 to index
        %get3A_328 = arith.index_cast %add3A_325 : i32 to index
        %get3A_329 = arith.constant 0 : index
        %get3A_330 = tpu.vector_load %arg7[%get3A_327, %get3A_328, %get3A_329] {strides = array<i32>} : memref<2x800x64xf32, #tpu.memory_space<vmem>>, vector<1x1x16xf32>,
        %get3A_331 = vector.shape_cast %get3A_330 : vector<1x1x16xf32> to vector<16xf32>
        %add3A_332 = arith.addf %get3A_331, %get3A_323 : vector<16xf32>
        %swap3A = arith.constant 1 : i32
        %swap3A_333 = arith.index_cast %swap3A : i32 to index
        %swap3A_334 = arith.index_cast %add3A_325 : i32 to index
        %swap3A_335 = arith.constant 0 : index
        %swap3A_336 = tpu.vector_load %arg7[%swap3A_333, %swap3A_334, %swap3A_335] {strides = array<i32>} : memref<2x800x64xf32, #tpu.memory_space<vmem>>, vector<1x1x16xf32>,
        %swap3A_337 = vector.shape_cast %swap3A_336 : vector<1x1x16xf32> to vector<16xf32>
        %swap3A_338 = vector.shape_cast %add3A_332 : vector<16xf32> to vector<1x1x16xf32>
        tpu.vector_store %arg7[%swap3A_333, %swap3A_334, %swap3A_335], %swap3A_338 {strides = array<i32>} : memref<2x800x64xf32, #tpu.memory_space<vmem>>, vector<1x1x16xf32>,
        %add3A_339 = arith.constant 200 : i32
        %add3A_340 = arith.addi %add3A_339, %scan3A_320 : i32
        %get3A_341 = arith.constant 1 : i32
        %get3A_342 = arith.index_cast %get3A_341 : i32 to index
        %get3A_343 = arith.index_cast %add3A_340 : i32 to index
        %get3A_344 = arith.constant 0 : index
        %get3A_345 = tpu.vector_load %arg7[%get3A_342, %get3A_343, %get3A_344] {strides = array<i32>} : memref<2x800x64xf32, #tpu.memory_space<vmem>>, vector<1x1x16xf32>,
        %get3A_346 = vector.shape_cast %get3A_345 : vector<1x1x16xf32> to vector<16xf32>
        %add3A_347 = arith.addf %get3A_346, %get3A_323 : vector<16xf32>
        %swap3A_348 = arith.constant 1 : i32
        %swap3A_349 = arith.index_cast %swap3A_348 : i32 to index
        %swap3A_350 = arith.index_cast %add3A_340 : i32 to index
        %swap3A_351 = arith.constant 0 : index
        %swap3A_352 = tpu.vector_load %arg7[%swap3A_349, %swap3A_350, %swap3A_351] {strides = array<i32>} : memref<2x800x64xf32, #tpu.memory_space<vmem>>, vector<1x1x16xf32>,
        %swap3A_353 = vector.shape_cast %swap3A_352 : vector<1x1x16xf32> to vector<16xf32>
        %swap3A_354 = vector.shape_cast %add3A_347 : vector<16xf32> to vector<1x1x16xf32>
        tpu.vector_store %arg7[%swap3A_349, %swap3A_350, %swap3A_351], %swap3A_354 {strides = array<i32>} : memref<2x800x64xf32, #tpu.memory_space<vmem>>, vector<1x1x16xf32>,
        %add3A_355 = arith.constant 400 : i32
        %add3A_356 = arith.addi %add3A_355, %scan3A_320 : i32
        %get3A_357 = arith.constant 1 : i32
        %get3A_358 = arith.index_cast %get3A_357 : i32 to index
        %get3A_359 = arith.index_cast %add3A_356 : i32 to index
        %get3A_360 = arith.constant 0 : index
        %get3A_361 = tpu.vector_load %arg7[%get3A_358, %get3A_359, %get3A_360] {strides = array<i32>} : memref<2x800x64xf32, #tpu.memory_space<vmem>>, vector<1x1x16xf32>,
        %get3A_362 = vector.shape_cast %get3A_361 : vector<1x1x16xf32> to vector<16xf32>
        %add3A_363 = arith.addf %get3A_362, %get3A_323 : vector<16xf32>
        %swap3A_364 = arith.constant 1 : i32
        %swap3A_365 = arith.index_cast %swap3A_364 : i32 to index
        %swap3A_366 = arith.index_cast %add3A_356 : i32 to index
        %swap3A_367 = arith.constant 0 : index
        %swap3A_368 = tpu.vector_load %arg7[%swap3A_365, %swap3A_366, %swap3A_367] {strides = array<i32>} : memref<2x800x64xf32, #tpu.memory_space<vmem>>, vector<1x1x16xf32>,
        %swap3A_369 = vector.shape_cast %swap3A_368 : vector<1x1x16xf32> to vector<16xf32>
        %swap3A_370 = vector.shape_cast %add3A_363 : vector<16xf32> to vector<1x1x16xf32>
        tpu.vector_store %arg7[%swap3A_365, %swap3A_366, %swap3A_367], %swap3A_370 {strides = array<i32>} : memref<2x800x64xf32, #tpu.memory_space<vmem>>, vector<1x1x16xf32>,
        %add3A_371 = arith.constant 600 : i32
        %add3A_372 = arith.addi %add3A_371, %scan3A_320 : i32
        %get3A_373 = arith.constant 1 : i32
        %get3A_374 = arith.index_cast %get3A_373 : i32 to index
        %get3A_375 = arith.index_cast %add3A_372 : i32 to index
        %get3A_376 = arith.constant 0 : index
        %get3A_377 = tpu.vector_load %arg7[%get3A_374, %get3A_375, %get3A_376] {strides = array<i32>} : memref<2x800x64xf32, #tpu.memory_space<vmem>>, vector<1x1x16xf32>,
        %get3A_378 = vector.shape_cast %get3A_377 : vector<1x1x16xf32> to vector<16xf32>
        %add3A_379 = arith.addf %get3A_378, %get3A_323 : vector<16xf32>
        %swap3A_380 = arith.constant 1 : i32
        %swap3A_381 = arith.index_cast %swap3A_380 : i32 to index
        %swap3A_382 = arith.index_cast %add3A_372 : i32 to index
        %swap3A_383 = arith.constant 0 : index
        %swap3A_384 = tpu.vector_load %arg7[%swap3A_381, %swap3A_382, %swap3A_383] {strides = array<i32>} : memref<2x800x64xf32, #tpu.memory_space<vmem>>, vector<1x1x16xf32>,
        %swap3A_385 = vector.shape_cast %swap3A_384 : vector<1x1x16xf32> to vector<16xf32>
        %swap3A_386 = vector.shape_cast %add3A_379 : vector<16xf32> to vector<1x1x16xf32>
        tpu.vector_store %arg7[%swap3A_381, %swap3A_382, %swap3A_383], %swap3A_386 {strides = array<i32>} : memref<2x800x64xf32, #tpu.memory_space<vmem>>, vector<1x1x16xf32>,
        %scan3A_387 = arith.constant 1 : i32
        %scan3A_388 = arith.addi %scan3A_320, %scan3A_387 : i32
        %get3A_389 = arith.index_cast %scan3A_388 : i32 to index
        %get3A_390 = arith.constant 0 : index
        %get3A_391 = tpu.vector_load %arg8[%get3A_389, %get3A_390] {strides = array<i32>} : memref<200x64xf32, #tpu.memory_space<vmem>>, vector<1x16xf32>,
        %get3A_392 = vector.shape_cast %get3A_391 : vector<1x16xf32> to vector<16xf32>
        %add3A_393 = arith.constant 0 : i32
        %add3A_394 = arith.addi %add3A_393, %scan3A_388 : i32
        %get3A_395 = arith.constant 1 : i32
        %get3A_396 = arith.index_cast %get3A_395 : i32 to index
        %get3A_397 = arith.index_cast %add3A_394 : i32 to index
        %get3A_398 = arith.constant 0 : index
        %get3A_399 = tpu.vector_load %arg7[%get3A_396, %get3A_397, %get3A_398] {strides = array<i32>} : memref<2x800x64xf32, #tpu.memory_space<vmem>>, vector<1x1x16xf32>,
        %get3A_400 = vector.shape_cast %get3A_399 : vector<1x1x16xf32> to vector<16xf32>
        %add3A_401 = arith.addf %get3A_400, %get3A_392 : vector<16xf32>
        %swap3A_402 = arith.constant 1 : i32
        %swap3A_403 = arith.index_cast %swap3A_402 : i32 to index
        %swap3A_404 = arith.index_cast %add3A_394 : i32 to index
        %swap3A_405 = arith.constant 0 : index
        %swap3A_406 = tpu.vector_load %arg7[%swap3A_403, %swap3A_404, %swap3A_405] {strides = array<i32>} : memref<2x800x64xf32, #tpu.memory_space<vmem>>, vector<1x1x16xf32>,
        %swap3A_407 = vector.shape_cast %swap3A_406 : vector<1x1x16xf32> to vector<16xf32>
        %swap3A_408 = vector.shape_cast %add3A_401 : vector<16xf32> to vector<1x1x16xf32>
        tpu.vector_store %arg7[%swap3A_403, %swap3A_404, %swap3A_405], %swap3A_408 {strides = array<i32>} : memref<2x800x64xf32, #tpu.memory_space<vmem>>, vector<1x1x16xf32>,
        %add3A_409 = arith.constant 200 : i32
        %add3A_410 = arith.addi %add3A_409, %scan3A_388 : i32
        %get3A_411 = arith.constant 1 : i32
        %get3A_412 = arith.index_cast %get3A_411 : i32 to index
        %get3A_413 = arith.index_cast %add3A_410 : i32 to index
        %get3A_414 = arith.constant 0 : index
        %get3A_415 = tpu.vector_load %arg7[%get3A_412, %get3A_413, %get3A_414] {strides = array<i32>} : memref<2x800x64xf32, #tpu.memory_space<vmem>>, vector<1x1x16xf32>,
        %get3A_416 = vector.shape_cast %get3A_415 : vector<1x1x16xf32> to vector<16xf32>
        %add3A_417 = arith.addf %get3A_416, %get3A_392 : vector<16xf32>
        %swap3A_418 = arith.constant 1 : i32
        %swap3A_419 = arith.index_cast %swap3A_418 : i32 to index
        %swap3A_420 = arith.index_cast %add3A_410 : i32 to index
        %swap3A_421 = arith.constant 0 : index
        %swap3A_422 = tpu.vector_load %arg7[%swap3A_419, %swap3A_420, %swap3A_421] {strides = array<i32>} : memref<2x800x64xf32, #tpu.memory_space<vmem>>, vector<1x1x16xf32>,
        %swap3A_423 = vector.shape_cast %swap3A_422 : vector<1x1x16xf32> to vector<16xf32>
        %swap3A_424 = vector.shape_cast %add3A_417 : vector<16xf32> to vector<1x1x16xf32>
        tpu.vector_store %arg7[%swap3A_419, %swap3A_420, %swap3A_421], %swap3A_424 {strides = array<i32>} : memref<2x800x64xf32, #tpu.memory_space<vmem>>, vector<1x1x16xf32>,
        %add3A_425 = arith.constant 400 : i32
        %add3A_426 = arith.addi %add3A_425, %scan3A_388 : i32
        %get3A_427 = arith.constant 1 : i32
        %get3A_428 = arith.index_cast %get3A_427 : i32 to index
        %get3A_429 = arith.index_cast %add3A_426 : i32 to index
        %get3A_430 = arith.constant 0 : index
        %get3A_431 = tpu.vector_load %arg7[%get3A_428, %get3A_429, %get3A_430] {strides = array<i32>} : memref<2x800x64xf32, #tpu.memory_space<vmem>>, vector<1x1x16xf32>,
        %get3A_432 = vector.shape_cast %get3A_431 : vector<1x1x16xf32> to vector<16xf32>
        %add3A_433 = arith.addf %get3A_432, %get3A_392 : vector<16xf32>
        %swap3A_434 = arith.constant 1 : i32
        %swap3A_435 = arith.index_cast %swap3A_434 : i32 to index
        %swap3A_436 = arith.index_cast %add3A_426 : i32 to index
        %swap3A_437 = arith.constant 0 : index
        %swap3A_438 = tpu.vector_load %arg7[%swap3A_435, %swap3A_436, %swap3A_437] {strides = array<i32>} : memref<2x800x64xf32, #tpu.memory_space<vmem>>, vector<1x1x16xf32>,
        %swap3A_439 = vector.shape_cast %swap3A_438 : vector<1x1x16xf32> to vector<16xf32>
        %swap3A_440 = vector.shape_cast %add3A_433 : vector<16xf32> to vector<1x1x16xf32>
        tpu.vector_store %arg7[%swap3A_435, %swap3A_436, %swap3A_437], %swap3A_440 {strides = array<i32>} : memref<2x800x64xf32, #tpu.memory_space<vmem>>, vector<1x1x16xf32>,
        %add3A_441 = arith.constant 600 : i32
        %add3A_442 = arith.addi %add3A_441, %scan3A_388 : i32
        %get3A_443 = arith.constant 1 : i32
        %get3A_444 = arith.index_cast %get3A_443 : i32 to index
        %get3A_445 = arith.index_cast %add3A_442 : i32 to index
        %get3A_446 = arith.constant 0 : index
        %get3A_447 = tpu.vector_load %arg7[%get3A_444, %get3A_445, %get3A_446] {strides = array<i32>} : memref<2x800x64xf32, #tpu.memory_space<vmem>>, vector<1x1x16xf32>,
        %get3A_448 = vector.shape_cast %get3A_447 : vector<1x1x16xf32> to vector<16xf32>
        %add3A_449 = arith.addf %get3A_448, %get3A_392 : vector<16xf32>
        %swap3A_450 = arith.constant 1 : i32
        %swap3A_451 = arith.index_cast %swap3A_450 : i32 to index
        %swap3A_452 = arith.index_cast %add3A_442 : i32 to index
        %swap3A_453 = arith.constant 0 : index
        %swap3A_454 = tpu.vector_load %arg7[%swap3A_451, %swap3A_452, %swap3A_453] {strides = array<i32>} : memref<2x800x64xf32, #tpu.memory_space<vmem>>, vector<1x1x16xf32>,
        %swap3A_455 = vector.shape_cast %swap3A_454 : vector<1x1x16xf32> to vector<16xf32>
        %swap3A_456 = vector.shape_cast %add3A_449 : vector<16xf32> to vector<1x1x16xf32>
        tpu.vector_store %arg7[%swap3A_451, %swap3A_452, %swap3A_453], %swap3A_456 {strides = array<i32>} : memref<2x800x64xf32, #tpu.memory_space<vmem>>, vector<1x1x16xf32>,
      }
      %scan3A_264 = arith.constant 200 : i32
      %scan3A_265 = arith.constant 0 : i32
      %scan3A_266 = arith.constant 0 : i32
      %scan3A_267 = arith.constant 200 : i32
      %scan3A_268 = arith.addi %scan3A_266, %scan3A_267 : i32
      %scan3A_269 = arith.constant 2 : i32
      scf.for %scan3A_320 = %scan3A_266 to %scan3A_268 step %scan3A_269  : i32 {
        %get3A = arith.index_cast %scan3A_320 : i32 to index
        %get3A_321 = arith.constant 16 : index
        %get3A_322 = tpu.vector_load %arg8[%get3A, %get3A_321] {strides = array<i32>} : memref<200x64xf32, #tpu.memory_space<vmem>>, vector<1x16xf32>,
        %get3A_323 = vector.shape_cast %get3A_322 : vector<1x16xf32> to vector<16xf32>
        %add3A_324 = arith.constant 0 : i32
        %add3A_325 = arith.addi %add3A_324, %scan3A_320 : i32
        %get3A_326 = arith.constant 1 : i32
        %get3A_327 = arith.index_cast %get3A_326 : i32 to index
        %get3A_328 = arith.index_cast %add3A_325 : i32 to index
        %get3A_329 = arith.constant 16 : index
        %get3A_330 = tpu.vector_load %arg7[%get3A_327, %get3A_328, %get3A_329] {strides = array<i32>} : memref<2x800x64xf32, #tpu.memory_space<vmem>>, vector<1x1x16xf32>,
        %get3A_331 = vector.shape_cast %get3A_330 : vector<1x1x16xf32> to vector<16xf32>
        %add3A_332 = arith.addf %get3A_331, %get3A_323 : vector<16xf32>
        %swap3A = arith.constant 1 : i32
        %swap3A_333 = arith.index_cast %swap3A : i32 to index
        %swap3A_334 = arith.index_cast %add3A_325 : i32 to index
        %swap3A_335 = arith.constant 16 : index
        %swap3A_336 = tpu.vector_load %arg7[%swap3A_333, %swap3A_334, %swap3A_335] {strides = array<i32>} : memref<2x800x64xf32, #tpu.memory_space<vmem>>, vector<1x1x16xf32>,
        %swap3A_337 = vector.shape_cast %swap3A_336 : vector<1x1x16xf32> to vector<16xf32>
        %swap3A_338 = vector.shape_cast %add3A_332 : vector<16xf32> to vector<1x1x16xf32>
        tpu.vector_store %arg7[%swap3A_333, %swap3A_334, %swap3A_335], %swap3A_338 {strides = array<i32>} : memref<2x800x64xf32, #tpu.memory_space<vmem>>, vector<1x1x16xf32>,
        %add3A_339 = arith.constant 200 : i32
        %add3A_340 = arith.addi %add3A_339, %scan3A_320 : i32
        %get3A_341 = arith.constant 1 : i32
        %get3A_342 = arith.index_cast %get3A_341 : i32 to index
        %get3A_343 = arith.index_cast %add3A_340 : i32 to index
        %get3A_344 = arith.constant 16 : index
        %get3A_345 = tpu.vector_load %arg7[%get3A_342, %get3A_343, %get3A_344] {strides = array<i32>} : memref<2x800x64xf32, #tpu.memory_space<vmem>>, vector<1x1x16xf32>,
        %get3A_346 = vector.shape_cast %get3A_345 : vector<1x1x16xf32> to vector<16xf32>
        %add3A_347 = arith.addf %get3A_346, %get3A_323 : vector<16xf32>
        %swap3A_348 = arith.constant 1 : i32
        %swap3A_349 = arith.index_cast %swap3A_348 : i32 to index
        %swap3A_350 = arith.index_cast %add3A_340 : i32 to index
        %swap3A_351 = arith.constant 16 : index
        %swap3A_352 = tpu.vector_load %arg7[%swap3A_349, %swap3A_350, %swap3A_351] {strides = array<i32>} : memref<2x800x64xf32, #tpu.memory_space<vmem>>, vector<1x1x16xf32>,
        %swap3A_353 = vector.shape_cast %swap3A_352 : vector<1x1x16xf32> to vector<16xf32>
        %swap3A_354 = vector.shape_cast %add3A_347 : vector<16xf32> to vector<1x1x16xf32>
        tpu.vector_store %arg7[%swap3A_349, %swap3A_350, %swap3A_351], %swap3A_354 {strides = array<i32>} : memref<2x800x64xf32, #tpu.memory_space<vmem>>, vector<1x1x16xf32>,
        %add3A_355 = arith.constant 400 : i32
        %add3A_356 = arith.addi %add3A_355, %scan3A_320 : i32
        %get3A_357 = arith.constant 1 : i32
        %get3A_358 = arith.index_cast %get3A_357 : i32 to index
        %get3A_359 = arith.index_cast %add3A_356 : i32 to index
        %get3A_360 = arith.constant 16 : index
        %get3A_361 = tpu.vector_load %arg7[%get3A_358, %get3A_359, %get3A_360] {strides = array<i32>} : memref<2x800x64xf32, #tpu.memory_space<vmem>>, vector<1x1x16xf32>,
        %get3A_362 = vector.shape_cast %get3A_361 : vector<1x1x16xf32> to vector<16xf32>
        %add3A_363 = arith.addf %get3A_362, %get3A_323 : vector<16xf32>
        %swap3A_364 = arith.constant 1 : i32
        %swap3A_365 = arith.index_cast %swap3A_364 : i32 to index
        %swap3A_366 = arith.index_cast %add3A_356 : i32 to index
        %swap3A_367 = arith.constant 16 : index
        %swap3A_368 = tpu.vector_load %arg7[%swap3A_365, %swap3A_366, %swap3A_367] {strides = array<i32>} : memref<2x800x64xf32, #tpu.memory_space<vmem>>, vector<1x1x16xf32>,
        %swap3A_369 = vector.shape_cast %swap3A_368 : vector<1x1x16xf32> to vector<16xf32>
        %swap3A_370 = vector.shape_cast %add3A_363 : vector<16xf32> to vector<1x1x16xf32>
        tpu.vector_store %arg7[%swap3A_365, %swap3A_366, %swap3A_367], %swap3A_370 {strides = array<i32>} : memref<2x800x64xf32, #tpu.memory_space<vmem>>, vector<1x1x16xf32>,
        %add3A_371 = arith.constant 600 : i32
        %add3A_372 = arith.addi %add3A_371, %scan3A_320 : i32
        %get3A_373 = arith.constant 1 : i32
        %get3A_374 = arith.index_cast %get3A_373 : i32 to index
        %get3A_375 = arith.index_cast %add3A_372 : i32 to index
        %get3A_376 = arith.constant 16 : index
        %get3A_377 = tpu.vector_load %arg7[%get3A_374, %get3A_375, %get3A_376] {strides = array<i32>} : memref<2x800x64xf32, #tpu.memory_space<vmem>>, vector<1x1x16xf32>,
        %get3A_378 = vector.shape_cast %get3A_377 : vector<1x1x16xf32> to vector<16xf32>
        %add3A_379 = arith.addf %get3A_378, %get3A_323 : vector<16xf32>
        %swap3A_380 = arith.constant 1 : i32
        %swap3A_381 = arith.index_cast %swap3A_380 : i32 to index
        %swap3A_382 = arith.index_cast %add3A_372 : i32 to index
        %swap3A_383 = arith.constant 16 : index
        %swap3A_384 = tpu.vector_load %arg7[%swap3A_381, %swap3A_382, %swap3A_383] {strides = array<i32>} : memref<2x800x64xf32, #tpu.memory_space<vmem>>, vector<1x1x16xf32>,
        %swap3A_385 = vector.shape_cast %swap3A_384 : vector<1x1x16xf32> to vector<16xf32>
        %swap3A_386 = vector.shape_cast %add3A_379 : vector<16xf32> to vector<1x1x16xf32>
        tpu.vector_store %arg7[%swap3A_381, %swap3A_382, %swap3A_383], %swap3A_386 {strides = array<i32>} : memref<2x800x64xf32, #tpu.memory_space<vmem>>, vector<1x1x16xf32>,
        %scan3A_387 = arith.constant 1 : i32
        %scan3A_388 = arith.addi %scan3A_320, %scan3A_387 : i32
        %get3A_389 = arith.index_cast %scan3A_388 : i32 to index
        %get3A_390 = arith.constant 16 : index
        %get3A_391 = tpu.vector_load %arg8[%get3A_389, %get3A_390] {strides = array<i32>} : memref<200x64xf32, #tpu.memory_space<vmem>>, vector<1x16xf32>,
        %get3A_392 = vector.shape_cast %get3A_391 : vector<1x16xf32> to vector<16xf32>
        %add3A_393 = arith.constant 0 : i32
        %add3A_394 = arith.addi %add3A_393, %scan3A_388 : i32
        %get3A_395 = arith.constant 1 : i32
        %get3A_396 = arith.index_cast %get3A_395 : i32 to index
        %get3A_397 = arith.index_cast %add3A_394 : i32 to index
        %get3A_398 = arith.constant 16 : index
        %get3A_399 = tpu.vector_load %arg7[%get3A_396, %get3A_397, %get3A_398] {strides = array<i32>} : memref<2x800x64xf32, #tpu.memory_space<vmem>>, vector<1x1x16xf32>,
        %get3A_400 = vector.shape_cast %get3A_399 : vector<1x1x16xf32> to vector<16xf32>
        %add3A_401 = arith.addf %get3A_400, %get3A_392 : vector<16xf32>
        %swap3A_402 = arith.constant 1 : i32
        %swap3A_403 = arith.index_cast %swap3A_402 : i32 to index
        %swap3A_404 = arith.index_cast %add3A_394 : i32 to index
        %swap3A_405 = arith.constant 16 : index
        %swap3A_406 = tpu.vector_load %arg7[%swap3A_403, %swap3A_404, %swap3A_405] {strides = array<i32>} : memref<2x800x64xf32, #tpu.memory_space<vmem>>, vector<1x1x16xf32>,
        %swap3A_407 = vector.shape_cast %swap3A_406 : vector<1x1x16xf32> to vector<16xf32>
        %swap3A_408 = vector.shape_cast %add3A_401 : vector<16xf32> to vector<1x1x16xf32>
        tpu.vector_store %arg7[%swap3A_403, %swap3A_404, %swap3A_405], %swap3A_408 {strides = array<i32>} : memref<2x800x64xf32, #tpu.memory_space<vmem>>, vector<1x1x16xf32>,
        %add3A_409 = arith.constant 200 : i32
        %add3A_410 = arith.addi %add3A_409, %scan3A_388 : i32
        %get3A_411 = arith.constant 1 : i32
        %get3A_412 = arith.index_cast %get3A_411 : i32 to index
        %get3A_413 = arith.index_cast %add3A_410 : i32 to index
        %get3A_414 = arith.constant 16 : index
        %get3A_415 = tpu.vector_load %arg7[%get3A_412, %get3A_413, %get3A_414] {strides = array<i32>} : memref<2x800x64xf32, #tpu.memory_space<vmem>>, vector<1x1x16xf32>,
        %get3A_416 = vector.shape_cast %get3A_415 : vector<1x1x16xf32> to vector<16xf32>
        %add3A_417 = arith.addf %get3A_416, %get3A_392 : vector<16xf32>
        %swap3A_418 = arith.constant 1 : i32
        %swap3A_419 = arith.index_cast %swap3A_418 : i32 to index
        %swap3A_420 = arith.index_cast %add3A_410 : i32 to index
        %swap3A_421 = arith.constant 16 : index
        %swap3A_422 = tpu.vector_load %arg7[%swap3A_419, %swap3A_420, %swap3A_421] {strides = array<i32>} : memref<2x800x64xf32, #tpu.memory_space<vmem>>, vector<1x1x16xf32>,
        %swap3A_423 = vector.shape_cast %swap3A_422 : vector<1x1x16xf32> to vector<16xf32>
        %swap3A_424 = vector.shape_cast %add3A_417 : vector<16xf32> to vector<1x1x16xf32>
        tpu.vector_store %arg7[%swap3A_419, %swap3A_420, %swap3A_421], %swap3A_424 {strides = array<i32>} : memref<2x800x64xf32, #tpu.memory_space<vmem>>, vector<1x1x16xf32>,
        %add3A_425 = arith.constant 400 : i32
        %add3A_426 = arith.addi %add3A_425, %scan3A_388 : i32
        %get3A_427 = arith.constant 1 : i32
        %get3A_428 = arith.index_cast %get3A_427 : i32 to index
        %get3A_429 = arith.index_cast %add3A_426 : i32 to index
        %get3A_430 = arith.constant 16 : index
        %get3A_431 = tpu.vector_load %arg7[%get3A_428, %get3A_429, %get3A_430] {strides = array<i32>} : memref<2x800x64xf32, #tpu.memory_space<vmem>>, vector<1x1x16xf32>,
        %get3A_432 = vector.shape_cast %get3A_431 : vector<1x1x16xf32> to vector<16xf32>
        %add3A_433 = arith.addf %get3A_432, %get3A_392 : vector<16xf32>
        %swap3A_434 = arith.constant 1 : i32
        %swap3A_435 = arith.index_cast %swap3A_434 : i32 to index
        %swap3A_436 = arith.index_cast %add3A_426 : i32 to index
        %swap3A_437 = arith.constant 16 : index
        %swap3A_438 = tpu.vector_load %arg7[%swap3A_435, %swap3A_436, %swap3A_437] {strides = array<i32>} : memref<2x800x64xf32, #tpu.memory_space<vmem>>, vector<1x1x16xf32>,
        %swap3A_439 = vector.shape_cast %swap3A_438 : vector<1x1x16xf32> to vector<16xf32>
        %swap3A_440 = vector.shape_cast %add3A_433 : vector<16xf32> to vector<1x1x16xf32>
        tpu.vector_store %arg7[%swap3A_435, %swap3A_436, %swap3A_437], %swap3A_440 {strides = array<i32>} : memref<2x800x64xf32, #tpu.memory_space<vmem>>, vector<1x1x16xf32>,
        %add3A_441 = arith.constant 600 : i32
        %add3A_442 = arith.addi %add3A_441, %scan3A_388 : i32
        %get3A_443 = arith.constant 1 : i32
        %get3A_444 = arith.index_cast %get3A_443 : i32 to index
        %get3A_445 = arith.index_cast %add3A_442 : i32 to index
        %get3A_446 = arith.constant 16 : index
        %get3A_447 = tpu.vector_load %arg7[%get3A_444, %get3A_445, %get3A_446] {strides = array<i32>} : memref<2x800x64xf32, #tpu.memory_space<vmem>>, vector<1x1x16xf32>,
        %get3A_448 = vector.shape_cast %get3A_447 : vector<1x1x16xf32> to vector<16xf32>
        %add3A_449 = arith.addf %get3A_448, %get3A_392 : vector<16xf32>
        %swap3A_450 = arith.constant 1 : i32
        %swap3A_451 = arith.index_cast %swap3A_450 : i32 to index
        %swap3A_452 = arith.index_cast %add3A_442 : i32 to index
        %swap3A_453 = arith.constant 16 : index
        %swap3A_454 = tpu.vector_load %arg7[%swap3A_451, %swap3A_452, %swap3A_453] {strides = array<i32>} : memref<2x800x64xf32, #tpu.memory_space<vmem>>, vector<1x1x16xf32>,
        %swap3A_455 = vector.shape_cast %swap3A_454 : vector<1x1x16xf32> to vector<16xf32>
        %swap3A_456 = vector.shape_cast %add3A_449 : vector<16xf32> to vector<1x1x16xf32>
        tpu.vector_store %arg7[%swap3A_451, %swap3A_452, %swap3A_453], %swap3A_456 {strides = array<i32>} : memref<2x800x64xf32, #tpu.memory_space<vmem>>, vector<1x1x16xf32>,
      }
      %scan3A_270 = arith.constant 200 : i32
      %scan3A_271 = arith.constant 0 : i32
      %scan3A_272 = arith.constant 0 : i32
      %scan3A_273 = arith.constant 200 : i32
      %scan3A_274 = arith.addi %scan3A_272, %scan3A_273 : i32
      %scan3A_275 = arith.constant 2 : i32
      scf.for %scan3A_320 = %scan3A_272 to %scan3A_274 step %scan3A_275  : i32 {
        %get3A = arith.index_cast %scan3A_320 : i32 to index
        %get3A_321 = arith.constant 32 : index
        %get3A_322 = tpu.vector_load %arg8[%get3A, %get3A_321] {strides = array<i32>} : memref<200x64xf32, #tpu.memory_space<vmem>>, vector<1x16xf32>,
        %get3A_323 = vector.shape_cast %get3A_322 : vector<1x16xf32> to vector<16xf32>
        %add3A_324 = arith.constant 0 : i32
        %add3A_325 = arith.addi %add3A_324, %scan3A_320 : i32
        %get3A_326 = arith.constant 1 : i32
        %get3A_327 = arith.index_cast %get3A_326 : i32 to index
        %get3A_328 = arith.index_cast %add3A_325 : i32 to index
        %get3A_329 = arith.constant 32 : index
        %get3A_330 = tpu.vector_load %arg7[%get3A_327, %get3A_328, %get3A_329] {strides = array<i32>} : memref<2x800x64xf32, #tpu.memory_space<vmem>>, vector<1x1x16xf32>,
        %get3A_331 = vector.shape_cast %get3A_330 : vector<1x1x16xf32> to vector<16xf32>
        %add3A_332 = arith.addf %get3A_331, %get3A_323 : vector<16xf32>
        %swap3A = arith.constant 1 : i32
        %swap3A_333 = arith.index_cast %swap3A : i32 to index
        %swap3A_334 = arith.index_cast %add3A_325 : i32 to index
        %swap3A_335 = arith.constant 32 : index
        %swap3A_336 = tpu.vector_load %arg7[%swap3A_333, %swap3A_334, %swap3A_335] {strides = array<i32>} : memref<2x800x64xf32, #tpu.memory_space<vmem>>, vector<1x1x16xf32>,
        %swap3A_337 = vector.shape_cast %swap3A_336 : vector<1x1x16xf32> to vector<16xf32>
        %swap3A_338 = vector.shape_cast %add3A_332 : vector<16xf32> to vector<1x1x16xf32>
        tpu.vector_store %arg7[%swap3A_333, %swap3A_334, %swap3A_335], %swap3A_338 {strides = array<i32>} : memref<2x800x64xf32, #tpu.memory_space<vmem>>, vector<1x1x16xf32>,
        %add3A_339 = arith.constant 200 : i32
        %add3A_340 = arith.addi %add3A_339, %scan3A_320 : i32
        %get3A_341 = arith.constant 1 : i32
        %get3A_342 = arith.index_cast %get3A_341 : i32 to index
        %get3A_343 = arith.index_cast %add3A_340 : i32 to index
        %get3A_344 = arith.constant 32 : index
        %get3A_345 = tpu.vector_load %arg7[%get3A_342, %get3A_343, %get3A_344] {strides = array<i32>} : memref<2x800x64xf32, #tpu.memory_space<vmem>>, vector<1x1x16xf32>,
        %get3A_346 = vector.shape_cast %get3A_345 : vector<1x1x16xf32> to vector<16xf32>
        %add3A_347 = arith.addf %get3A_346, %get3A_323 : vector<16xf32>
        %swap3A_348 = arith.constant 1 : i32
        %swap3A_349 = arith.index_cast %swap3A_348 : i32 to index
        %swap3A_350 = arith.index_cast %add3A_340 : i32 to index
        %swap3A_351 = arith.constant 32 : index
        %swap3A_352 = tpu.vector_load %arg7[%swap3A_349, %swap3A_350, %swap3A_351] {strides = array<i32>} : memref<2x800x64xf32, #tpu.memory_space<vmem>>, vector<1x1x16xf32>,
        %swap3A_353 = vector.shape_cast %swap3A_352 : vector<1x1x16xf32> to vector<16xf32>
        %swap3A_354 = vector.shape_cast %add3A_347 : vector<16xf32> to vector<1x1x16xf32>
        tpu.vector_store %arg7[%swap3A_349, %swap3A_350, %swap3A_351], %swap3A_354 {strides = array<i32>} : memref<2x800x64xf32, #tpu.memory_space<vmem>>, vector<1x1x16xf32>,
        %add3A_355 = arith.constant 400 : i32
        %add3A_356 = arith.addi %add3A_355, %scan3A_320 : i32
        %get3A_357 = arith.constant 1 : i32
        %get3A_358 = arith.index_cast %get3A_357 : i32 to index
        %get3A_359 = arith.index_cast %add3A_356 : i32 to index
        %get3A_360 = arith.constant 32 : index
        %get3A_361 = tpu.vector_load %arg7[%get3A_358, %get3A_359, %get3A_360] {strides = array<i32>} : memref<2x800x64xf32, #tpu.memory_space<vmem>>, vector<1x1x16xf32>,
        %get3A_362 = vector.shape_cast %get3A_361 : vector<1x1x16xf32> to vector<16xf32>
        %add3A_363 = arith.addf %get3A_362, %get3A_323 : vector<16xf32>
        %swap3A_364 = arith.constant 1 : i32
        %swap3A_365 = arith.index_cast %swap3A_364 : i32 to index
        %swap3A_366 = arith.index_cast %add3A_356 : i32 to index
        %swap3A_367 = arith.constant 32 : index
        %swap3A_368 = tpu.vector_load %arg7[%swap3A_365, %swap3A_366, %swap3A_367] {strides = array<i32>} : memref<2x800x64xf32, #tpu.memory_space<vmem>>, vector<1x1x16xf32>,
        %swap3A_369 = vector.shape_cast %swap3A_368 : vector<1x1x16xf32> to vector<16xf32>
        %swap3A_370 = vector.shape_cast %add3A_363 : vector<16xf32> to vector<1x1x16xf32>
        tpu.vector_store %arg7[%swap3A_365, %swap3A_366, %swap3A_367], %swap3A_370 {strides = array<i32>} : memref<2x800x64xf32, #tpu.memory_space<vmem>>, vector<1x1x16xf32>,
        %add3A_371 = arith.constant 600 : i32
        %add3A_372 = arith.addi %add3A_371, %scan3A_320 : i32
        %get3A_373 = arith.constant 1 : i32
        %get3A_374 = arith.index_cast %get3A_373 : i32 to index
        %get3A_375 = arith.index_cast %add3A_372 : i32 to index
        %get3A_376 = arith.constant 32 : index
        %get3A_377 = tpu.vector_load %arg7[%get3A_374, %get3A_375, %get3A_376] {strides = array<i32>} : memref<2x800x64xf32, #tpu.memory_space<vmem>>, vector<1x1x16xf32>,
        %get3A_378 = vector.shape_cast %get3A_377 : vector<1x1x16xf32> to vector<16xf32>
        %add3A_379 = arith.addf %get3A_378, %get3A_323 : vector<16xf32>
        %swap3A_380 = arith.constant 1 : i32
        %swap3A_381 = arith.index_cast %swap3A_380 : i32 to index
        %swap3A_382 = arith.index_cast %add3A_372 : i32 to index
        %swap3A_383 = arith.constant 32 : index
        %swap3A_384 = tpu.vector_load %arg7[%swap3A_381, %swap3A_382, %swap3A_383] {strides = array<i32>} : memref<2x800x64xf32, #tpu.memory_space<vmem>>, vector<1x1x16xf32>,
        %swap3A_385 = vector.shape_cast %swap3A_384 : vector<1x1x16xf32> to vector<16xf32>
        %swap3A_386 = vector.shape_cast %add3A_379 : vector<16xf32> to vector<1x1x16xf32>
        tpu.vector_store %arg7[%swap3A_381, %swap3A_382, %swap3A_383], %swap3A_386 {strides = array<i32>} : memref<2x800x64xf32, #tpu.memory_space<vmem>>, vector<1x1x16xf32>,
        %scan3A_387 = arith.constant 1 : i32
        %scan3A_388 = arith.addi %scan3A_320, %scan3A_387 : i32
        %get3A_389 = arith.index_cast %scan3A_388 : i32 to index
        %get3A_390 = arith.constant 32 : index
        %get3A_391 = tpu.vector_load %arg8[%get3A_389, %get3A_390] {strides = array<i32>} : memref<200x64xf32, #tpu.memory_space<vmem>>, vector<1x16xf32>,
        %get3A_392 = vector.shape_cast %get3A_391 : vector<1x16xf32> to vector<16xf32>
        %add3A_393 = arith.constant 0 : i32
        %add3A_394 = arith.addi %add3A_393, %scan3A_388 : i32
        %get3A_395 = arith.constant 1 : i32
        %get3A_396 = arith.index_cast %get3A_395 : i32 to index
        %get3A_397 = arith.index_cast %add3A_394 : i32 to index
        %get3A_398 = arith.constant 32 : index
        %get3A_399 = tpu.vector_load %arg7[%get3A_396, %get3A_397, %get3A_398] {strides = array<i32>} : memref<2x800x64xf32, #tpu.memory_space<vmem>>, vector<1x1x16xf32>,
        %get3A_400 = vector.shape_cast %get3A_399 : vector<1x1x16xf32> to vector<16xf32>
        %add3A_401 = arith.addf %get3A_400, %get3A_392 : vector<16xf32>
        %swap3A_402 = arith.constant 1 : i32
        %swap3A_403 = arith.index_cast %swap3A_402 : i32 to index
        %swap3A_404 = arith.index_cast %add3A_394 : i32 to index
        %swap3A_405 = arith.constant 32 : index
        %swap3A_406 = tpu.vector_load %arg7[%swap3A_403, %swap3A_404, %swap3A_405] {strides = array<i32>} : memref<2x800x64xf32, #tpu.memory_space<vmem>>, vector<1x1x16xf32>,
        %swap3A_407 = vector.shape_cast %swap3A_406 : vector<1x1x16xf32> to vector<16xf32>
        %swap3A_408 = vector.shape_cast %add3A_401 : vector<16xf32> to vector<1x1x16xf32>
        tpu.vector_store %arg7[%swap3A_403, %swap3A_404, %swap3A_405], %swap3A_408 {strides = array<i32>} : memref<2x800x64xf32, #tpu.memory_space<vmem>>, vector<1x1x16xf32>,
        %add3A_409 = arith.constant 200 : i32
        %add3A_410 = arith.addi %add3A_409, %scan3A_388 : i32
        %get3A_411 = arith.constant 1 : i32
        %get3A_412 = arith.index_cast %get3A_411 : i32 to index
        %get3A_413 = arith.index_cast %add3A_410 : i32 to index
        %get3A_414 = arith.constant 32 : index
        %get3A_415 = tpu.vector_load %arg7[%get3A_412, %get3A_413, %get3A_414] {strides = array<i32>} : memref<2x800x64xf32, #tpu.memory_space<vmem>>, vector<1x1x16xf32>,
        %get3A_416 = vector.shape_cast %get3A_415 : vector<1x1x16xf32> to vector<16xf32>
        %add3A_417 = arith.addf %get3A_416, %get3A_392 : vector<16xf32>
        %swap3A_418 = arith.constant 1 : i32
        %swap3A_419 = arith.index_cast %swap3A_418 : i32 to index
        %swap3A_420 = arith.index_cast %add3A_410 : i32 to index
        %swap3A_421 = arith.constant 32 : index
        %swap3A_422 = tpu.vector_load %arg7[%swap3A_419, %swap3A_420, %swap3A_421] {strides = array<i32>} : memref<2x800x64xf32, #tpu.memory_space<vmem>>, vector<1x1x16xf32>,
        %swap3A_423 = vector.shape_cast %swap3A_422 : vector<1x1x16xf32> to vector<16xf32>
        %swap3A_424 = vector.shape_cast %add3A_417 : vector<16xf32> to vector<1x1x16xf32>
        tpu.vector_store %arg7[%swap3A_419, %swap3A_420, %swap3A_421], %swap3A_424 {strides = array<i32>} : memref<2x800x64xf32, #tpu.memory_space<vmem>>, vector<1x1x16xf32>,
        %add3A_425 = arith.constant 400 : i32
        %add3A_426 = arith.addi %add3A_425, %scan3A_388 : i32
        %get3A_427 = arith.constant 1 : i32
        %get3A_428 = arith.index_cast %get3A_427 : i32 to index
        %get3A_429 = arith.index_cast %add3A_426 : i32 to index
        %get3A_430 = arith.constant 32 : index
        %get3A_431 = tpu.vector_load %arg7[%get3A_428, %get3A_429, %get3A_430] {strides = array<i32>} : memref<2x800x64xf32, #tpu.memory_space<vmem>>, vector<1x1x16xf32>,
        %get3A_432 = vector.shape_cast %get3A_431 : vector<1x1x16xf32> to vector<16xf32>
        %add3A_433 = arith.addf %get3A_432, %get3A_392 : vector<16xf32>
        %swap3A_434 = arith.constant 1 : i32
        %swap3A_435 = arith.index_cast %swap3A_434 : i32 to index
        %swap3A_436 = arith.index_cast %add3A_426 : i32 to index
        %swap3A_437 = arith.constant 32 : index
        %swap3A_438 = tpu.vector_load %arg7[%swap3A_435, %swap3A_436, %swap3A_437] {strides = array<i32>} : memref<2x800x64xf32, #tpu.memory_space<vmem>>, vector<1x1x16xf32>,
        %swap3A_439 = vector.shape_cast %swap3A_438 : vector<1x1x16xf32> to vector<16xf32>
        %swap3A_440 = vector.shape_cast %add3A_433 : vector<16xf32> to vector<1x1x16xf32>
        tpu.vector_store %arg7[%swap3A_435, %swap3A_436, %swap3A_437], %swap3A_440 {strides = array<i32>} : memref<2x800x64xf32, #tpu.memory_space<vmem>>, vector<1x1x16xf32>,
        %add3A_441 = arith.constant 600 : i32
        %add3A_442 = arith.addi %add3A_441, %scan3A_388 : i32
        %get3A_443 = arith.constant 1 : i32
        %get3A_444 = arith.index_cast %get3A_443 : i32 to index
        %get3A_445 = arith.index_cast %add3A_442 : i32 to index
        %get3A_446 = arith.constant 32 : index
        %get3A_447 = tpu.vector_load %arg7[%get3A_444, %get3A_445, %get3A_446] {strides = array<i32>} : memref<2x800x64xf32, #tpu.memory_space<vmem>>, vector<1x1x16xf32>,
        %get3A_448 = vector.shape_cast %get3A_447 : vector<1x1x16xf32> to vector<16xf32>
        %add3A_449 = arith.addf %get3A_448, %get3A_392 : vector<16xf32>
        %swap3A_450 = arith.constant 1 : i32
        %swap3A_451 = arith.index_cast %swap3A_450 : i32 to index
        %swap3A_452 = arith.index_cast %add3A_442 : i32 to index
        %swap3A_453 = arith.constant 32 : index
        %swap3A_454 = tpu.vector_load %arg7[%swap3A_451, %swap3A_452, %swap3A_453] {strides = array<i32>} : memref<2x800x64xf32, #tpu.memory_space<vmem>>, vector<1x1x16xf32>,
        %swap3A_455 = vector.shape_cast %swap3A_454 : vector<1x1x16xf32> to vector<16xf32>
        %swap3A_456 = vector.shape_cast %add3A_449 : vector<16xf32> to vector<1x1x16xf32>
        tpu.vector_store %arg7[%swap3A_451, %swap3A_452, %swap3A_453], %swap3A_456 {strides = array<i32>} : memref<2x800x64xf32, #tpu.memory_space<vmem>>, vector<1x1x16xf32>,
      }
      %scan3A_276 = arith.constant 200 : i32
      %scan3A_277 = arith.constant 0 : i32
      %scan3A_278 = arith.constant 0 : i32
      %scan3A_279 = arith.constant 200 : i32
      %scan3A_280 = arith.addi %scan3A_278, %scan3A_279 : i32
      %scan3A_281 = arith.constant 2 : i32
      scf.for %scan3A_320 = %scan3A_278 to %scan3A_280 step %scan3A_281  : i32 {
        %get3A = arith.index_cast %scan3A_320 : i32 to index
        %get3A_321 = arith.constant 48 : index
        %get3A_322 = tpu.vector_load %arg8[%get3A, %get3A_321] {strides = array<i32>} : memref<200x64xf32, #tpu.memory_space<vmem>>, vector<1x16xf32>,
        %get3A_323 = vector.shape_cast %get3A_322 : vector<1x16xf32> to vector<16xf32>
        %add3A_324 = arith.constant 0 : i32
        %add3A_325 = arith.addi %add3A_324, %scan3A_320 : i32
        %get3A_326 = arith.constant 1 : i32
        %get3A_327 = arith.index_cast %get3A_326 : i32 to index
        %get3A_328 = arith.index_cast %add3A_325 : i32 to index
        %get3A_329 = arith.constant 48 : index
        %get3A_330 = tpu.vector_load %arg7[%get3A_327, %get3A_328, %get3A_329] {strides = array<i32>} : memref<2x800x64xf32, #tpu.memory_space<vmem>>, vector<1x1x16xf32>,
        %get3A_331 = vector.shape_cast %get3A_330 : vector<1x1x16xf32> to vector<16xf32>
        %add3A_332 = arith.addf %get3A_331, %get3A_323 : vector<16xf32>
        %swap3A = arith.constant 1 : i32
        %swap3A_333 = arith.index_cast %swap3A : i32 to index
        %swap3A_334 = arith.index_cast %add3A_325 : i32 to index
        %swap3A_335 = arith.constant 48 : index
        %swap3A_336 = tpu.vector_load %arg7[%swap3A_333, %swap3A_334, %swap3A_335] {strides = array<i32>} : memref<2x800x64xf32, #tpu.memory_space<vmem>>, vector<1x1x16xf32>,
        %swap3A_337 = vector.shape_cast %swap3A_336 : vector<1x1x16xf32> to vector<16xf32>
        %swap3A_338 = vector.shape_cast %add3A_332 : vector<16xf32> to vector<1x1x16xf32>
        tpu.vector_store %arg7[%swap3A_333, %swap3A_334, %swap3A_335], %swap3A_338 {strides = array<i32>} : memref<2x800x64xf32, #tpu.memory_space<vmem>>, vector<1x1x16xf32>,
        %add3A_339 = arith.constant 200 : i32
        %add3A_340 = arith.addi %add3A_339, %scan3A_320 : i32
        %get3A_341 = arith.constant 1 : i32
        %get3A_342 = arith.index_cast %get3A_341 : i32 to index
        %get3A_343 = arith.index_cast %add3A_340 : i32 to index
        %get3A_344 = arith.constant 48 : index
        %get3A_345 = tpu.vector_load %arg7[%get3A_342, %get3A_343, %get3A_344] {strides = array<i32>} : memref<2x800x64xf32, #tpu.memory_space<vmem>>, vector<1x1x16xf32>,
        %get3A_346 = vector.shape_cast %get3A_345 : vector<1x1x16xf32> to vector<16xf32>
        %add3A_347 = arith.addf %get3A_346, %get3A_323 : vector<16xf32>
        %swap3A_348 = arith.constant 1 : i32
        %swap3A_349 = arith.index_cast %swap3A_348 : i32 to index
        %swap3A_350 = arith.index_cast %add3A_340 : i32 to index
        %swap3A_351 = arith.constant 48 : index
        %swap3A_352 = tpu.vector_load %arg7[%swap3A_349, %swap3A_350, %swap3A_351] {strides = array<i32>} : memref<2x800x64xf32, #tpu.memory_space<vmem>>, vector<1x1x16xf32>,
        %swap3A_353 = vector.shape_cast %swap3A_352 : vector<1x1x16xf32> to vector<16xf32>
        %swap3A_354 = vector.shape_cast %add3A_347 : vector<16xf32> to vector<1x1x16xf32>
        tpu.vector_store %arg7[%swap3A_349, %swap3A_350, %swap3A_351], %swap3A_354 {strides = array<i32>} : memref<2x800x64xf32, #tpu.memory_space<vmem>>, vector<1x1x16xf32>,
        %add3A_355 = arith.constant 400 : i32
        %add3A_356 = arith.addi %add3A_355, %scan3A_320 : i32
        %get3A_357 = arith.constant 1 : i32
        %get3A_358 = arith.index_cast %get3A_357 : i32 to index
        %get3A_359 = arith.index_cast %add3A_356 : i32 to index
        %get3A_360 = arith.constant 48 : index
        %get3A_361 = tpu.vector_load %arg7[%get3A_358, %get3A_359, %get3A_360] {strides = array<i32>} : memref<2x800x64xf32, #tpu.memory_space<vmem>>, vector<1x1x16xf32>,
        %get3A_362 = vector.shape_cast %get3A_361 : vector<1x1x16xf32> to vector<16xf32>
        %add3A_363 = arith.addf %get3A_362, %get3A_323 : vector<16xf32>
        %swap3A_364 = arith.constant 1 : i32
        %swap3A_365 = arith.index_cast %swap3A_364 : i32 to index
        %swap3A_366 = arith.index_cast %add3A_356 : i32 to index
        %swap3A_367 = arith.constant 48 : index
        %swap3A_368 = tpu.vector_load %arg7[%swap3A_365, %swap3A_366, %swap3A_367] {strides = array<i32>} : memref<2x800x64xf32, #tpu.memory_space<vmem>>, vector<1x1x16xf32>,
        %swap3A_369 = vector.shape_cast %swap3A_368 : vector<1x1x16xf32> to vector<16xf32>
        %swap3A_370 = vector.shape_cast %add3A_363 : vector<16xf32> to vector<1x1x16xf32>
        tpu.vector_store %arg7[%swap3A_365, %swap3A_366, %swap3A_367], %swap3A_370 {strides = array<i32>} : memref<2x800x64xf32, #tpu.memory_space<vmem>>, vector<1x1x16xf32>,
        %add3A_371 = arith.constant 600 : i32
        %add3A_372 = arith.addi %add3A_371, %scan3A_320 : i32
        %get3A_373 = arith.constant 1 : i32
        %get3A_374 = arith.index_cast %get3A_373 : i32 to index
        %get3A_375 = arith.index_cast %add3A_372 : i32 to index
        %get3A_376 = arith.constant 48 : index
        %get3A_377 = tpu.vector_load %arg7[%get3A_374, %get3A_375, %get3A_376] {strides = array<i32>} : memref<2x800x64xf32, #tpu.memory_space<vmem>>, vector<1x1x16xf32>,
        %get3A_378 = vector.shape_cast %get3A_377 : vector<1x1x16xf32> to vector<16xf32>
        %add3A_379 = arith.addf %get3A_378, %get3A_323 : vector<16xf32>
        %swap3A_380 = arith.constant 1 : i32
        %swap3A_381 = arith.index_cast %swap3A_380 : i32 to index
        %swap3A_382 = arith.index_cast %add3A_372 : i32 to index
        %swap3A_383 = arith.constant 48 : index
        %swap3A_384 = tpu.vector_load %arg7[%swap3A_381, %swap3A_382, %swap3A_383] {strides = array<i32>} : memref<2x800x64xf32, #tpu.memory_space<vmem>>, vector<1x1x16xf32>,
        %swap3A_385 = vector.shape_cast %swap3A_384 : vector<1x1x16xf32> to vector<16xf32>
        %swap3A_386 = vector.shape_cast %add3A_379 : vector<16xf32> to vector<1x1x16xf32>
        tpu.vector_store %arg7[%swap3A_381, %swap3A_382, %swap3A_383], %swap3A_386 {strides = array<i32>} : memref<2x800x64xf32, #tpu.memory_space<vmem>>, vector<1x1x16xf32>,
        %scan3A_387 = arith.constant 1 : i32
        %scan3A_388 = arith.addi %scan3A_320, %scan3A_387 : i32
        %get3A_389 = arith.index_cast %scan3A_388 : i32 to index
        %get3A_390 = arith.constant 48 : index
        %get3A_391 = tpu.vector_load %arg8[%get3A_389, %get3A_390] {strides = array<i32>} : memref<200x64xf32, #tpu.memory_space<vmem>>, vector<1x16xf32>,
        %get3A_392 = vector.shape_cast %get3A_391 : vector<1x16xf32> to vector<16xf32>
        %add3A_393 = arith.constant 0 : i32
        %add3A_394 = arith.addi %add3A_393, %scan3A_388 : i32
        %get3A_395 = arith.constant 1 : i32
        %get3A_396 = arith.index_cast %get3A_395 : i32 to index
        %get3A_397 = arith.index_cast %add3A_394 : i32 to index
        %get3A_398 = arith.constant 48 : index
        %get3A_399 = tpu.vector_load %arg7[%get3A_396, %get3A_397, %get3A_398] {strides = array<i32>} : memref<2x800x64xf32, #tpu.memory_space<vmem>>, vector<1x1x16xf32>,
        %get3A_400 = vector.shape_cast %get3A_399 : vector<1x1x16xf32> to vector<16xf32>
        %add3A_401 = arith.addf %get3A_400, %get3A_392 : vector<16xf32>
        %swap3A_402 = arith.constant 1 : i32
        %swap3A_403 = arith.index_cast %swap3A_402 : i32 to index
        %swap3A_404 = arith.index_cast %add3A_394 : i32 to index
        %swap3A_405 = arith.constant 48 : index
        %swap3A_406 = tpu.vector_load %arg7[%swap3A_403, %swap3A_404, %swap3A_405] {strides = array<i32>} : memref<2x800x64xf32, #tpu.memory_space<vmem>>, vector<1x1x16xf32>,
        %swap3A_407 = vector.shape_cast %swap3A_406 : vector<1x1x16xf32> to vector<16xf32>
        %swap3A_408 = vector.shape_cast %add3A_401 : vector<16xf32> to vector<1x1x16xf32>
        tpu.vector_store %arg7[%swap3A_403, %swap3A_404, %swap3A_405], %swap3A_408 {strides = array<i32>} : memref<2x800x64xf32, #tpu.memory_space<vmem>>, vector<1x1x16xf32>,
        %add3A_409 = arith.constant 200 : i32
        %add3A_410 = arith.addi %add3A_409, %scan3A_388 : i32
        %get3A_411 = arith.constant 1 : i32
        %get3A_412 = arith.index_cast %get3A_411 : i32 to index
        %get3A_413 = arith.index_cast %add3A_410 : i32 to index
        %get3A_414 = arith.constant 48 : index
        %get3A_415 = tpu.vector_load %arg7[%get3A_412, %get3A_413, %get3A_414] {strides = array<i32>} : memref<2x800x64xf32, #tpu.memory_space<vmem>>, vector<1x1x16xf32>,
        %get3A_416 = vector.shape_cast %get3A_415 : vector<1x1x16xf32> to vector<16xf32>
        %add3A_417 = arith.addf %get3A_416, %get3A_392 : vector<16xf32>
        %swap3A_418 = arith.constant 1 : i32
        %swap3A_419 = arith.index_cast %swap3A_418 : i32 to index
        %swap3A_420 = arith.index_cast %add3A_410 : i32 to index
        %swap3A_421 = arith.constant 48 : index
        %swap3A_422 = tpu.vector_load %arg7[%swap3A_419, %swap3A_420, %swap3A_421] {strides = array<i32>} : memref<2x800x64xf32, #tpu.memory_space<vmem>>, vector<1x1x16xf32>,
        %swap3A_423 = vector.shape_cast %swap3A_422 : vector<1x1x16xf32> to vector<16xf32>
        %swap3A_424 = vector.shape_cast %add3A_417 : vector<16xf32> to vector<1x1x16xf32>
        tpu.vector_store %arg7[%swap3A_419, %swap3A_420, %swap3A_421], %swap3A_424 {strides = array<i32>} : memref<2x800x64xf32, #tpu.memory_space<vmem>>, vector<1x1x16xf32>,
        %add3A_425 = arith.constant 400 : i32
        %add3A_426 = arith.addi %add3A_425, %scan3A_388 : i32
        %get3A_427 = arith.constant 1 : i32
        %get3A_428 = arith.index_cast %get3A_427 : i32 to index
        %get3A_429 = arith.index_cast %add3A_426 : i32 to index
        %get3A_430 = arith.constant 48 : index
        %get3A_431 = tpu.vector_load %arg7[%get3A_428, %get3A_429, %get3A_430] {strides = array<i32>} : memref<2x800x64xf32, #tpu.memory_space<vmem>>, vector<1x1x16xf32>,
        %get3A_432 = vector.shape_cast %get3A_431 : vector<1x1x16xf32> to vector<16xf32>
        %add3A_433 = arith.addf %get3A_432, %get3A_392 : vector<16xf32>
        %swap3A_434 = arith.constant 1 : i32
        %swap3A_435 = arith.index_cast %swap3A_434 : i32 to index
        %swap3A_436 = arith.index_cast %add3A_426 : i32 to index
        %swap3A_437 = arith.constant 48 : index
        %swap3A_438 = tpu.vector_load %arg7[%swap3A_435, %swap3A_436, %swap3A_437] {strides = array<i32>} : memref<2x800x64xf32, #tpu.memory_space<vmem>>, vector<1x1x16xf32>,
        %swap3A_439 = vector.shape_cast %swap3A_438 : vector<1x1x16xf32> to vector<16xf32>
        %swap3A_440 = vector.shape_cast %add3A_433 : vector<16xf32> to vector<1x1x16xf32>
        tpu.vector_store %arg7[%swap3A_435, %swap3A_436, %swap3A_437], %swap3A_440 {strides = array<i32>} : memref<2x800x64xf32, #tpu.memory_space<vmem>>, vector<1x1x16xf32>,
        %add3A_441 = arith.constant 600 : i32
        %add3A_442 = arith.addi %add3A_441, %scan3A_388 : i32
        %get3A_443 = arith.constant 1 : i32
        %get3A_444 = arith.index_cast %get3A_443 : i32 to index
        %get3A_445 = arith.index_cast %add3A_442 : i32 to index
        %get3A_446 = arith.constant 48 : index
        %get3A_447 = tpu.vector_load %arg7[%get3A_444, %get3A_445, %get3A_446] {strides = array<i32>} : memref<2x800x64xf32, #tpu.memory_space<vmem>>, vector<1x1x16xf32>,
        %get3A_448 = vector.shape_cast %get3A_447 : vector<1x1x16xf32> to vector<16xf32>
        %add3A_449 = arith.addf %get3A_448, %get3A_392 : vector<16xf32>
        %swap3A_450 = arith.constant 1 : i32
        %swap3A_451 = arith.index_cast %swap3A_450 : i32 to index
        %swap3A_452 = arith.index_cast %add3A_442 : i32 to index
        %swap3A_453 = arith.constant 48 : index
        %swap3A_454 = tpu.vector_load %arg7[%swap3A_451, %swap3A_452, %swap3A_453] {strides = array<i32>} : memref<2x800x64xf32, #tpu.memory_space<vmem>>, vector<1x1x16xf32>,
        %swap3A_455 = vector.shape_cast %swap3A_454 : vector<1x1x16xf32> to vector<16xf32>
        %swap3A_456 = vector.shape_cast %add3A_449 : vector<16xf32> to vector<1x1x16xf32>
        tpu.vector_store %arg7[%swap3A_451, %swap3A_452, %swap3A_453], %swap3A_456 {strides = array<i32>} : memref<2x800x64xf32, #tpu.memory_space<vmem>>, vector<1x1x16xf32>,
      }
      %scan3A_282 = arith.constant 200 : i32
      %gt3A_283 = arith.constant 0 : i32
      %gt3A_284 = arith.cmpi sgt, %add3A_233, %gt3A_283 : i32
      %convert_element_type3A_285 = arith.extui %gt3A_284 : i1 to i32
      %cond3A_286 = arith.constant 0 : i32
      %cond3A_287 = arith.cmpi ne, %convert_element_type3A_285, %cond3A_286 : i32
      scf.if %cond3A_287 {
        %sub3A = arith.constant 1 : i32
        %sub3A_320 = arith.subi %add3A_233, %sub3A : i32
        %mul3A_321 = arith.constant 4 : i32
        %mul3A_322 = arith.muli %sub3A_320, %mul3A_321 : i32
        %add3A_323 = arith.addi %mul3A_2, %mul3A_322 : i32
        %mul3A_324 = arith.constant 200 : i32
        %mul3A_325 = arith.muli %add3A_323, %mul3A_324 : i32
        %multiple_of3A_326 = tpu.assume_multiple %mul3A_325, 800 : i32
        %sub3A_327 = arith.constant 1 : i32
        %sub3A_328 = arith.subi %add3A_233, %sub3A_327 : i32
        %mul3A_329 = arith.constant 4 : i32
        %mul3A_330 = arith.muli %sub3A_328, %mul3A_329 : i32
        %add3A_331 = arith.addi %mul3A_2, %mul3A_330 : i32
        %mul3A_332 = arith.constant 200 : i32
        %mul3A_333 = arith.muli %add3A_331, %mul3A_332 : i32
        %multiple_of3A_334 = tpu.assume_multiple %mul3A_333, 800 : i32
        %dma_wait3A_335 = arith.constant 0 : i32
        %dma_wait3A_336 = arith.constant 0 : i32
        %dma_wait3A_337 = arith.constant 0 : i32
        %dma_wait3A_338 = tpu.memref_slice %arg7[%dma_wait3A_335, %dma_wait3A_336, %dma_wait3A_337] : memref<2x800x64xf32, #tpu.memory_space<vmem>> -> memref<1x800x64xf32, #tpu.memory_space<vmem>>
        %dma_wait3A_339 = tpu.memref_squeeze %dma_wait3A_338 : memref<1x800x64xf32, #tpu.memory_space<vmem>> -> memref<800x64xf32, #tpu.memory_space<vmem>>
        %dma_wait3A_340 = arith.constant 0 : i32
        %dma_wait3A_341 = tpu.memref_slice %arg5[%multiple_of3A_326, %dma_wait3A_340] : memref<819200x128xf32, #tpu.memory_space<hbm>> -> memref<800x64xf32, #tpu.memory_space<hbm>>
        %dma_wait3A_342 = arith.constant 0 : i32
        %dma_wait3A_343 = tpu.memref_slice %arg5[%multiple_of3A_326, %dma_wait3A_342] : memref<819200x128xf32, #tpu.memory_space<hbm>> -> memref<800x64xf32, #tpu.memory_space<hbm>>
        %dma_wait3A_344 = arith.constant 0 : i32
        %dma_wait3A_345 = arith.constant 0 : i32
        %dma_wait3A_346 = tpu.memref_slice %arg7[%dma_wait3A_335, %dma_wait3A_344, %dma_wait3A_345] : memref<2x800x64xf32, #tpu.memory_space<vmem>> -> memref<1x800x64xf32, #tpu.memory_space<vmem>>
        %dma_wait3A_347 = tpu.memref_squeeze %dma_wait3A_346 : memref<1x800x64xf32, #tpu.memory_space<vmem>> -> memref<800x64xf32, #tpu.memory_space<vmem>>
        tpu.wait_dma2 semaphore(%arg11 : memref<!tpu.dma_semaphore, #tpu.memory_space<semaphore_mem>>) src(%dma_wait3A_347 : memref<800x64xf32, #tpu.memory_space<vmem>>) dst(%dma_wait3A_343 : memref<800x64xf32, #tpu.memory_space<hbm>>)
      } else {
      }
      %mul3A_288 = arith.constant 4 : i32
      %mul3A_289 = arith.muli %add3A_233, %mul3A_288 : i32
      %add3A_290 = arith.addi %mul3A_2, %mul3A_289 : i32
      %mul3A_291 = arith.constant 200 : i32
      %mul3A_292 = arith.muli %add3A_290, %mul3A_291 : i32
      %multiple_of3A_293 = tpu.assume_multiple %mul3A_292, 800 : i32
      %mul3A_294 = arith.constant 4 : i32
      %mul3A_295 = arith.muli %add3A_233, %mul3A_294 : i32
      %add3A_296 = arith.addi %mul3A_2, %mul3A_295 : i32
      %mul3A_297 = arith.constant 200 : i32
      %mul3A_298 = arith.muli %add3A_296, %mul3A_297 : i32
      %multiple_of3A_299 = tpu.assume_multiple %mul3A_298, 800 : i32
      %dma_start3A_300 = arith.constant 1 : i32
      %dma_start3A_301 = arith.constant 0 : i32
      %dma_start3A_302 = arith.constant 0 : i32
      %dma_start3A_303 = tpu.memref_slice %arg7[%dma_start3A_300, %dma_start3A_301, %dma_start3A_302] : memref<2x800x64xf32, #tpu.memory_space<vmem>> -> memref<1x800x64xf32, #tpu.memory_space<vmem>>
      %dma_start3A_304 = tpu.memref_squeeze %dma_start3A_303 : memref<1x800x64xf32, #tpu.memory_space<vmem>> -> memref<800x64xf32, #tpu.memory_space<vmem>>
      %dma_start3A_305 = arith.constant 0 : i32
      %dma_start3A_306 = tpu.memref_slice %arg5[%multiple_of3A_293, %dma_start3A_305] : memref<819200x128xf32, #tpu.memory_space<hbm>> -> memref<800x64xf32, #tpu.memory_space<hbm>>
      %dma_start3A_307 = arith.constant 0 : i32
      %dma_start3A_308 = tpu.memref_slice %arg5[%multiple_of3A_293, %dma_start3A_307] : memref<819200x128xf32, #tpu.memory_space<hbm>> -> memref<800x64xf32, #tpu.memory_space<hbm>>
      %dma_start3A_309 = arith.constant 0 : i32
      %dma_start3A_310 = arith.constant 0 : i32
      %dma_start3A_311 = tpu.memref_slice %arg7[%dma_start3A_300, %dma_start3A_309, %dma_start3A_310] : memref<2x800x64xf32, #tpu.memory_space<vmem>> -> memref<1x800x64xf32, #tpu.memory_space<vmem>>
      %dma_start3A_312 = tpu.memref_squeeze %dma_start3A_311 : memref<1x800x64xf32, #tpu.memory_space<vmem>> -> memref<800x64xf32, #tpu.memory_space<vmem>>
      tpu.enqueue_dma source(%dma_start3A_312 : memref<800x64xf32, #tpu.memory_space<vmem>>) target(%dma_start3A_308 : memref<800x64xf32, #tpu.memory_space<hbm>>) target_semaphore(%arg12 : memref<!tpu.dma_semaphore, #tpu.memory_space<semaphore_mem>>)
      %add3A_313 = arith.constant 1 : i32
      %add3A_314 = arith.addi %add3A_233, %add3A_313 : i32
      %lt3A_315 = arith.constant 32 : i32
      %lt3A_316 = arith.cmpi slt, %add3A_314, %lt3A_315 : i32
      %convert_element_type3A_317 = arith.extui %lt3A_316 : i1 to i32
      %cond3A_318 = arith.constant 0 : i32
      %cond3A_319 = arith.cmpi ne, %convert_element_type3A_317, %cond3A_318 : i32
      scf.if %cond3A_319 {
        %add3A_320 = arith.constant 1 : i32
        %add3A_321 = arith.addi %add3A_233, %add3A_320 : i32
        %rem3A_322 = arith.constant 2 : i32
        %rem3A_323 = arith.remsi %add3A_321, %rem3A_322 : i32
        %eq3A = arith.constant 0 : i32
        %eq3A_324 = arith.cmpi eq, %rem3A_323, %eq3A : i32
        %convert_element_type3A_325 = arith.extui %eq3A_324 : i1 to i32
        %cond3A_326 = arith.constant 0 : i32
        %cond3A_327 = arith.cmpi ne, %convert_element_type3A_325, %cond3A_326 : i32
        scf.if %cond3A_327 {
          %add3A_457 = arith.constant 1 : i32
          %add3A_458 = arith.addi %add3A_233, %add3A_457 : i32
          %jit3A_459 = arith.constant 2 : i32
          %div3A_460 = arith.divsi %add3A_458, %jit3A_459 : i32
          %sign3A_461 = arith.constant 0 : i32
          %sign3A_462 = arith.cmpi sgt, %add3A_458, %sign3A_461 : i32
          %sign3A_463 = arith.extui %sign3A_462 : i1 to i32
          %sign3A_464 = arith.constant 0 : i32
          %sign3A_465 = arith.cmpi slt, %add3A_458, %sign3A_464 : i32
          %sign3A_466 = arith.extui %sign3A_465 : i1 to i32
          %sign3A_467 = arith.subi %sign3A_463, %sign3A_466 : i32
          %sign3A_468 = arith.constant 0 : i32
          %sign3A_469 = arith.cmpi sgt, %jit3A_459, %sign3A_468 : i32
          %sign3A_470 = arith.extui %sign3A_469 : i1 to i32
          %sign3A_471 = arith.constant 0 : i32
          %sign3A_472 = arith.cmpi slt, %jit3A_459, %sign3A_471 : i32
          %sign3A_473 = arith.extui %sign3A_472 : i1 to i32
          %sign3A_474 = arith.subi %sign3A_470, %sign3A_473 : i32
          %ne3A_475 = arith.cmpi ne, %sign3A_467, %sign3A_474 : i32
          %rem3A_476 = arith.remsi %add3A_458, %jit3A_459 : i32
          %ne3A_477 = arith.constant 0 : i32
          %ne3A_478 = arith.cmpi ne, %rem3A_476, %ne3A_477 : i32
          %and3A_479 = arith.andi %ne3A_475, %ne3A_478 : i1
          %sub3A_480 = arith.constant 1 : i32
          %sub3A_481 = arith.subi %div3A_460, %sub3A_480 : i32
          %select_n3A_482 = arith.select %and3A_479, %sub3A_481, %div3A_460 : i32
          %mul3A_483 = arith.constant 8 : i32
          %mul3A_484 = arith.muli %select_n3A_482, %mul3A_483 : i32
          %add3A_485 = arith.addi %mul3A_2, %mul3A_484 : i32
          %multiple_of3A_486 = tpu.assume_multiple %add3A_485, 8 : i32
          %rem3A_487 = arith.constant 2 : i32
          %rem3A_488 = arith.remsi %select_n3A_482, %rem3A_487 : i32
          "tpu.region"() ({
            %run_scoped3A = tpu.sem_alloc : memref<!tpu.dma_semaphore, #tpu.memory_space<semaphore_mem>>
            %dma_start3A_489 = arith.constant 0 : i32
            %dma_start3A_490 = arith.constant 0 : i32
            %dma_start3A_491 = tpu.memref_slice %arg6[%rem3A_488, %dma_start3A_489, %dma_start3A_490] : memref<2x8x200xi32, #tpu.memory_space<vmem>> -> memref<1x8x200xi32, #tpu.memory_space<vmem>>
            %dma_start3A_492 = tpu.memref_squeeze %dma_start3A_491 : memref<1x8x200xi32, #tpu.memory_space<vmem>> -> memref<8x200xi32, #tpu.memory_space<vmem>>
            %dma_start3A_493 = arith.constant 0 : i32
            %dma_start3A_494 = tpu.memref_slice %arg2[%multiple_of3A_486, %dma_start3A_493] : memref<4096x200xi32, #tpu.memory_space<hbm>> -> memref<8x200xi32, #tpu.memory_space<hbm>>
            %dma_start3A_495 = arith.constant 0 : i32
            %dma_start3A_496 = arith.constant 0 : i32
            %dma_start3A_497 = tpu.memref_slice %arg6[%rem3A_488, %dma_start3A_495, %dma_start3A_496] : memref<2x8x200xi32, #tpu.memory_space<vmem>> -> memref<1x8x200xi32, #tpu.memory_space<vmem>>
            %dma_start3A_498 = tpu.memref_squeeze %dma_start3A_497 : memref<1x8x200xi32, #tpu.memory_space<vmem>> -> memref<8x200xi32, #tpu.memory_space<vmem>>
            %dma_start3A_499 = arith.constant 0 : i32
            %dma_start3A_500 = tpu.memref_slice %arg2[%multiple_of3A_486, %dma_start3A_499] : memref<4096x200xi32, #tpu.memory_space<hbm>> -> memref<8x200xi32, #tpu.memory_space<hbm>>
            tpu.enqueue_dma source(%dma_start3A_500 : memref<8x200xi32, #tpu.memory_space<hbm>>) target(%dma_start3A_498 : memref<8x200xi32, #tpu.memory_space<vmem>>) target_semaphore(%run_scoped3A : memref<!tpu.dma_semaphore, #tpu.memory_space<semaphore_mem>>)
            %dma_wait3A_501 = arith.constant 0 : i32
            %dma_wait3A_502 = arith.constant 0 : i32
            %dma_wait3A_503 = tpu.memref_slice %arg6[%rem3A_488, %dma_wait3A_501, %dma_wait3A_502] : memref<2x8x200xi32, #tpu.memory_space<vmem>> -> memref<1x8x200xi32, #tpu.memory_space<vmem>>
            %dma_wait3A_504 = tpu.memref_squeeze %dma_wait3A_503 : memref<1x8x200xi32, #tpu.memory_space<vmem>> -> memref<8x200xi32, #tpu.memory_space<vmem>>
            %dma_wait3A_505 = arith.constant 0 : i32
            %dma_wait3A_506 = tpu.memref_slice %arg2[%multiple_of3A_486, %dma_wait3A_505] : memref<4096x200xi32, #tpu.memory_space<hbm>> -> memref<8x200xi32, #tpu.memory_space<hbm>>
            %dma_wait3A_507 = arith.constant 0 : i32
            %dma_wait3A_508 = arith.constant 0 : i32
            %dma_wait3A_509 = tpu.memref_slice %arg6[%rem3A_488, %dma_wait3A_507, %dma_wait3A_508] : memref<2x8x200xi32, #tpu.memory_space<vmem>> -> memref<1x8x200xi32, #tpu.memory_space<vmem>>
            %dma_wait3A_510 = tpu.memref_squeeze %dma_wait3A_509 : memref<1x8x200xi32, #tpu.memory_space<vmem>> -> memref<8x200xi32, #tpu.memory_space<vmem>>
            %dma_wait3A_511 = arith.constant 0 : i32
            %dma_wait3A_512 = tpu.memref_slice %arg2[%multiple_of3A_486, %dma_wait3A_511] : memref<4096x200xi32, #tpu.memory_space<hbm>> -> memref<8x200xi32, #tpu.memory_space<hbm>>
            tpu.wait_dma2 semaphore(%run_scoped3A : memref<!tpu.dma_semaphore, #tpu.memory_space<semaphore_mem>>) src(%dma_wait3A_512 : memref<8x200xi32, #tpu.memory_space<hbm>>) dst(%dma_wait3A_510 : memref<8x200xi32, #tpu.memory_space<vmem>>)
            tpu.yield
          }) : () -> ()
        } else {
        }
        %add3A_328 = arith.constant 1 : i32
        %add3A_329 = arith.addi %add3A_233, %add3A_328 : i32
        %jit3A = arith.constant 2 : i32
        %div3A = arith.divsi %add3A_329, %jit3A : i32
        %sign3A = arith.constant 0 : i32
        %sign3A_330 = arith.cmpi sgt, %add3A_329, %sign3A : i32
        %sign3A_331 = arith.extui %sign3A_330 : i1 to i32
        %sign3A_332 = arith.constant 0 : i32
        %sign3A_333 = arith.cmpi slt, %add3A_329, %sign3A_332 : i32
        %sign3A_334 = arith.extui %sign3A_333 : i1 to i32
        %sign3A_335 = arith.subi %sign3A_331, %sign3A_334 : i32
        %sign3A_336 = arith.constant 0 : i32
        %sign3A_337 = arith.cmpi sgt, %jit3A, %sign3A_336 : i32
        %sign3A_338 = arith.extui %sign3A_337 : i1 to i32
        %sign3A_339 = arith.constant 0 : i32
        %sign3A_340 = arith.cmpi slt, %jit3A, %sign3A_339 : i32
        %sign3A_341 = arith.extui %sign3A_340 : i1 to i32
        %sign3A_342 = arith.subi %sign3A_338, %sign3A_341 : i32
        %ne3A = arith.cmpi ne, %sign3A_335, %sign3A_342 : i32
        %rem3A_343 = arith.remsi %add3A_329, %jit3A : i32
        %ne3A_344 = arith.constant 0 : i32
        %ne3A_345 = arith.cmpi ne, %rem3A_343, %ne3A_344 : i32
        %and3A = arith.andi %ne3A, %ne3A_345 : i1
        %sub3A = arith.constant 1 : i32
        %sub3A_346 = arith.subi %div3A, %sub3A : i32
        %select_n3A = arith.select %and3A, %sub3A_346, %div3A : i32
        %rem3A_347 = arith.constant 2 : i32
        %rem3A_348 = arith.remsi %select_n3A, %rem3A_347 : i32
        %rem3A_349 = arith.constant 2 : i32
        %rem3A_350 = arith.remsi %add3A_329, %rem3A_349 : i32
        %mul3A_351 = arith.constant 4 : i32
        %mul3A_352 = arith.muli %rem3A_350, %mul3A_351 : i32
        %add3A_353 = arith.constant 0 : i32
        %add3A_354 = arith.addi %mul3A_352, %add3A_353 : i32
        %dma_start3A_355 = arith.constant 0 : i32
        %dma_start3A_356 = arith.constant 0 : i32
        %dma_start3A_357 = arith.constant 0 : i32
        %dma_start3A_358 = tpu.memref_slice %arg7[%dma_start3A_355, %dma_start3A_356, %dma_start3A_357] : memref<2x800x64xf32, #tpu.memory_space<vmem>> -> memref<1x104x64xf32, #tpu.memory_space<vmem>>
        %dma_start3A_359 = tpu.memref_squeeze %dma_start3A_358 : memref<1x104x64xf32, #tpu.memory_space<vmem>> -> memref<104x64xf32, #tpu.memory_space<vmem>>
        %dma_start3A_360 = arith.constant 0 : i32
        %dma_start3A_361 = tpu.memref_slice %arg6[%rem3A_348, %add3A_354, %dma_start3A_360] : memref<2x8x200xi32, #tpu.memory_space<vmem>> -> memref<1x1x104xi32, #tpu.memory_space<vmem>>
        %dma_start3A_362 = tpu.memref_squeeze %dma_start3A_361 : memref<1x1x104xi32, #tpu.memory_space<vmem>> -> memref<104xi32, #tpu.memory_space<vmem>>
        %dma_start3A_363 = arith.constant 0 : i32
        %dma_start3A_364 = arith.constant 0 : i32
        %dma_start3A_365 = tpu.memref_slice %arg3[%dma_start3A_363, %dma_start3A_364] : memref<1000000x64xf32, #tpu.memory_space<hbm>> -> memref<1000000x64xf32, #tpu.memory_space<hbm>>
        tpu.enqueue_indirect_dma source(%dma_start3A_365 : memref<1000000x64xf32, #tpu.memory_space<hbm>>) target(%dma_start3A_359 : memref<104x64xf32, #tpu.memory_space<vmem>>) offsets(%dma_start3A_362 : memref<104xi32, #tpu.memory_space<vmem>>) semaphore(%arg9 : memref<!tpu.dma_semaphore, #tpu.memory_space<semaphore_mem>>)
        %add3A_366 = arith.constant 0 : i32
        %add3A_367 = arith.addi %mul3A_352, %add3A_366 : i32
        %dma_start3A_368 = arith.constant 0 : i32
        %dma_start3A_369 = arith.constant 104 : i32
        %dma_start3A_370 = arith.constant 0 : i32
        %dma_start3A_371 = tpu.memref_slice %arg7[%dma_start3A_368, %dma_start3A_369, %dma_start3A_370] : memref<2x800x64xf32, #tpu.memory_space<vmem>> -> memref<1x96x64xf32, #tpu.memory_space<vmem>>
        %dma_start3A_372 = tpu.memref_squeeze %dma_start3A_371 : memref<1x96x64xf32, #tpu.memory_space<vmem>> -> memref<96x64xf32, #tpu.memory_space<vmem>>
        %dma_start3A_373 = arith.constant 104 : i32
        %dma_start3A_374 = tpu.memref_slice %arg6[%rem3A_348, %add3A_367, %dma_start3A_373] : memref<2x8x200xi32, #tpu.memory_space<vmem>> -> memref<1x1x96xi32, #tpu.memory_space<vmem>>
        %dma_start3A_375 = tpu.memref_squeeze %dma_start3A_374 : memref<1x1x96xi32, #tpu.memory_space<vmem>> -> memref<96xi32, #tpu.memory_space<vmem>>
        %dma_start3A_376 = arith.constant 0 : i32
        %dma_start3A_377 = arith.constant 0 : i32
        %dma_start3A_378 = tpu.memref_slice %arg3[%dma_start3A_376, %dma_start3A_377] : memref<1000000x64xf32, #tpu.memory_space<hbm>> -> memref<1000000x64xf32, #tpu.memory_space<hbm>>
        tpu.enqueue_indirect_dma source(%dma_start3A_378 : memref<1000000x64xf32, #tpu.memory_space<hbm>>) target(%dma_start3A_372 : memref<96x64xf32, #tpu.memory_space<vmem>>) offsets(%dma_start3A_375 : memref<96xi32, #tpu.memory_space<vmem>>) semaphore(%arg9 : memref<!tpu.dma_semaphore, #tpu.memory_space<semaphore_mem>>)
        %add3A_379 = arith.constant 1 : i32
        %add3A_380 = arith.addi %mul3A_352, %add3A_379 : i32
        %dma_start3A_381 = arith.constant 0 : i32
        %dma_start3A_382 = arith.constant 200 : i32
        %dma_start3A_383 = arith.constant 0 : i32
        %dma_start3A_384 = tpu.memref_slice %arg7[%dma_start3A_381, %dma_start3A_382, %dma_start3A_383] : memref<2x800x64xf32, #tpu.memory_space<vmem>> -> memref<1x104x64xf32, #tpu.memory_space<vmem>>
        %dma_start3A_385 = tpu.memref_squeeze %dma_start3A_384 : memref<1x104x64xf32, #tpu.memory_space<vmem>> -> memref<104x64xf32, #tpu.memory_space<vmem>>
        %dma_start3A_386 = arith.constant 0 : i32
        %dma_start3A_387 = tpu.memref_slice %arg6[%rem3A_348, %add3A_380, %dma_start3A_386] : memref<2x8x200xi32, #tpu.memory_space<vmem>> -> memref<1x1x104xi32, #tpu.memory_space<vmem>>
        %dma_start3A_388 = tpu.memref_squeeze %dma_start3A_387 : memref<1x1x104xi32, #tpu.memory_space<vmem>> -> memref<104xi32, #tpu.memory_space<vmem>>
        %dma_start3A_389 = arith.constant 0 : i32
        %dma_start3A_390 = arith.constant 0 : i32
        %dma_start3A_391 = tpu.memref_slice %arg3[%dma_start3A_389, %dma_start3A_390] : memref<1000000x64xf32, #tpu.memory_space<hbm>> -> memref<1000000x64xf32, #tpu.memory_space<hbm>>
        tpu.enqueue_indirect_dma source(%dma_start3A_391 : memref<1000000x64xf32, #tpu.memory_space<hbm>>) target(%dma_start3A_385 : memref<104x64xf32, #tpu.memory_space<vmem>>) offsets(%dma_start3A_388 : memref<104xi32, #tpu.memory_space<vmem>>) semaphore(%arg9 : memref<!tpu.dma_semaphore, #tpu.memory_space<semaphore_mem>>)
        %add3A_392 = arith.constant 1 : i32
        %add3A_393 = arith.addi %mul3A_352, %add3A_392 : i32
        %dma_start3A_394 = arith.constant 0 : i32
        %dma_start3A_395 = arith.constant 304 : i32
        %dma_start3A_396 = arith.constant 0 : i32
        %dma_start3A_397 = tpu.memref_slice %arg7[%dma_start3A_394, %dma_start3A_395, %dma_start3A_396] : memref<2x800x64xf32, #tpu.memory_space<vmem>> -> memref<1x96x64xf32, #tpu.memory_space<vmem>>
        %dma_start3A_398 = tpu.memref_squeeze %dma_start3A_397 : memref<1x96x64xf32, #tpu.memory_space<vmem>> -> memref<96x64xf32, #tpu.memory_space<vmem>>
        %dma_start3A_399 = arith.constant 104 : i32
        %dma_start3A_400 = tpu.memref_slice %arg6[%rem3A_348, %add3A_393, %dma_start3A_399] : memref<2x8x200xi32, #tpu.memory_space<vmem>> -> memref<1x1x96xi32, #tpu.memory_space<vmem>>
        %dma_start3A_401 = tpu.memref_squeeze %dma_start3A_400 : memref<1x1x96xi32, #tpu.memory_space<vmem>> -> memref<96xi32, #tpu.memory_space<vmem>>
        %dma_start3A_402 = arith.constant 0 : i32
        %dma_start3A_403 = arith.constant 0 : i32
        %dma_start3A_404 = tpu.memref_slice %arg3[%dma_start3A_402, %dma_start3A_403] : memref<1000000x64xf32, #tpu.memory_space<hbm>> -> memref<1000000x64xf32, #tpu.memory_space<hbm>>
        tpu.enqueue_indirect_dma source(%dma_start3A_404 : memref<1000000x64xf32, #tpu.memory_space<hbm>>) target(%dma_start3A_398 : memref<96x64xf32, #tpu.memory_space<vmem>>) offsets(%dma_start3A_401 : memref<96xi32, #tpu.memory_space<vmem>>) semaphore(%arg9 : memref<!tpu.dma_semaphore, #tpu.memory_space<semaphore_mem>>)
        %add3A_405 = arith.constant 2 : i32
        %add3A_406 = arith.addi %mul3A_352, %add3A_405 : i32
        %dma_start3A_407 = arith.constant 0 : i32
        %dma_start3A_408 = arith.constant 400 : i32
        %dma_start3A_409 = arith.constant 0 : i32
        %dma_start3A_410 = tpu.memref_slice %arg7[%dma_start3A_407, %dma_start3A_408, %dma_start3A_409] : memref<2x800x64xf32, #tpu.memory_space<vmem>> -> memref<1x104x64xf32, #tpu.memory_space<vmem>>
        %dma_start3A_411 = tpu.memref_squeeze %dma_start3A_410 : memref<1x104x64xf32, #tpu.memory_space<vmem>> -> memref<104x64xf32, #tpu.memory_space<vmem>>
        %dma_start3A_412 = arith.constant 0 : i32
        %dma_start3A_413 = tpu.memref_slice %arg6[%rem3A_348, %add3A_406, %dma_start3A_412] : memref<2x8x200xi32, #tpu.memory_space<vmem>> -> memref<1x1x104xi32, #tpu.memory_space<vmem>>
        %dma_start3A_414 = tpu.memref_squeeze %dma_start3A_413 : memref<1x1x104xi32, #tpu.memory_space<vmem>> -> memref<104xi32, #tpu.memory_space<vmem>>
        %dma_start3A_415 = arith.constant 0 : i32
        %dma_start3A_416 = arith.constant 0 : i32
        %dma_start3A_417 = tpu.memref_slice %arg3[%dma_start3A_415, %dma_start3A_416] : memref<1000000x64xf32, #tpu.memory_space<hbm>> -> memref<1000000x64xf32, #tpu.memory_space<hbm>>
        tpu.enqueue_indirect_dma source(%dma_start3A_417 : memref<1000000x64xf32, #tpu.memory_space<hbm>>) target(%dma_start3A_411 : memref<104x64xf32, #tpu.memory_space<vmem>>) offsets(%dma_start3A_414 : memref<104xi32, #tpu.memory_space<vmem>>) semaphore(%arg9 : memref<!tpu.dma_semaphore, #tpu.memory_space<semaphore_mem>>)
        %add3A_418 = arith.constant 2 : i32
        %add3A_419 = arith.addi %mul3A_352, %add3A_418 : i32
        %dma_start3A_420 = arith.constant 0 : i32
        %dma_start3A_421 = arith.constant 504 : i32
        %dma_start3A_422 = arith.constant 0 : i32
        %dma_start3A_423 = tpu.memref_slice %arg7[%dma_start3A_420, %dma_start3A_421, %dma_start3A_422] : memref<2x800x64xf32, #tpu.memory_space<vmem>> -> memref<1x96x64xf32, #tpu.memory_space<vmem>>
        %dma_start3A_424 = tpu.memref_squeeze %dma_start3A_423 : memref<1x96x64xf32, #tpu.memory_space<vmem>> -> memref<96x64xf32, #tpu.memory_space<vmem>>
        %dma_start3A_425 = arith.constant 104 : i32
        %dma_start3A_426 = tpu.memref_slice %arg6[%rem3A_348, %add3A_419, %dma_start3A_425] : memref<2x8x200xi32, #tpu.memory_space<vmem>> -> memref<1x1x96xi32, #tpu.memory_space<vmem>>
        %dma_start3A_427 = tpu.memref_squeeze %dma_start3A_426 : memref<1x1x96xi32, #tpu.memory_space<vmem>> -> memref<96xi32, #tpu.memory_space<vmem>>
        %dma_start3A_428 = arith.constant 0 : i32
        %dma_start3A_429 = arith.constant 0 : i32
        %dma_start3A_430 = tpu.memref_slice %arg3[%dma_start3A_428, %dma_start3A_429] : memref<1000000x64xf32, #tpu.memory_space<hbm>> -> memref<1000000x64xf32, #tpu.memory_space<hbm>>
        tpu.enqueue_indirect_dma source(%dma_start3A_430 : memref<1000000x64xf32, #tpu.memory_space<hbm>>) target(%dma_start3A_424 : memref<96x64xf32, #tpu.memory_space<vmem>>) offsets(%dma_start3A_427 : memref<96xi32, #tpu.memory_space<vmem>>) semaphore(%arg9 : memref<!tpu.dma_semaphore, #tpu.memory_space<semaphore_mem>>)
        %add3A_431 = arith.constant 3 : i32
        %add3A_432 = arith.addi %mul3A_352, %add3A_431 : i32
        %dma_start3A_433 = arith.constant 0 : i32
        %dma_start3A_434 = arith.constant 600 : i32
        %dma_start3A_435 = arith.constant 0 : i32
        %dma_start3A_436 = tpu.memref_slice %arg7[%dma_start3A_433, %dma_start3A_434, %dma_start3A_435] : memref<2x800x64xf32, #tpu.memory_space<vmem>> -> memref<1x104x64xf32, #tpu.memory_space<vmem>>
        %dma_start3A_437 = tpu.memref_squeeze %dma_start3A_436 : memref<1x104x64xf32, #tpu.memory_space<vmem>> -> memref<104x64xf32, #tpu.memory_space<vmem>>
        %dma_start3A_438 = arith.constant 0 : i32
        %dma_start3A_439 = tpu.memref_slice %arg6[%rem3A_348, %add3A_432, %dma_start3A_438] : memref<2x8x200xi32, #tpu.memory_space<vmem>> -> memref<1x1x104xi32, #tpu.memory_space<vmem>>
        %dma_start3A_440 = tpu.memref_squeeze %dma_start3A_439 : memref<1x1x104xi32, #tpu.memory_space<vmem>> -> memref<104xi32, #tpu.memory_space<vmem>>
        %dma_start3A_441 = arith.constant 0 : i32
        %dma_start3A_442 = arith.constant 0 : i32
        %dma_start3A_443 = tpu.memref_slice %arg3[%dma_start3A_441, %dma_start3A_442] : memref<1000000x64xf32, #tpu.memory_space<hbm>> -> memref<1000000x64xf32, #tpu.memory_space<hbm>>
        tpu.enqueue_indirect_dma source(%dma_start3A_443 : memref<1000000x64xf32, #tpu.memory_space<hbm>>) target(%dma_start3A_437 : memref<104x64xf32, #tpu.memory_space<vmem>>) offsets(%dma_start3A_440 : memref<104xi32, #tpu.memory_space<vmem>>) semaphore(%arg9 : memref<!tpu.dma_semaphore, #tpu.memory_space<semaphore_mem>>)
        %add3A_444 = arith.constant 3 : i32
        %add3A_445 = arith.addi %mul3A_352, %add3A_444 : i32
        %dma_start3A_446 = arith.constant 0 : i32
        %dma_start3A_447 = arith.constant 704 : i32
        %dma_start3A_448 = arith.constant 0 : i32
        %dma_start3A_449 = tpu.memref_slice %arg7[%dma_start3A_446, %dma_start3A_447, %dma_start3A_448] : memref<2x800x64xf32, #tpu.memory_space<vmem>> -> memref<1x96x64xf32, #tpu.memory_space<vmem>>
        %dma_start3A_450 = tpu.memref_squeeze %dma_start3A_449 : memref<1x96x64xf32, #tpu.memory_space<vmem>> -> memref<96x64xf32, #tpu.memory_space<vmem>>
        %dma_start3A_451 = arith.constant 104 : i32
        %dma_start3A_452 = tpu.memref_slice %arg6[%rem3A_348, %add3A_445, %dma_start3A_451] : memref<2x8x200xi32, #tpu.memory_space<vmem>> -> memref<1x1x96xi32, #tpu.memory_space<vmem>>
        %dma_start3A_453 = tpu.memref_squeeze %dma_start3A_452 : memref<1x1x96xi32, #tpu.memory_space<vmem>> -> memref<96xi32, #tpu.memory_space<vmem>>
        %dma_start3A_454 = arith.constant 0 : i32
        %dma_start3A_455 = arith.constant 0 : i32
        %dma_start3A_456 = tpu.memref_slice %arg3[%dma_start3A_454, %dma_start3A_455] : memref<1000000x64xf32, #tpu.memory_space<hbm>> -> memref<1000000x64xf32, #tpu.memory_space<hbm>>
        tpu.enqueue_indirect_dma source(%dma_start3A_456 : memref<1000000x64xf32, #tpu.memory_space<hbm>>) target(%dma_start3A_450 : memref<96x64xf32, #tpu.memory_space<vmem>>) offsets(%dma_start3A_453 : memref<96xi32, #tpu.memory_space<vmem>>) semaphore(%arg9 : memref<!tpu.dma_semaphore, #tpu.memory_space<semaphore_mem>>)
      } else {
      }
    }
    %scan3A_122 = arith.constant 16 : i32
    %add3A_123 = arith.constant 124 : i32
    %add3A_124 = arith.addi %mul3A_2, %add3A_123 : i32
    %mul3A_125 = arith.constant 200 : i32
    %mul3A_126 = arith.muli %add3A_124, %mul3A_125 : i32
    %multiple_of3A_127 = tpu.assume_multiple %mul3A_126, 800 : i32
    %add3A_128 = arith.constant 124 : i32
    %add3A_129 = arith.addi %mul3A_2, %add3A_128 : i32
    %mul3A_130 = arith.constant 200 : i32
    %mul3A_131 = arith.muli %add3A_129, %mul3A_130 : i32
    %multiple_of3A_132 = tpu.assume_multiple %mul3A_131, 800 : i32
    %dma_wait3A = arith.constant 1 : i32
    %dma_wait3A_133 = arith.constant 0 : i32
    %dma_wait3A_134 = arith.constant 0 : i32
    %dma_wait3A_135 = tpu.memref_slice %arg7[%dma_wait3A, %dma_wait3A_133, %dma_wait3A_134] : memref<2x800x64xf32, #tpu.memory_space<vmem>> -> memref<1x800x64xf32, #tpu.memory_space<vmem>>
    %dma_wait3A_136 = tpu.memref_squeeze %dma_wait3A_135 : memref<1x800x64xf32, #tpu.memory_space<vmem>> -> memref<800x64xf32, #tpu.memory_space<vmem>>
    %dma_wait3A_137 = arith.constant 0 : i32
    %dma_wait3A_138 = tpu.memref_slice %arg5[%multiple_of3A_127, %dma_wait3A_137] : memref<819200x128xf32, #tpu.memory_space<hbm>> -> memref<800x64xf32, #tpu.memory_space<hbm>>
    %dma_wait3A_139 = arith.constant 0 : i32
    %dma_wait3A_140 = tpu.memref_slice %arg5[%multiple_of3A_127, %dma_wait3A_139] : memref<819200x128xf32, #tpu.memory_space<hbm>> -> memref<800x64xf32, #tpu.memory_space<hbm>>
    %dma_wait3A_141 = arith.constant 0 : i32
    %dma_wait3A_142 = arith.constant 0 : i32
    %dma_wait3A_143 = tpu.memref_slice %arg7[%dma_wait3A, %dma_wait3A_141, %dma_wait3A_142] : memref<2x800x64xf32, #tpu.memory_space<vmem>> -> memref<1x800x64xf32, #tpu.memory_space<vmem>>
    %dma_wait3A_144 = tpu.memref_squeeze %dma_wait3A_143 : memref<1x800x64xf32, #tpu.memory_space<vmem>> -> memref<800x64xf32, #tpu.memory_space<vmem>>
    tpu.wait_dma2 semaphore(%arg12 : memref<!tpu.dma_semaphore, #tpu.memory_space<semaphore_mem>>) src(%dma_wait3A_144 : memref<800x64xf32, #tpu.memory_space<vmem>>) dst(%dma_wait3A_140 : memref<800x64xf32, #tpu.memory_space<hbm>>)
    return
  }
}

</mosaic_0001>

<sc_bundles>
// kernel: kernel.3.cloned.1.call-start
scs
__scs_entry_jumppad:
0x0: {  	(pc) =	sbr.rel $0x88, $3  }
0x1: {  	(tag) =	ssettag $0x0;
	lr =	simm.s32 $0x1  }
0x2: {  	[smem:$0x3F9F] =	sst lr;
	_ =	strace $0xD0000000  }
0x3: {  	_ = 	snop  }
0x4: {  	_ = 	snop  }
0x5: {  	_ = 	snop  }
0x6: {  	_ = 	snop  }
0x7: {  	_ = 	snop  }
__scs_overlays_trampoline_lowered:
0x8: {  	[smem:$0x3FAE] =	sst s0  }
0x9: {  	[smem:$0x3FAF] =	sst s1  }
0xa: {  	[smem:$0x3FB0] =	sst s2  }
0xb: {  	[smem:$0x3FB1] =	sst s3  }
0xc: {  	[smem:$0x3FB2] =	sst s4  }
0xd: {  	[smem:$0x3FB3] =	sst s5  }
0xe: {  	[smem:$0x3FB4] =	sst s6  }
0xf: {  	[smem:$0x3FB5] =	sst s7  }
0x10: {  	[smem:$0x3FB6] =	sst s8  }
0x11: {  	[smem:$0x3FB7] =	sst s9;
	s0 =	simm.s32 @!p0 $0x0  }
0x12: {  	s1 =	sld [smem:$0x3F9D];
	s0 =	simm.s32 @p0 $0x1  }
0x13: {  	[smem:$0x3FB8] =	sst s0;
	s0 =	simm.s32 @!p1 $0x0  }
0x14: {  	s2 =	sld [smem:$0x3F9C];
	s0 =	simm.s32 @p1 $0x1  }
0x15: {  	[smem:$0x3FB9] =	sst s0;
	s0 =	simm.s32 @!p2 $0x0  }
0x16: {  	s3 =	sld [smem:$0x3FDB];
	s0 =	simm.s32 @p2 $0x1  }
0x17: {  	s4 =	simm.s32 $0x1BF5;
	[smem:$0x3FBB] =	sst s0  }
0x18: {  	s0 =	sld [smem:$0x3F9E];
	_ =	swait.ge [sflag:s4], $0x0  }
0x19: {  	s7 =	sld [smem:$0x3F9F]  }
0x1a: {  	s8 =	sadd.s32 $0xFFFFE003, lr  }
0x1b: {  	s9 =	sadd.s32 $0xFFFFFEF7, lr;
	s5 =	simm.s32 $0xFFFFFFFF;
	p2 =	slt.u32 s8, $0xFFFFF086  }
0x1c: {  	p1 =	slt.u32 s9, $0xF7A;
	s5 =	simm.s32 @!p2 $0x0  }
0x1d: {  	s5 =	simm.s32 @p1 $0x1;
	p0 =	seq.s32 s7, s2  }
0x1e: {  	s7 =	smul.u32 @!p0 $0xF7A, s2;
	p2 =	seq.s32 @!p0 s5, $0x0  }
0x1f: {  	s9 =	smul.u32 $0xF7A, s1;
	s8 =	simm.s32 @!p0 $0x1BF5;
	p2 =	por !p2, p0  }
0x20: {  	[sflag:s8] =	ssyncset.s32 @!p0 $0xFFFFF086;
	s6 =	sadd.s32 @!p0 s3, s7;
	s7 =	simm.s32 @!p0 $0x108  }
0x21: {  	s3 =	sadd.s32 s3, s9;
	s6 =	sadd.s32 @!p0 $0x88, s6;
	s7 =	simm.s32 @p2 $0x1082  }
0x22: {  	[simem:s7], [sflag:s8] =	dma.local @!p0 [hbm:s6], $0xF7A  }
0x23: {  	s9 =	sor.u32 $0xD0000000, s2;
	s6 =	simm.s32 $0x108;
	_ =	swait.ge @!p0 [sflag:s8], $0x0  }
0x24: {  	s3 =	sadd.s32 $0x88, s3;
	s6 =	simm.s32 @!p1 $0x1082;
	[sflag:s4] =	ssyncset.s32 $0xFFFFF086  }
0x25: {  	[simem:s6], [sflag:s4] =	dma.local [hbm:s3], $0xF7A  }
0x26: {  	[smem:$0x3F9F] =	sst s1;
	(tag) =	ssettag s2;
	_ =	strace s9  }
0x27: {  	s1 =	sld [smem:$0x3FAF]  }
0x28: {  	s2 =	sld [smem:$0x3FB0]  }
0x29: {  	s4 =	sld [smem:$0x3FB2]  }
0x2a: {  	p0 =	seq.s32 s5, $0x0;
	s5 =	sld [smem:$0x3FB3]  }
0x2b: {  	s6 =	sld [smem:$0x3FB4]  }
0x2c: {  	s7 =	sld [smem:$0x3FB5]  }
0x2d: {  	s3 =	simm.s32 $0x108;
	s8 =	sld [smem:$0x3FB6]  }
0x2e: {  	s3 =	simm.s32 @!p0 $0x1082;
	s9 =	sld [smem:$0x3FB7]  }
0x2f: {  	lr =	sadd.s32 s0, s3;
	s0 =	sld [smem:$0x3FAE]  }
0x30: {  	s3 =	sld [smem:$0x3FB1]  }
0x31: {  	[smem:$0x3FBA] =	sst s10  }
0x32: {  	s10 =	sld [smem:$0x3FB8];
	_ =	sdelay $0x3  }
0x33: {  	p0 =	seq.s32 s10, $0x1;
	s10 =	sld [smem:$0x3FBA];
	_ =	sdelay $0x3  }
0x34: {  	[smem:$0x3FBA] =	sst s10  }
0x35: {  	s10 =	sld [smem:$0x3FB9];
	_ =	sdelay $0x3  }
0x36: {  	p1 =	seq.s32 s10, $0x1;
	s10 =	sld [smem:$0x3FBA];
	_ =	sdelay $0x3  }
0x37: {  	[smem:$0x3FBA] =	sst s10  }
0x38: {  	s10 =	sld [smem:$0x3FBB]  }
0x39: {  	_ = 	snop;
	(pc) =	sbr.ind lr, $3  }
0x3a: {  	_ = 	snop  }
0x3b: {  	_ = 	snop  }
0x3c: {  	p2 =	seq.s32 s10, $0x1;
	s10 =	sld [smem:$0x3FBA]  }
0x3d: {  	_ =	shalt  }
0x3e: {  	_ =	shalt  }
0x3f: {  	_ =	shalt  }
0x40: {  	_ =	shalt  }
0x41: {  	_ =	shalt  }
0x42: {  	_ =	shalt  }
0x43: {  	_ =	shalt  }
0x44: {  	_ =	shalt  }
0x45: {  	_ =	shalt  }
0x46: {  	_ =	shalt  }
0x47: {  	_ =	shalt  }
0x48: {  	_ =	shalt  }
0x49: {  	_ =	shalt  }
0x4a: {  	_ =	shalt  }
0x4b: {  	_ =	shalt  }
0x4c: {  	_ =	shalt  }
0x4d: {  	_ =	shalt  }
0x4e: {  	_ =	shalt  }
0x4f: {  	_ =	shalt  }
0x50: {  	_ =	shalt  }
0x51: {  	_ =	shalt  }
0x52: {  	_ =	shalt  }
0x53: {  	_ =	shalt  }
0x54: {  	_ =	shalt  }
0x55: {  	_ =	shalt  }
0x56: {  	_ =	shalt  }
0x57: {  	_ =	shalt  }
0x58: {  	_ =	shalt  }
0x59: {  	_ =	shalt  }
0x5a: {  	_ =	shalt  }
0x5b: {  	_ =	shalt  }
0x5c: {  	_ =	shalt  }
0x5d: {  	_ =	shalt  }
0x5e: {  	_ =	shalt  }
0x5f: {  	_ =	shalt  }
0x60: {  	_ =	shalt  }
0x61: {  	_ =	shalt  }
0x62: {  	_ =	shalt  }
0x63: {  	_ =	shalt  }
0x64: {  	_ =	shalt  }
0x65: {  	_ =	shalt  }
0x66: {  	_ =	shalt  }
0x67: {  	_ =	shalt  }
0x68: {  	_ =	shalt  }
0x69: {  	_ =	shalt  }
0x6a: {  	_ =	shalt  }
0x6b: {  	_ =	shalt  }
0x6c: {  	_ =	shalt  }
0x6d: {  	_ =	shalt  }
0x6e: {  	_ =	shalt  }
0x6f: {  	_ =	shalt  }
0x70: {  	_ =	shalt  }
0x71: {  	_ =	shalt  }
0x72: {  	_ =	shalt  }
0x73: {  	_ =	shalt  }
0x74: {  	_ =	shalt  }
0x75: {  	_ =	shalt  }
0x76: {  	_ =	shalt  }
0x77: {  	_ =	shalt  }
0x78: {  	_ =	shalt  }
0x79: {  	_ =	shalt  }
0x7a: {  	_ =	shalt  }
0x7b: {  	_ =	shalt  }
0x7c: {  	_ =	shalt  }
0x7d: {  	_ =	shalt  }
0x7e: {  	_ =	shalt  }
0x7f: {  	_ =	shalt  }
0x80: {  	_ =	shalt  }
0x81: {  	_ =	shalt  }
0x82: {  	_ =	shalt  }
0x83: {  	_ =	shalt  }
0x84: {  	_ =	shalt  }
0x85: {  	_ =	shalt  }
0x86: {  	_ =	shalt  }
0x87: {  	_ =	shalt  }
.Lfunc_end0:
.L_simem_size_0:
called_computation.1_lowered:
.L_overlay_start_0:
0x88: {  	s2 =	sld [smem:$0x3FD9]  }
0x89: {  	s3 =	sld [smem:$0x3FFE];
	_ =	sdelay $0x1  }
0x8a: {  	s1 =	srdreg.scid  }
0x8b: {  	s0 =	sand.u32 $0x1, s1  }
0x8c: {  	s17 =	sshll.u32 s0, $0xA;
	s2 =	sadd.s32 s3, s2  }
0x8d: {  	s2 =	sadd.s32 s2, s17  }
0x8e: {  	[smem:$0x3FC6] =	sst s2  }
0x8f: {  	_ = 	snop  }
0x90: {  	s2 =	sld [smem:$0x3FD0];
	(tm) =	ssettm $0x1  }
0x91: {  	s18 =	sld [smem:$0x3FFB];
	_ =	sdelay $0x3  }
0x92: {  	_ =	strace s18  }
0x93: {  	s3 =	sld [smem:$0x3FFC];
	_ =	sdelay $0x3  }
0x94: {  	_ =	strace s3  }
0x95: {  	s3 =	sld [smem:$0x3FFD];
	_ =	sdelay $0x3  }
0x96: {  	_ =	strace s3  }
0x97: {  	_ =	strace $0x8FFFFFFF  }
0x98: {  	s19 =	sld [smem:$0x3FDB];
	_ =	sdelay $0x1  }
0x99: {  	s4 =	simm.s32 $_scs_section_size  }
0x9a: {  	s5 =	simm.s32 $_size__tile_overlayer_lowered;
	s6 =	simm.s32 $_tile_overlayer_lowered  }
0x9b: {  	s22 =	simm.s32 $0x1BFF;
	s21 =	sshll.u32 s6, $0x1;
	s3 =	sadd.s32 s4, s19  }
0x9c: {  	s7 =	simm.s32 $0x0;
	s20 =	sshll.u32 s5, $0x1;
	s5 =	sadd.s32 s21, s3  }
0x9d: {  	[timem:s7], [sflag:s22] =	dma.local [hbm:s5], s20  }
0x9e: {  	_ =	swait.ge [sflag:s22], s20  }
0x9f: {  	s4 =	ssub.s32 $0x0, s20;
	[sflag:s22] =	ssyncset.done $0x0  }
0xa0: {  	[sflag:s22] =	ssyncadd.s32 s4;
	_ =	sdelay $0x1  }
0xa1: {  	s23 =	simm.s32 $0x1B8B  }
0xa2: {  	_ =	swait.ge [sflag:s23], $0x1  }
0xa3: {  	[sflag:s23] =	ssyncset.done $0x0  }
0xa4: {  	s25 =	simm.s32 $0x1B8E;
	s24 =	sld [smem:$0x3FFE];
	[sflag:s23] =	ssyncadd.s32 $0xFFFFFFFF  }
0xa5: {  	s26 =	simm.s32 $execute0_lowered;
	[smem:$0x3FD2] =	sst s25  }
0xa6: {  	s5 =	sshll.u32 s26, $0x1;
	_ =	strace $0x80000046;
	[dreg:$0x1] =	wrdreg $0xFFFFFFFF  }
0xa7: {  	s28 =	simm.s32 $_size_execute0_lowered;
	s3 =	sadd.s32 s3, s5;
	[dreg:$0x0] =	wrdreg $0x0  }
0xa8: {  	s5 =	sshll.u32 s28, $0x1;
	[dreg:$0x2] =	wrdreg s3  }
0xa9: {  	[dreg:$0x3] =	wrdreg s5  }
0xaa: {  	[dreg:$0x4] =	wrdreg $0xC0  }
0xab: {  	_ =	task [dreg:s7], $0x5FFFF  }
0xac: {  	[dreg:$0x1] =	wrdreg $0xFFFFFFFF  }
0xad: {  	[dreg:$0x0] =	wrdreg $0x60  }
0xae: {  	[dreg:$0x2] =	wrdreg s2  }
0xaf: {  	[dreg:$0x3] =	wrdreg s24  }
0xb0: {  	[dreg:$0x4] =	wrdreg $0x9  }
0xb1: {  	_ =	task.clear_ibuf [dreg:s7], $0x5FFFF;
	_ =	strace $0x90000046  }
0xb2: {  	s29 =	simm.s32 $0x9;
	_ =	strace $0x80000048  }
0xb3: {  	_ =	swait.ge [sflag:s29], $0x1  }
0xb4: {  	[sflag:s29] =	ssyncadd.s32 $0xFFFFFFFF  }
0xb5: {  	_ =	strace $0x90000048  }
0xb6: {  	_ =	sfence  }
0xb7: {  	s30 =	sld [smem:$0x0];
	_ =	sdelay $0x2  }
0xb8: {  	s31 =	sshll.u32 s1, $0xD;
	s1 =	sshrl.u32 s1, $0x2  }
0xb9: {  	s3 =	sand.u32 $0x4000, s31;
	s1 =	sadd.s32 s1, s30  }
0xba: {  	s0 =	sor.u32 s3, s0;
	s1 =	sshll.u32 s1, $0x11  }
0xbb: {  	s0 =	sor.u32 s1, s0  }
0xbc: {  	s0 =	sadd.s32 $0x8F2B, s0  }
0xbd: {  	[sflag:s0] =	ssyncadd.remote.s32 $0x1  }
0xbe: {  	_ =	sfence.sel $0xFFFF  }
0xbf: {  	[dreg:$0x0] =	wrdreg $0xFFFFFFFF;
	(pc) =	sbr.abs _section_cstart, $3  }
0xc0: {  	[dreg:$0x1] =	wrdreg $0xFFFFFFFF  }
0xc1: {  	_ =	task.clear_ibuf [dreg:s7], $0x2FFFF;
	_ =	strace $0x9FFFFFFF  }
0xc2: {  	(tm) =	ssettm $0x7FFFFFFF  }
0xc3: {  	_ =	shalt  }
tec
execute0_lowered:
.L_overlay_start_1:
0x0: {  	(tag) =	ssettag $0x1  }
0x1: {  	s8 =	rddreg [dreg:$0x0]  }
0x2: {  	s0 =	rddreg [dreg:$0x1]  }
0x3: {  	s1 =	srdreg.scid;
	s2 =	stileid.u32  }
0x4: {  	s3 =	simm.s32 $0x0;
	s13 =	simm.s32 $0x5;
	s14 =	simm.s32 $0x68  }
0x5: {  	s15 =	simm.s32 $0xC80;
	s16 =	simm.s32 $0x60;
	s31 =	simm.s32 $0x1  }
0x6: {  	s12 =	simm.s32 $0xD480;
	s20 =	simm.s32 $0x10680;
	s22 =	simm.s32 $0x12080  }
0x7: {  	s24 =	simm.s32 $0x13880;
	s26 =	simm.s32 $0x15280;
	s29 =	simm.s32 $0x16A80  }
0x8: {  	s10 =	simm.s32 $0x3;
	s18 =	simm.s32 $0x0;
	s1 =	sand.u32 $0x1, s1  }
0x9: {  	s2 =	sshll.u32 s2, $0x8;
	[smem:$0x7FF] =	sst s3;
	s5 =	sadd.s32 $0xF43000, s0  }
0xa: {  	s6 =	sadd.s32 $0x400, s0;
	s7 =	sadd.s32 $0xC00, s0;
	s11 =	sadd.s32 $0x3E00, s0  }
0xb: {  	s0 =	simm.s32 $0x40;
	s4 =	sshll.u32 s1, $0x7;
	s1 =	ssub.s32 $0x2, s1  }
.Ltmp0:
0xc: {  	s4 =	sor.u32 s4, s2;
	s30 =	sshrl.u32 s1, $0x1;
	(pc) =	sbr.rel .LBB2_1-.Ltmp0, $4  }
0xd: {  	_ =	strace $0x80000047;
	s2 =	smul.u32 $0x19, s4;
	s1 =	ssub.s32 s1, s30  }
0xe: {  	[dreg:$0x3] =	wrdreg s6;
	s6 =	simm.s32 $0x18480;
	s1 =	smax.u32 s1, $0x1  }
0xf: {  	s9 =	sor.u32 $0x8, s4;
	s2 =	sadd.s32 s8, s2;
	[dreg:$0x5] =	wrdreg s1  }
0x10: {  	s1 =	simm.s32 $0x80;
	s8 =	simm.s32 $0x2;
	[dreg:$0x4] =	wrdreg s2  }
.LBB2_20:
0x11: {  	s17 =	simm.s32 $0x4  }
0x12: {  	_ =	swait.ge [sflag:s17], $0xC800  }
0x13: {  	s18 =	rddreg [dreg:$0x6]  }
0x14: {  	s2 =	rddreg [dreg:$0x5];
	s18 =	sadd.s32 $0x1, s18  }
0x15: {  	p0 =	sne.s32 s18, s2  }
.Ltmp1:
0x16: {  	_ = 	snop;
	(pc) =	sbr.rel @!p0 .LBB2_21-.Ltmp1, $3  }
0x17: {  	_ =	sdelay $0x1  }
0x18: {  	[sflag:s17] =	ssyncset.done $0x0  }
0x19: {  	[sflag:s17] =	ssyncadd.s32 $0xFFFF3800  }
.LBB2_1:
0x1a: {  	[dreg:$0x6] =	wrdreg s18  }
0x1b: {  	s2 =	rddreg [dreg:$0x3];
	s17 =	simm.s32 $0x19C80  }
0x1c: {  	[tilespmem:s17], [sflag:$0x5] =	stream.linear.gather [hbm4b:s2+s3], $0x3200, $0x38;
	[tilespmem:$0x1CE80] =	vst v63  }
0x1d: {  	_ =	swait.ge [sflag:s13], $0x3200  }
0x1e: {  	[sflag:s13] =	ssyncset.done $0x0  }
0x1f: {  	s19 =	rddreg [dreg:$0x4];
	[sflag:s13] =	ssyncadd.s32 $0xFFFFCE00  }
0x20: {  	[tilespmem:s3], [sflag:$0x5] =	stream.linear.gather [hbm4b:s19+s3], $0x640, $0x38;
	[tilespmem:$0x1CE80] =	vst v63  }
0x21: {  	_ =	swait.ge [sflag:s13], $0x640  }
0x22: {  	[sflag:s13] =	ssyncset.done $0x0  }
0x23: {  	[sflag:s13] =	ssyncadd.s32 $0xFFFFF9C0  }
0x24: {  	[tilespmem:s15], [sflag:$0x1] =	stream.indirect.gather [hbm4b:s5+s14], $0x40, s3, s14, $0xb8;
	[tilespmem:$0x1CE80] =	vst v63  }
0x25: {  	s21 =	simm.s32 $0x2680  }
0x26: {  	[tilespmem:s21], [sflag:$0x1] =	stream.indirect.gather [hbm4b:s5+s16], $0x40, s14, s16, $0xb8;
	[tilespmem:$0x1CE80] =	vst v63  }
0x27: {  	s23 =	simm.s32 $0xC8;
	s25 =	simm.s32 $0x3E80  }
0x28: {  	[tilespmem:s25], [sflag:$0x1] =	stream.indirect.gather [hbm4b:s5+s14], $0x40, s23, s14, $0xb8;
	[tilespmem:$0x1CE80] =	vst v63  }
0x29: {  	s28 =	simm.s32 $0x130;
	s30 =	simm.s32 $0x5880  }
0x2a: {  	[tilespmem:s30], [sflag:$0x1] =	stream.indirect.gather [hbm4b:s5+s16], $0x40, s28, s16, $0xb8;
	[tilespmem:$0x1CE80] =	vst v63  }
0x2b: {  	s18 =	simm.s32 $0x7080;
	s17 =	simm.s32 $0x190  }
0x2c: {  	[tilespmem:s18], [sflag:$0x1] =	stream.indirect.gather [hbm4b:s5+s14], $0x40, s17, s14, $0xb8;
	[tilespmem:$0x1CE80] =	vst v63  }
0x2d: {  	s19 =	simm.s32 $0x1F8;
	s21 =	simm.s32 $0x8A80  }
0x2e: {  	[tilespmem:s21], [sflag:$0x1] =	stream.indirect.gather [hbm4b:s5+s16], $0x40, s19, s16, $0xb8;
	[tilespmem:$0x1CE80] =	vst v63  }
0x2f: {  	s23 =	simm.s32 $0x258;
	s25 =	simm.s32 $0xA280  }
0x30: {  	[tilespmem:s25], [sflag:$0x1] =	stream.indirect.gather [hbm4b:s5+s14], $0x40, s23, s14, $0xb8;
	[tilespmem:$0x1CE80] =	vst v63  }
0x31: {  	s2 =	simm.s32 $0x0;
	s28 =	simm.s32 $0x2C0;
	s30 =	simm.s32 $0xBC80  }
0x32: {  	[tilespmem:s30], [sflag:$0x1] =	stream.indirect.gather [hbm4b:s5+s16], $0x40, s28, s16, $0xb8;
	[tilespmem:$0x1CE80] =	vst v63  }
.LBB2_2:
0x33: {  	_ =	swait.ge [sflag:s31], $0xC800  }
0x34: {  	[sflag:s31] =	ssyncset.done $0x0  }
0x35: {  	s23 =	simm.s32 $0xA2C0;
	[sflag:s31] =	ssyncadd.s32 $0xFFFF3800  }
0x36: {  	s25 =	simm.s32 $0x19CC0;
	v0 =	vld [tilespmem:s23+$0xFFFF9BC0]  }
0x37: {  	v1 =	vld [tilespmem:s25+$0xFFFFFFC0]  }
0x38: {  	v2 =	vld [tilespmem:s23+$0xFFFFCDC0]  }
0x39: {  	v3 =	vld [tilespmem:s23+$0xFFFFFFC0]  }
0x3a: {  	v4 =	vld [tilespmem:s23+$0xFFFF69C0];
	_ =	sdelay $0x1  }
0x3b: {  	v0 =	vadd.f32 v0, v1  }
0x3c: {  	v2 =	vadd.f32 v2, v1  }
0x3d: {  	v3 =	vadd.f32 v3, v1;
	[tilespmem:s23+$0xFFFF9BC0] =	vst v0  }
0x3e: {  	v4 =	vadd.f32 v4, v1;
	v1 =	vld [tilespmem:s23+$0xFFFFCE00];
	[tilespmem:s23+$0xFFFFCDC0] =	vst v2  }
0x3f: {  	[tilespmem:s23+$0xFFFFFFC0] =	vst v3;
	v0 =	vld [tilespmem:s23+$0xFFFF6A00]  }
0x40: {  	[tilespmem:s23+$0xFFFF69C0] =	vst v4;
	v4 =	vld [tilespmem:s23+$0x0]  }
0x41: {  	s17 =	sshll.u32 s2, $0x3;
	v2 =	vld [tilespmem:s25+$0x0]  }
0x42: {  	s19 =	sor.u32 s4, s17;
	v3 =	vld [tilespmem:s23+$0xFFFF9C00]  }
0x43: {  	s19 =	smul.u32 $0xC80, s19;
	_ =	sdelay $0x1  }
0x44: {  	s30 =	simm.s32 $0x0;
	s28 =	simm.s32 $0xA2C0;
	s21 =	sadd.s32 s7, s19  }
.LBB2_3:
0x45: {  	s30 =	sadd.s32 $0x2, s30;
	v1 =	vadd.f32 v1, v2;
	v4 =	vadd.f32 v4, v2;
	s23 =	sadd.s32 $0x80, s23;
	s25 =	sadd.s32 $0x80, s25  }
0x46: {  	v0 =	vadd.f32 v0, v2;
	p0 =	slt.u32 s30, $0xC6;
	v2 =	vadd.f32 v3, v2  }
0x47: {  	[tilespmem:s28+$0xFFFFCE00] =	vst v1  }
0x48: {  	v1 =	vld [tilespmem:s23+$0xFFFFFFC0];
	[tilespmem:s28+$0x0] =	vst v4  }
0x49: {  	v3 =	vld [tilespmem:s23+$0xFFFFCDC0];
	[tilespmem:s28+$0xFFFF6A00] =	vst v0  }
0x4a: {  	v0 =	vld [tilespmem:s23+$0xFFFF9BC0];
	[tilespmem:s28+$0xFFFF9C00] =	vst v2;
	s28 =	smov.u32 s23  }
0x4b: {  	v2 =	vld [tilespmem:s25+$0xFFFFFFC0]  }
0x4c: {  	v4 =	vld [tilespmem:s23+$0xFFFF69C0];
	_ =	sdelay $0x3  }
0x4d: {  	v0 =	vadd.f32 v0, v2;
	v3 =	vadd.f32 v3, v2  }
0x4e: {  	v4 =	vadd.f32 v4, v2;
	v2 =	vadd.f32 v1, v2  }
0x4f: {  	[tilespmem:s23+$0xFFFF9BC0] =	vst v0  }
0x50: {  	[tilespmem:s23+$0xFFFFCDC0] =	vst v3;
	v1 =	vld [tilespmem:s23+$0xFFFFCE00]  }
0x51: {  	[tilespmem:s23+$0xFFFFFFC0] =	vst v2;
	v0 =	vld [tilespmem:s23+$0xFFFF6A00]  }
0x52: {  	[tilespmem:s23+$0xFFFF69C0] =	vst v4;
	v4 =	vld [tilespmem:s23+$0x0]  }
.Ltmp2:
0x53: {  	v2 =	vld [tilespmem:s25+$0x0];
	(pc) =	sbr.rel @p0 .LBB2_3-.Ltmp2, $1  }
0x54: {  	v3 =	vld [tilespmem:s23+$0xFFFF9C00];
	_ =	sdelay $0x3  }
0x55: {  	v1 =	vadd.f32 v1, v2  }
0x56: {  	v4 =	vadd.f32 v4, v2  }
0x57: {  	v0 =	vadd.f32 v0, v2;
	[tilespmem:s28+$0xFFFFCE00] =	vst v1  }
0x58: {  	v1 =	vadd.f32 v3, v2;
	[tilespmem:s28+$0x0] =	vst v4  }
0x59: {  	[tilespmem:s28+$0xFFFF6A00] =	vst v0  }
0x5a: {  	s23 =	simm.s32 $0x0;
	[tilespmem:s28+$0xFFFF9C00] =	vst v1  }
0x5b: {  	v1 =	vld [tilespmem:s23+$0x19CD0]  }
0x5c: {  	v0 =	vld [tilespmem:s23+$0x19C90]  }
0x5d: {  	v7 =	vld [tilespmem:s23+$0xA2D0]  }
0x5e: {  	v8 =	vld [tilespmem:s23+$0x3ED0]  }
0x5f: {  	v6 =	vld [tilespmem:s23+$0xCD0]  }
0x60: {  	v5 =	vld [tilespmem:s23+$0x70D0]  }
0x61: {  	v2 =	vld [tilespmem:s23+$0xC90]  }
0x62: {  	v4 =	vld [tilespmem:s23+$0xA290]  }
0x63: {  	s30 =	simm.s32 $0x200;
	s25 =	simm.s32 $0x0;
	s28 =	simm.s32 $0x0;
	v3 =	vld [tilespmem:s23+$0x3E90];
	v8 =	vadd.f32 v8, v1;
	v7 =	vadd.f32 v7, v1  }
.LBB2_5:
0x64: {  	s18 =	sshra.s32 s30, $0x2;
	s28 =	sadd.s32 $0x2, s28;
	v9 =	vld [tilespmem:s25+$0x7090];
	v6 =	vadd.f32 v6, v1  }
0x65: {  	p0 =	slt.u32 s28, $0xC6;
	[tilespmem:s25+$0x3ED0] =	vst v8;
	v5 =	vadd.f32 v5, v1;
	v1 =	vld [tilespmem:s18+$0x19CD0]  }
0x66: {  	v8 =	vld [tilespmem:s18+$0x19C90];
	[tilespmem:s25+$0xA2D0] =	vst v7  }
0x67: {  	v2 =	vadd.f32 v2, v0;
	v7 =	vld [tilespmem:s18+$0xA2D0];
	v4 =	vadd.f32 v4, v0;
	[tilespmem:s25+$0xCD0] =	vst v6  }
0x68: {  	v10 =	vld [tilespmem:s18+$0x3ED0];
	v3 =	vadd.f32 v3, v0;
	[tilespmem:s25+$0x70D0] =	vst v5  }
.Ltmp3:
0x69: {  	v6 =	vld [tilespmem:s18+$0xCD0];
	[tilespmem:s25+$0xC90] =	vst v2;
	v9 =	vadd.f32 v9, v0;
	(pc) =	sbr.rel @p0 .LBB2_5-.Ltmp3, $4  }
0x6a: {  	v5 =	vld [tilespmem:s18+$0x70D0];
	[tilespmem:s25+$0xA290] =	vst v4  }
0x6b: {  	v2 =	vld [tilespmem:s18+$0xC90];
	[tilespmem:s25+$0x7090] =	vst v9;
	v0 =	vmov v8  }
0x6c: {  	v4 =	vld [tilespmem:s18+$0xA290];
	[tilespmem:s25+$0x3E90] =	vst v3;
	s25 =	smov.u32 s18  }
0x6d: {  	s30 =	sadd.s32 $0x200, s30;
	v7 =	vadd.f32 v7, v1;
	v3 =	vld [tilespmem:s25+$0x3E90];
	v8 =	vadd.f32 v10, v1  }
0x6e: {  	v9 =	vld [tilespmem:s25+$0x7090]  }
0x6f: {  	v6 =	vadd.f32 v6, v1;
	[tilespmem:s25+$0x3ED0] =	vst v8  }
0x70: {  	v1 =	vadd.f32 v5, v1;
	[tilespmem:s25+$0xA2D0] =	vst v7  }
0x71: {  	v2 =	vadd.f32 v2, v0;
	[tilespmem:s25+$0xCD0] =	vst v6  }
0x72: {  	v4 =	vadd.f32 v4, v0;
	[tilespmem:s25+$0x70D0] =	vst v1  }
0x73: {  	[tilespmem:s25+$0xC90] =	vst v2;
	v1 =	vadd.f32 v9, v0  }
0x74: {  	v0 =	vadd.f32 v3, v0;
	[tilespmem:s25+$0xA290] =	vst v4  }
0x75: {  	[tilespmem:s25+$0x7090] =	vst v1  }
0x76: {  	[tilespmem:s25+$0x3E90] =	vst v0  }
0x77: {  	v1 =	vld [tilespmem:s23+$0x19CE0]  }
0x78: {  	v0 =	vld [tilespmem:s23+$0x19CA0]  }
0x79: {  	v7 =	vld [tilespmem:s23+$0xA2E0]  }
0x7a: {  	v8 =	vld [tilespmem:s23+$0x3EE0]  }
0x7b: {  	v6 =	vld [tilespmem:s23+$0xCE0]  }
0x7c: {  	v5 =	vld [tilespmem:s23+$0x70E0]  }
0x7d: {  	v2 =	vld [tilespmem:s23+$0xCA0]  }
0x7e: {  	v4 =	vld [tilespmem:s23+$0xA2A0]  }
0x7f: {  	s28 =	simm.s32 $0x200;
	s25 =	simm.s32 $0x0;
	v3 =	vld [tilespmem:s23+$0x3EA0];
	v8 =	vadd.f32 v8, v1;
	v7 =	vadd.f32 v7, v1  }
.LBB2_7:
0x80: {  	s18 =	sshra.s32 s28, $0x2;
	s25 =	sadd.s32 $0x2, s25;
	v9 =	vld [tilespmem:s23+$0x70A0];
	v6 =	vadd.f32 v6, v1  }
0x81: {  	p0 =	slt.u32 s25, $0xC6;
	[tilespmem:s23+$0x3EE0] =	vst v8;
	v5 =	vadd.f32 v5, v1;
	v1 =	vld [tilespmem:s18+$0x19CE0]  }
0x82: {  	v8 =	vld [tilespmem:s18+$0x19CA0];
	[tilespmem:s23+$0xA2E0] =	vst v7  }
0x83: {  	v2 =	vadd.f32 v2, v0;
	v7 =	vld [tilespmem:s18+$0xA2E0];
	v4 =	vadd.f32 v4, v0;
	[tilespmem:s23+$0xCE0] =	vst v6  }
0x84: {  	v10 =	vld [tilespmem:s18+$0x3EE0];
	v3 =	vadd.f32 v3, v0;
	[tilespmem:s23+$0x70E0] =	vst v5  }
.Ltmp4:
0x85: {  	v6 =	vld [tilespmem:s18+$0xCE0];
	[tilespmem:s23+$0xCA0] =	vst v2;
	v9 =	vadd.f32 v9, v0;
	(pc) =	sbr.rel @p0 .LBB2_7-.Ltmp4, $4  }
0x86: {  	v5 =	vld [tilespmem:s18+$0x70E0];
	[tilespmem:s23+$0xA2A0] =	vst v4  }
0x87: {  	v2 =	vld [tilespmem:s18+$0xCA0];
	[tilespmem:s23+$0x70A0] =	vst v9;
	v0 =	vmov v8  }
0x88: {  	v4 =	vld [tilespmem:s18+$0xA2A0];
	[tilespmem:s23+$0x3EA0] =	vst v3;
	s23 =	smov.u32 s18  }
0x89: {  	s28 =	sadd.s32 $0x200, s28;
	v7 =	vadd.f32 v7, v1;
	v3 =	vld [tilespmem:s23+$0x3EA0];
	v8 =	vadd.f32 v10, v1  }
0x8a: {  	v9 =	vld [tilespmem:s23+$0x70A0]  }
0x8b: {  	v6 =	vadd.f32 v6, v1;
	[tilespmem:s23+$0x3EE0] =	vst v8  }
0x8c: {  	v1 =	vadd.f32 v5, v1;
	[tilespmem:s23+$0xA2E0] =	vst v7  }
0x8d: {  	v2 =	vadd.f32 v2, v0;
	[tilespmem:s23+$0xCE0] =	vst v6  }
0x8e: {  	v4 =	vadd.f32 v4, v0;
	[tilespmem:s23+$0x70E0] =	vst v1  }
0x8f: {  	[tilespmem:s23+$0xCA0] =	vst v2;
	v1 =	vadd.f32 v9, v0  }
0x90: {  	v0 =	vadd.f32 v3, v0;
	[tilespmem:s23+$0xA2A0] =	vst v4  }
0x91: {  	[tilespmem:s23+$0x70A0] =	vst v1  }
0x92: {  	[tilespmem:s23+$0x3EA0] =	vst v0;
	s23 =	simm.s32 $0x0  }
0x93: {  	v1 =	vld [tilespmem:s23+$0x19CF0]  }
0x94: {  	v0 =	vld [tilespmem:s23+$0x19CB0]  }
0x95: {  	v7 =	vld [tilespmem:s23+$0xA2F0]  }
0x96: {  	v8 =	vld [tilespmem:s23+$0x3EF0]  }
0x97: {  	v6 =	vld [tilespmem:s23+$0xCF0]  }
0x98: {  	v5 =	vld [tilespmem:s23+$0x70F0]  }
0x99: {  	v2 =	vld [tilespmem:s23+$0xCB0]  }
0x9a: {  	v4 =	vld [tilespmem:s23+$0xA2B0]  }
0x9b: {  	s25 =	simm.s32 $0x0;
	s28 =	simm.s32 $0x200;
	v3 =	vld [tilespmem:s23+$0x3EB0];
	v8 =	vadd.f32 v8, v1;
	v7 =	vadd.f32 v7, v1  }
.LBB2_9:
0x9c: {  	s18 =	sshra.s32 s28, $0x2;
	s25 =	sadd.s32 $0x2, s25;
	v9 =	vld [tilespmem:s23+$0x70B0];
	v6 =	vadd.f32 v6, v1  }
0x9d: {  	p0 =	slt.u32 s25, $0xC6;
	[tilespmem:s23+$0x3EF0] =	vst v8;
	v5 =	vadd.f32 v5, v1;
	v1 =	vld [tilespmem:s18+$0x19CF0]  }
0x9e: {  	v8 =	vld [tilespmem:s18+$0x19CB0];
	[tilespmem:s23+$0xA2F0] =	vst v7  }
0x9f: {  	v2 =	vadd.f32 v2, v0;
	v7 =	vld [tilespmem:s18+$0xA2F0];
	v4 =	vadd.f32 v4, v0;
	[tilespmem:s23+$0xCF0] =	vst v6  }
0xa0: {  	v10 =	vld [tilespmem:s18+$0x3EF0];
	v3 =	vadd.f32 v3, v0;
	[tilespmem:s23+$0x70F0] =	vst v5  }
.Ltmp5:
0xa1: {  	v6 =	vld [tilespmem:s18+$0xCF0];
	[tilespmem:s23+$0xCB0] =	vst v2;
	v9 =	vadd.f32 v9, v0;
	(pc) =	sbr.rel @p0 .LBB2_9-.Ltmp5, $4  }
0xa2: {  	v5 =	vld [tilespmem:s18+$0x70F0];
	[tilespmem:s23+$0xA2B0] =	vst v4  }
0xa3: {  	v2 =	vld [tilespmem:s18+$0xCB0];
	[tilespmem:s23+$0x70B0] =	vst v9;
	v0 =	vmov v8  }
0xa4: {  	v4 =	vld [tilespmem:s18+$0xA2B0];
	[tilespmem:s23+$0x3EB0] =	vst v3;
	s23 =	smov.u32 s18  }
0xa5: {  	s28 =	sadd.s32 $0x200, s28;
	v7 =	vadd.f32 v7, v1;
	v3 =	vld [tilespmem:s23+$0x3EB0];
	v8 =	vadd.f32 v10, v1  }
0xa6: {  	v9 =	vld [tilespmem:s23+$0x70B0]  }
0xa7: {  	v6 =	vadd.f32 v6, v1;
	[tilespmem:s23+$0x3EF0] =	vst v8  }
0xa8: {  	v1 =	vadd.f32 v5, v1;
	[tilespmem:s23+$0xA2F0] =	vst v7  }
0xa9: {  	v2 =	vadd.f32 v2, v0;
	[tilespmem:s23+$0xCF0] =	vst v6  }
0xaa: {  	v4 =	vadd.f32 v4, v0;
	[tilespmem:s23+$0x70F0] =	vst v1  }
0xab: {  	[tilespmem:s23+$0xCB0] =	vst v2;
	v1 =	vadd.f32 v9, v0  }
0xac: {  	v0 =	vadd.f32 v3, v0;
	[tilespmem:s23+$0xA2B0] =	vst v4  }
0xad: {  	p0 =	seq.s32 s2, $0x0;
	[tilespmem:s23+$0x70B0] =	vst v1  }
0xae: {  	s18 =	simm.s32 @!p0 $0x4;
	[tilespmem:s23+$0x3EB0] =	vst v0  }
0xaf: {  	_ =	swait.ge @!p0 [sflag:s18], $0xC800  }
0xb0: {  	[sflag:s18] =	ssyncset.done @!p0 $0x0  }
0xb1: {  	[sflag:s18] =	ssyncadd.s32 @!p0 $0xFFFF3800  }
0xb2: {  	[hbm4b:s21+s0] =	stream.strided.scatter [tilespmem:s15], [sflag:$0x3], $0xC800, s1, s0, $0x38;
	[tilespmem:$0x1CE80] =	vst v63  }
0xb3: {  	s21 =	sand.u32 $0x1, s2  }
0xb4: {  	s18 =	simm.s32 $0x640;
	p0 =	seq.s32 s21, $0x1  }
0xb5: {  	s18 =	simm.s32 @!p0 $0x0  }
0xb6: {  	s23 =	sadd.s32 $0x320, s18  }
0xb7: {  	[tilespmem:s12], [sflag:$0x2] =	stream.indirect.gather [hbm4b:s5+s14], $0x40, s23, s14, $0xb8;
	[tilespmem:$0x1CE80] =	vst v63  }
0xb8: {  	s30 =	simm.s32 $0xEE80;
	s25 =	sadd.s32 $0x388, s18  }
0xb9: {  	[tilespmem:s30], [sflag:$0x2] =	stream.indirect.gather [hbm4b:s5+s16], $0x40, s25, s16, $0xb8;
	[tilespmem:$0x1CE80] =	vst v63  }
0xba: {  	s25 =	sadd.s32 $0x3E8, s18  }
0xbb: {  	[tilespmem:s20], [sflag:$0x2] =	stream.indirect.gather [hbm4b:s5+s14], $0x40, s25, s14, $0xb8;
	[tilespmem:$0x1CE80] =	vst v63  }
0xbc: {  	s30 =	sadd.s32 $0x450, s18  }
0xbd: {  	[tilespmem:s22], [sflag:$0x2] =	stream.indirect.gather [hbm4b:s5+s16], $0x40, s30, s16, $0xb8;
	[tilespmem:$0x1CE80] =	vst v63  }
0xbe: {  	s23 =	sadd.s32 $0x4B0, s18  }
0xbf: {  	[tilespmem:s24], [sflag:$0x2] =	stream.indirect.gather [hbm4b:s5+s14], $0x40, s23, s14, $0xb8;
	[tilespmem:$0x1CE80] =	vst v63  }
0xc0: {  	s25 =	sadd.s32 $0x518, s18  }
0xc1: {  	[tilespmem:s26], [sflag:$0x2] =	stream.indirect.gather [hbm4b:s5+s16], $0x40, s25, s16, $0xb8;
	[tilespmem:$0x1CE80] =	vst v63  }
0xc2: {  	s30 =	sadd.s32 $0x578, s18  }
0xc3: {  	[tilespmem:s29], [sflag:$0x2] =	stream.indirect.gather [hbm4b:s5+s14], $0x40, s30, s14, $0xb8;
	[tilespmem:$0x1CE80] =	vst v63  }
0xc4: {  	s18 =	sadd.s32 $0x5E0, s18  }
0xc5: {  	[tilespmem:s6], [sflag:$0x2] =	stream.indirect.gather [hbm4b:s5+s16], $0x40, s18, s16, $0xb8;
	[tilespmem:$0x1CE80] =	vst v63  }
0xc6: {  	_ =	swait.ge [sflag:s8], $0xC800  }
0xc7: {  	[sflag:s8] =	ssyncset.done $0x0  }
0xc8: {  	s21 =	simm.s32 $0x0;
	[sflag:s8] =	ssyncadd.s32 $0xFFFF3800  }
0xc9: {  	v1 =	vld [tilespmem:s21+$0x19CC0]  }
0xca: {  	v0 =	vld [tilespmem:s21+$0x19C80]  }
0xcb: {  	v7 =	vld [tilespmem:s21+$0x16AC0]  }
0xcc: {  	v8 =	vld [tilespmem:s21+$0x106C0]  }
0xcd: {  	v6 =	vld [tilespmem:s21+$0xD4C0]  }
0xce: {  	v5 =	vld [tilespmem:s21+$0x138C0]  }
0xcf: {  	v2 =	vld [tilespmem:s21+$0xD480]  }
0xd0: {  	s19 =	sadd.s32 s11, s19;
	v4 =	vld [tilespmem:s21+$0x16A80]  }
0xd1: {  	s28 =	simm.s32 $0x200;
	s23 =	simm.s32 $0x0;
	s25 =	simm.s32 $0x0;
	v3 =	vld [tilespmem:s21+$0x10680];
	v8 =	vadd.f32 v8, v1;
	v7 =	vadd.f32 v7, v1  }
.LBB2_11:
0xd2: {  	s18 =	sshra.s32 s28, $0x2;
	s25 =	sadd.s32 $0x2, s25;
	v9 =	vld [tilespmem:s23+$0x13880];
	v6 =	vadd.f32 v6, v1  }
0xd3: {  	p1 =	slt.u32 s25, $0xC6;
	[tilespmem:s23+$0x106C0] =	vst v8;
	v5 =	vadd.f32 v5, v1;
	v1 =	vld [tilespmem:s18+$0x19CC0]  }
0xd4: {  	v8 =	vld [tilespmem:s18+$0x19C80];
	[tilespmem:s23+$0x16AC0] =	vst v7  }
0xd5: {  	v2 =	vadd.f32 v2, v0;
	v7 =	vld [tilespmem:s18+$0x16AC0];
	v4 =	vadd.f32 v4, v0;
	[tilespmem:s23+$0xD4C0] =	vst v6  }
0xd6: {  	v10 =	vld [tilespmem:s18+$0x106C0];
	v3 =	vadd.f32 v3, v0;
	[tilespmem:s23+$0x138C0] =	vst v5  }
.Ltmp6:
0xd7: {  	v6 =	vld [tilespmem:s18+$0xD4C0];
	[tilespmem:s23+$0xD480] =	vst v2;
	v9 =	vadd.f32 v9, v0;
	(pc) =	sbr.rel @p1 .LBB2_11-.Ltmp6, $4  }
0xd8: {  	v5 =	vld [tilespmem:s18+$0x138C0];
	[tilespmem:s23+$0x16A80] =	vst v4  }
0xd9: {  	v2 =	vld [tilespmem:s18+$0xD480];
	[tilespmem:s23+$0x13880] =	vst v9;
	v0 =	vmov v8  }
0xda: {  	v4 =	vld [tilespmem:s18+$0x16A80];
	[tilespmem:s23+$0x10680] =	vst v3;
	s23 =	smov.u32 s18  }
0xdb: {  	s28 =	sadd.s32 $0x200, s28;
	v7 =	vadd.f32 v7, v1;
	v3 =	vld [tilespmem:s23+$0x10680];
	v8 =	vadd.f32 v10, v1  }
0xdc: {  	v9 =	vld [tilespmem:s23+$0x13880]  }
0xdd: {  	v6 =	vadd.f32 v6, v1;
	[tilespmem:s23+$0x106C0] =	vst v8  }
0xde: {  	v1 =	vadd.f32 v5, v1;
	[tilespmem:s23+$0x16AC0] =	vst v7  }
0xdf: {  	v2 =	vadd.f32 v2, v0;
	[tilespmem:s23+$0xD4C0] =	vst v6  }
0xe0: {  	v4 =	vadd.f32 v4, v0;
	[tilespmem:s23+$0x138C0] =	vst v1  }
0xe1: {  	[tilespmem:s23+$0xD480] =	vst v2;
	v1 =	vadd.f32 v9, v0  }
0xe2: {  	v0 =	vadd.f32 v3, v0;
	[tilespmem:s23+$0x16A80] =	vst v4  }
0xe3: {  	[tilespmem:s23+$0x13880] =	vst v1  }
0xe4: {  	[tilespmem:s23+$0x10680] =	vst v0  }
0xe5: {  	v1 =	vld [tilespmem:s21+$0x19CD0]  }
0xe6: {  	v0 =	vld [tilespmem:s21+$0x19C90]  }
0xe7: {  	v7 =	vld [tilespmem:s21+$0x16AD0]  }
0xe8: {  	v8 =	vld [tilespmem:s21+$0x106D0]  }
0xe9: {  	v6 =	vld [tilespmem:s21+$0xD4D0]  }
0xea: {  	v5 =	vld [tilespmem:s21+$0x138D0]  }
0xeb: {  	v2 =	vld [tilespmem:s21+$0xD490]  }
0xec: {  	v4 =	vld [tilespmem:s21+$0x16A90]  }
0xed: {  	s25 =	simm.s32 $0x200;
	s23 =	simm.s32 $0x0;
	v3 =	vld [tilespmem:s21+$0x10690];
	v8 =	vadd.f32 v8, v1;
	v7 =	vadd.f32 v7, v1  }
.LBB2_13:
0xee: {  	s18 =	sshra.s32 s25, $0x2;
	s23 =	sadd.s32 $0x2, s23;
	v9 =	vld [tilespmem:s21+$0x13890];
	v6 =	vadd.f32 v6, v1  }
0xef: {  	p1 =	slt.u32 s23, $0xC6;
	[tilespmem:s21+$0x106D0] =	vst v8;
	v5 =	vadd.f32 v5, v1;
	v1 =	vld [tilespmem:s18+$0x19CD0]  }
0xf0: {  	v8 =	vld [tilespmem:s18+$0x19C90];
	[tilespmem:s21+$0x16AD0] =	vst v7  }
0xf1: {  	v2 =	vadd.f32 v2, v0;
	v7 =	vld [tilespmem:s18+$0x16AD0];
	v4 =	vadd.f32 v4, v0;
	[tilespmem:s21+$0xD4D0] =	vst v6  }
0xf2: {  	v10 =	vld [tilespmem:s18+$0x106D0];
	v3 =	vadd.f32 v3, v0;
	[tilespmem:s21+$0x138D0] =	vst v5  }
.Ltmp7:
0xf3: {  	v6 =	vld [tilespmem:s18+$0xD4D0];
	[tilespmem:s21+$0xD490] =	vst v2;
	v9 =	vadd.f32 v9, v0;
	(pc) =	sbr.rel @p1 .LBB2_13-.Ltmp7, $4  }
0xf4: {  	v5 =	vld [tilespmem:s18+$0x138D0];
	[tilespmem:s21+$0x16A90] =	vst v4  }
0xf5: {  	v2 =	vld [tilespmem:s18+$0xD490];
	[tilespmem:s21+$0x13890] =	vst v9;
	v0 =	vmov v8  }
0xf6: {  	v4 =	vld [tilespmem:s18+$0x16A90];
	[tilespmem:s21+$0x10690] =	vst v3;
	s21 =	smov.u32 s18  }
0xf7: {  	s25 =	sadd.s32 $0x200, s25;
	v7 =	vadd.f32 v7, v1;
	v3 =	vld [tilespmem:s21+$0x10690];
	v8 =	vadd.f32 v10, v1  }
0xf8: {  	v9 =	vld [tilespmem:s21+$0x13890]  }
0xf9: {  	v6 =	vadd.f32 v6, v1;
	[tilespmem:s21+$0x106D0] =	vst v8  }
0xfa: {  	v1 =	vadd.f32 v5, v1;
	[tilespmem:s21+$0x16AD0] =	vst v7  }
0xfb: {  	v2 =	vadd.f32 v2, v0;
	[tilespmem:s21+$0xD4D0] =	vst v6  }
0xfc: {  	v4 =	vadd.f32 v4, v0;
	[tilespmem:s21+$0x138D0] =	vst v1  }
0xfd: {  	[tilespmem:s21+$0xD490] =	vst v2;
	v1 =	vadd.f32 v9, v0  }
0xfe: {  	v0 =	vadd.f32 v3, v0;
	[tilespmem:s21+$0x16A90] =	vst v4  }
0xff: {  	[tilespmem:s21+$0x13890] =	vst v1  }
0x100: {  	[tilespmem:s21+$0x10690] =	vst v0;
	s21 =	simm.s32 $0x0  }
0x101: {  	v1 =	vld [tilespmem:s21+$0x19CE0]  }
0x102: {  	v0 =	vld [tilespmem:s21+$0x19CA0]  }
0x103: {  	v7 =	vld [tilespmem:s21+$0x16AE0]  }
0x104: {  	v8 =	vld [tilespmem:s21+$0x106E0]  }
0x105: {  	v6 =	vld [tilespmem:s21+$0xD4E0]  }
0x106: {  	v5 =	vld [tilespmem:s21+$0x138E0]  }
0x107: {  	v2 =	vld [tilespmem:s21+$0xD4A0]  }
0x108: {  	v4 =	vld [tilespmem:s21+$0x16AA0]  }
0x109: {  	s25 =	simm.s32 $0x0;
	s28 =	simm.s32 $0x200;
	s23 =	simm.s32 $0x0;
	v3 =	vld [tilespmem:s21+$0x106A0];
	v8 =	vadd.f32 v8, v1;
	v7 =	vadd.f32 v7, v1  }
.LBB2_15:
0x10a: {  	s18 =	sshra.s32 s28, $0x2;
	s25 =	sadd.s32 $0x2, s25;
	v9 =	vld [tilespmem:s23+$0x138A0];
	v6 =	vadd.f32 v6, v1  }
0x10b: {  	p1 =	slt.u32 s25, $0xC6;
	[tilespmem:s23+$0x106E0] =	vst v8;
	v5 =	vadd.f32 v5, v1;
	v1 =	vld [tilespmem:s18+$0x19CE0]  }
0x10c: {  	v8 =	vld [tilespmem:s18+$0x19CA0];
	[tilespmem:s23+$0x16AE0] =	vst v7  }
0x10d: {  	v2 =	vadd.f32 v2, v0;
	v7 =	vld [tilespmem:s18+$0x16AE0];
	v4 =	vadd.f32 v4, v0;
	[tilespmem:s23+$0xD4E0] =	vst v6  }
0x10e: {  	v10 =	vld [tilespmem:s18+$0x106E0];
	v3 =	vadd.f32 v3, v0;
	[tilespmem:s23+$0x138E0] =	vst v5  }
.Ltmp8:
0x10f: {  	v6 =	vld [tilespmem:s18+$0xD4E0];
	[tilespmem:s23+$0xD4A0] =	vst v2;
	v9 =	vadd.f32 v9, v0;
	(pc) =	sbr.rel @p1 .LBB2_15-.Ltmp8, $4  }
0x110: {  	v5 =	vld [tilespmem:s18+$0x138E0];
	[tilespmem:s23+$0x16AA0] =	vst v4  }
0x111: {  	v2 =	vld [tilespmem:s18+$0xD4A0];
	[tilespmem:s23+$0x138A0] =	vst v9;
	v0 =	vmov v8  }
0x112: {  	v4 =	vld [tilespmem:s18+$0x16AA0];
	[tilespmem:s23+$0x106A0] =	vst v3;
	s23 =	smov.u32 s18  }
0x113: {  	s28 =	sadd.s32 $0x200, s28;
	v7 =	vadd.f32 v7, v1;
	v3 =	vld [tilespmem:s23+$0x106A0];
	v8 =	vadd.f32 v10, v1  }
0x114: {  	v9 =	vld [tilespmem:s23+$0x138A0]  }
0x115: {  	v6 =	vadd.f32 v6, v1;
	[tilespmem:s23+$0x106E0] =	vst v8  }
0x116: {  	v1 =	vadd.f32 v5, v1;
	[tilespmem:s23+$0x16AE0] =	vst v7  }
0x117: {  	v2 =	vadd.f32 v2, v0;
	[tilespmem:s23+$0xD4E0] =	vst v6  }
0x118: {  	v4 =	vadd.f32 v4, v0;
	[tilespmem:s23+$0x138E0] =	vst v1  }
0x119: {  	[tilespmem:s23+$0xD4A0] =	vst v2;
	v1 =	vadd.f32 v9, v0  }
0x11a: {  	v0 =	vadd.f32 v3, v0;
	[tilespmem:s23+$0x16AA0] =	vst v4  }
0x11b: {  	[tilespmem:s23+$0x138A0] =	vst v1  }
0x11c: {  	[tilespmem:s23+$0x106A0] =	vst v0  }
0x11d: {  	v1 =	vld [tilespmem:s21+$0x19CF0]  }
0x11e: {  	v0 =	vld [tilespmem:s21+$0x19CB0]  }
0x11f: {  	v7 =	vld [tilespmem:s21+$0x16AF0]  }
0x120: {  	v8 =	vld [tilespmem:s21+$0x106F0]  }
0x121: {  	v6 =	vld [tilespmem:s21+$0xD4F0]  }
0x122: {  	v5 =	vld [tilespmem:s21+$0x138F0]  }
0x123: {  	v2 =	vld [tilespmem:s21+$0xD4B0]  }
0x124: {  	v4 =	vld [tilespmem:s21+$0x16AB0]  }
0x125: {  	s25 =	simm.s32 $0x200;
	s23 =	simm.s32 $0x0;
	v3 =	vld [tilespmem:s21+$0x106B0];
	v8 =	vadd.f32 v8, v1;
	v7 =	vadd.f32 v7, v1  }
.LBB2_17:
0x126: {  	s18 =	sshra.s32 s25, $0x2;
	s23 =	sadd.s32 $0x2, s23;
	v9 =	vld [tilespmem:s21+$0x138B0];
	v6 =	vadd.f32 v6, v1  }
0x127: {  	p1 =	slt.u32 s23, $0xC6;
	[tilespmem:s21+$0x106F0] =	vst v8;
	v5 =	vadd.f32 v5, v1;
	v1 =	vld [tilespmem:s18+$0x19CF0]  }
0x128: {  	v8 =	vld [tilespmem:s18+$0x19CB0];
	[tilespmem:s21+$0x16AF0] =	vst v7  }
0x129: {  	v2 =	vadd.f32 v2, v0;
	v7 =	vld [tilespmem:s18+$0x16AF0];
	v4 =	vadd.f32 v4, v0;
	[tilespmem:s21+$0xD4F0] =	vst v6  }
0x12a: {  	v10 =	vld [tilespmem:s18+$0x106F0];
	v3 =	vadd.f32 v3, v0;
	[tilespmem:s21+$0x138F0] =	vst v5  }
.Ltmp9:
0x12b: {  	v6 =	vld [tilespmem:s18+$0xD4F0];
	[tilespmem:s21+$0xD4B0] =	vst v2;
	v9 =	vadd.f32 v9, v0;
	(pc) =	sbr.rel @p1 .LBB2_17-.Ltmp9, $4  }
0x12c: {  	v5 =	vld [tilespmem:s18+$0x138F0];
	[tilespmem:s21+$0x16AB0] =	vst v4  }
0x12d: {  	v2 =	vld [tilespmem:s18+$0xD4B0];
	[tilespmem:s21+$0x138B0] =	vst v9;
	v0 =	vmov v8  }
0x12e: {  	v4 =	vld [tilespmem:s18+$0x16AB0];
	[tilespmem:s21+$0x106B0] =	vst v3;
	s21 =	smov.u32 s18  }
0x12f: {  	s25 =	sadd.s32 $0x200, s25;
	v7 =	vadd.f32 v7, v1;
	v3 =	vld [tilespmem:s21+$0x106B0];
	v8 =	vadd.f32 v10, v1  }
0x130: {  	_ = 	snop  }
0x131: {  	v9 =	vld [tilespmem:s21+$0x138B0];
	v6 =	vadd.f32 v6, v1;
	[tilespmem:s21+$0x106F0] =	vst v8  }
0x132: {  	v61 =	vadd.f32 v5, v1;
	[tilespmem:s21+$0x16AF0] =	vst v7  }
0x133: {  	v2 =	vadd.f32 v2, v0;
	[tilespmem:s21+$0xD4F0] =	vst v6  }
0x134: {  	v4 =	vadd.f32 v4, v0;
	[tilespmem:s21+$0x138F0] =	vst v61  }
0x135: {  	[tilespmem:s21+$0xD4B0] =	vst v2;
	v63 =	vadd.f32 v3, v0  }
0x136: {  	v62 =	vadd.f32 v9, v0;
	[tilespmem:s21+$0x16AB0] =	vst v4  }
0x137: {  	p1 =	seq.s32 s2, $0xF;
	[tilespmem:s21+$0x106B0] =	vst v63  }
.Ltmp10:
0x138: {  	[tilespmem:s21+$0x138B0] =	vst v62;
	(pc) =	sbr.rel @p1 .LBB2_20-.Ltmp10, $4  }
0x139: {  	_ =	swait.ge [sflag:s10], $0xC800  }
0x13a: {  	[sflag:s10] =	ssyncset.done $0x0  }
0x13b: {  	[sflag:s10] =	ssyncadd.s32 $0xFFFF3800  }
0x13c: {  	[hbm4b:s19+s0] =	stream.strided.scatter [tilespmem:s12], [sflag:$0x4], $0xC800, s1, s0, $0x38;
	[tilespmem:$0x1CE80] =	vst v63  }
0x13d: {  	s17 =	sadd.s32 s17, s9  }
0x13e: {  	s17 =	smul.u32 $0x19, s17  }
0x13f: {  	s18 =	simm.s32 $0x0;
	s19 =	rddreg [dreg:$0x0]  }
0x140: {  	s18 =	simm.s32 @!p0 $0x640;
	s17 =	sadd.s32 s19, s17  }
0x141: {  	[tilespmem:s18], [sflag:$0x5] =	stream.linear.gather [hbm4b:s17+s3], $0x640, $0x38;
	[tilespmem:$0x1CE80] =	vst v63  }
0x142: {  	_ =	swait.ge [sflag:s13], $0x640  }
0x143: {  	[sflag:s13] =	ssyncset.done $0x0  }
0x144: {  	[sflag:s13] =	ssyncadd.s32 $0xFFFFF9C0  }
0x145: {  	[tilespmem:s15], [sflag:$0x1] =	stream.indirect.gather [hbm4b:s5+s14], $0x40, s18, s14, $0xb8;
	[tilespmem:$0x1CE80] =	vst v63  }
0x146: {  	s30 =	simm.s32 $0x2680;
	s28 =	sadd.s32 $0x68, s18  }
0x147: {  	[tilespmem:s30], [sflag:$0x1] =	stream.indirect.gather [hbm4b:s5+s16], $0x40, s28, s16, $0xb8;
	[tilespmem:$0x1CE80] =	vst v63  }
0x148: {  	s21 =	simm.s32 $0x3E80;
	s19 =	sadd.s32 $0xC8, s18  }
0x149: {  	[tilespmem:s21], [sflag:$0x1] =	stream.indirect.gather [hbm4b:s5+s14], $0x40, s19, s14, $0xb8;
	[tilespmem:$0x1CE80] =	vst v63  }
0x14a: {  	s25 =	simm.s32 $0x5880;
	s23 =	sor.u32 $0x130, s18  }
0x14b: {  	[tilespmem:s25], [sflag:$0x1] =	stream.indirect.gather [hbm4b:s5+s16], $0x40, s23, s16, $0xb8;
	[tilespmem:$0x1CE80] =	vst v63  }
0x14c: {  	s28 =	sor.u32 $0x190, s18;
	s30 =	simm.s32 $0x7080  }
0x14d: {  	[tilespmem:s30], [sflag:$0x1] =	stream.indirect.gather [hbm4b:s5+s14], $0x40, s28, s14, $0xb8;
	[tilespmem:$0x1CE80] =	vst v63  }
0x14e: {  	s19 =	sadd.s32 $0x1F8, s18;
	s21 =	simm.s32 $0x8A80  }
0x14f: {  	[tilespmem:s21], [sflag:$0x1] =	stream.indirect.gather [hbm4b:s5+s16], $0x40, s19, s16, $0xb8;
	[tilespmem:$0x1CE80] =	vst v63  }
.Ltmp11:
0x150: {  	_ = 	snop;
	(pc) =	sbr.rel .LBB2_2-.Ltmp11, $4  }
0x151: {  	s23 =	sadd.s32 $0x258, s18;
	s25 =	simm.s32 $0xA280  }
0x152: {  	[tilespmem:s25], [sflag:$0x1] =	stream.indirect.gather [hbm4b:s5+s14], $0x40, s23, s14, $0xb8;
	[tilespmem:$0x1CE80] =	vst v63  }
0x153: {  	s2 =	sadd.s32 $0x1, s2;
	s28 =	sadd.s32 $0x2C0, s18;
	s30 =	simm.s32 $0xBC80  }
0x154: {  	[tilespmem:s30], [sflag:$0x1] =	stream.indirect.gather [hbm4b:s5+s16], $0x40, s28, s16, $0xb8;
	[tilespmem:$0x1CE80] =	vst v63  }
.LBB2_21:
0x155: {  	_ =	sfence.sel $0x180000  }
0x156: {  	[bflag:$0x0] =	sbarrier.arrive $0xFFFF  }
0x157: {  	_ =	strace $0x90000047  }
0x158: {  	s0 =	stileid.u32;
	[bflag:$0x2] =	sbarrier.arrive $0xFFFF  }
0x159: {  	p0 =	sne.s32 s0, $0x0;
	s0 =	rddreg [dreg:$0x2]  }
0x15a: {  	s0 =	sadd.s32 @!p0 $0x100000, s0  }
0x15b: {  	[sflag:s0] =	ssyncadd.tile.s32 @!p0 $0x1;
	_ =	shalt  }
.Lfunc_end2:
_tile_overlayer_lowered:
.L_overlay_start_2:
0x15c: {  	(tag) =	ssettag $0x2  }
0x15d: {  	s0 =	rddreg [dreg:$0x0];
	s2 =	stileid.u32  }
0x15e: {  	s1 =	rddreg [dreg:$0x1];
	p0 =	sne.s32 s2, $0x0  }
0x15f: {  	s3 =	rddreg [dreg:$0x2];
	[bflag:$0x3] =	sbarrier.arrive $0xFFFF;
	s2 =	simm.s32 @!p0 $0x1C05  }
0x160: {  	[timem:s3], [sflag:s2] =	dma.local @!p0 [hbm:s0], s1  }
0x161: {  	s0 =	simm.s32 @!p0 $0x5  }
0x162: {  	_ =	swait.ge @!p0 [sflag:s0], s1  }
0x163: {  	s1 =	ssub.s32 @!p0 $0x0, s1;
	[sflag:s0] =	ssyncset.done @!p0 $0x0  }
0x164: {  	[sflag:s0] =	ssyncadd.s32 @!p0 s1  }
0x165: {  	[bflag:$0x3] =	sbarrier.arrive $0xFFFF  }
0x166: {  	_ =	shalt  }

// kernel: sparse-core-data-format-call.cloned.1.call-start
scs
called_computation_lowered:
.L_overlay_start_0:
0x0: {  	s2 =	sld [smem:$0x3FD9]  }
0x1: {  	s3 =	sld [smem:$0x3FFE];
	_ =	sdelay $0x1  }
0x2: {  	s1 =	srdreg.scid  }
0x3: {  	s0 =	sand.u32 $0x1, s1  }
0x4: {  	s18 =	sshll.u32 s0, $0xA;
	s2 =	sadd.s32 s3, s2  }
0x5: {  	s2 =	sadd.s32 s2, s18  }
0x6: {  	[smem:$0x3FC6] =	sst s2  }
0x7: {  	_ = 	snop  }
0x8: {  	s2 =	sld [smem:$0x3FD0];
	(tm) =	ssettm $0x1  }
0x9: {  	s19 =	sld [smem:$0x3FFB];
	_ =	sdelay $0x3  }
0xa: {  	_ =	strace s19  }
0xb: {  	s3 =	sld [smem:$0x3FFC];
	_ =	sdelay $0x3  }
0xc: {  	_ =	strace s3  }
0xd: {  	s3 =	sld [smem:$0x3FFD];
	_ =	sdelay $0x3  }
0xe: {  	_ =	strace s3  }
0xf: {  	_ =	strace $0x8FFFFFFF  }
0x10: {  	s20 =	sld [smem:$0x3FDB];
	_ =	sdelay $0x1  }
0x11: {  	s4 =	simm.s32 $_scs_section_size  }
0x12: {  	s5 =	simm.s32 $_size__tile_overlayer_lowered;
	s6 =	simm.s32 $_tile_overlayer_lowered  }
0x13: {  	s23 =	simm.s32 $0x1BFF;
	s22 =	sshll.u32 s6, $0x1;
	s3 =	sadd.s32 s4, s20  }
0x14: {  	s7 =	simm.s32 $0x0;
	s21 =	sshll.u32 s5, $0x1;
	s5 =	sadd.s32 s22, s3  }
0x15: {  	[timem:s7], [sflag:s23] =	dma.local [hbm:s5], s21  }
0x16: {  	_ =	swait.ge [sflag:s23], s21  }
0x17: {  	s4 =	ssub.s32 $0x0, s21;
	[sflag:s23] =	ssyncset.done $0x0  }
0x18: {  	[sflag:s23] =	ssyncadd.s32 s4;
	_ =	sdelay $0x1  }
0x19: {  	s24 =	simm.s32 $0x1B8B  }
0x1a: {  	_ =	swait.ge [sflag:s24], $0x1  }
0x1b: {  	[sflag:s24] =	ssyncset.done $0x0  }
0x1c: {  	s26 =	simm.s32 $0x1B8E;
	s25 =	sld [smem:$0x3FFE];
	[sflag:s24] =	ssyncadd.s32 $0xFFFFFFFF  }
0x1d: {  	s27 =	simm.s32 $execute0_lowered;
	[smem:$0x3FD2] =	sst s26  }
0x1e: {  	s5 =	sshll.u32 s27, $0x1;
	_ =	strace $0x80000049;
	[dreg:$0x1] =	wrdreg $0xFFFFFFFF  }
0x1f: {  	s28 =	simm.s32 $_size_execute0_lowered;
	s3 =	sadd.s32 s3, s5;
	[dreg:$0x0] =	wrdreg $0x0  }
0x20: {  	s5 =	sshll.u32 s28, $0x1;
	[dreg:$0x2] =	wrdreg s3  }
0x21: {  	[dreg:$0x3] =	wrdreg s5  }
0x22: {  	[dreg:$0x4] =	wrdreg $0xC0  }
0x23: {  	_ =	task [dreg:s7], $0x5FFFF  }
0x24: {  	[dreg:$0x1] =	wrdreg $0xFFFFFFFF  }
0x25: {  	[dreg:$0x0] =	wrdreg $0x60  }
0x26: {  	[dreg:$0x2] =	wrdreg s25  }
0x27: {  	[dreg:$0x3] =	wrdreg s2  }
0x28: {  	[dreg:$0x4] =	wrdreg $0x9  }
0x29: {  	_ =	task.clear_ibuf [dreg:s7], $0x5FFFF;
	_ =	strace $0x90000049  }
0x2a: {  	s29 =	simm.s32 $0x9;
	_ =	strace $0x8000004B  }
0x2b: {  	_ =	swait.ge [sflag:s29], $0x1  }
0x2c: {  	[sflag:s29] =	ssyncadd.s32 $0xFFFFFFFF  }
0x2d: {  	_ =	strace $0x9000004B  }
0x2e: {  	_ =	sfence  }
0x2f: {  	s30 =	sld [smem:$0x0];
	_ =	sdelay $0x2  }
0x30: {  	s31 =	sshll.u32 s1, $0xD;
	s1 =	sshrl.u32 s1, $0x2  }
0x31: {  	s3 =	sand.u32 $0x4000, s31;
	s1 =	sadd.s32 s1, s30  }
0x32: {  	s0 =	sor.u32 s3, s0;
	s1 =	sshll.u32 s1, $0x11  }
0x33: {  	s0 =	sor.u32 s1, s0  }
0x34: {  	s0 =	sadd.s32 $0x8F2B, s0  }
0x35: {  	[sflag:s0] =	ssyncadd.remote.s32 $0x1  }
0x36: {  	_ =	sfence.sel $0xFFFF  }
0x37: {  	[dreg:$0x0] =	wrdreg $0xFFFFFFFF;
	(pc) =	sbr.abs _section_cstart, $3  }
0x38: {  	[dreg:$0x1] =	wrdreg $0xFFFFFFFF  }
0x39: {  	_ =	task.clear_ibuf [dreg:s7], $0x2FFFF;
	_ =	strace $0x9FFFFFFF  }
0x3a: {  	(tm) =	ssettm $0x7FFFFFFF  }
0x3b: {  	_ =	shalt  }
tec
execute0_lowered:
.L_overlay_start_1:
0x0: {  	(tag) =	ssettag $0x1  }
0x1: {  	s0 =	srdreg.scid  }
0x2: {  	s1 =	sshll.u32 s0, $0x4  }
0x3: {  	s0 =	stileid.u32;
	s1 =	sand.u32 $0x10, s1  }
0x4: {  	s1 =	sor.u32 s0, s1  }
0x5: {  	s6 =	rddreg [dreg:$0x0];
	s4 =	simm.s32 $0x1;
	s2 =	sshll.u32 s1, $0x7  }
0x6: {  	s7 =	simm.s32 $0x2;
	s12 =	simm.s32 $0x0;
	s1 =	ssub.s32 $0x1000, s2  }
0x7: {  	s8 =	simm.s32 $0x8000;
	s13 =	simm.s32 $0x0;
	s3 =	sand.u32 $0xF80, s1  }
0x8: {  	s9 =	simm.s32 $0x0;
	s5 =	sshrl.u32 s1, $0xC;
	p0 =	sne.s32 s3, $0x0  }
.Ltmp0:
0x9: {  	s1 =	rddreg [dreg:$0x2];
	s4 =	simm.s32 @!p0 $0x0;
	(pc) =	sbr.rel .LBB1_1-.Ltmp0, $4  }
0xa: {  	s11 =	simm.s32 $0x0;
	s3 =	rddreg [dreg:$0x1];
	s5 =	sadd.s32 s4, s5  }
0xb: {  	_ =	strace $0x8000004A;
	s4 =	simm.s32 $0x1;
	s5 =	smul.u32 $0xC8, s5  }
0xc: {  	s6 =	sadd.s32 $0xC00, s6;
	s10 =	smov.u32 s2;
	[sflag:s4] =	ssyncpa.u1 $0x0  }
0xd: {  	p0 =	por $0x0, $0x0;
	[sflag:s7] =	ssyncpa.u1 $0x0;
	s7 =	sor.u32 $0x1, s5  }
.LBB1_4:
0xe: {  	s16 =	sshll.u32 s13, $0x3;
	s17 =	sand.u32 $0x78, s13  }
0xf: {  	s30 =	sand.u32 $0x7E00, s13;
	s12 =	sshll.u32 s12, $0xF;
	s16 =	sand.u32 $0xC00, s16  }
0x10: {  	[tilespmem:s15+$0x810 ss:$0x81] =	vst.msk $0xffff, v2;
	s31 =	sand.u32 $0x7, s13;
	s16 =	sor.u32 s17, s16;
	s17 =	sadd.s32 s3, s30  }
0x11: {  	[tilespmem:s15+$0x1020 ss:$0x81] =	vst.msk $0xffff, v0;
	s13 =	sshll.u32 s31, $0x12;
	s12 =	sadd.s32 s12, s17;
	s16 =	sshrl.u32 s16, $0x3  }
0x12: {  	[tilespmem:s15+$0x0 ss:$0x81] =	vst.msk $0xffff, v1;
	s13 =	sor.u32 $0x400, s13;
	s12 =	sadd.s32 s16, s12  }
0x13: {  	[hbm4b:s12+s13] =	stream.strided.scatter [tilespmem:s14], [sflag:$0x2], $0x2000, s8, s13, $0x20;
	[tilespmem:$0x8080] =	vst v63  }
.LBB1_5:
0x14: {  	s14 =	sadd.s32 $0x1, s9  }
0x15: {  	s12 =	sadd.s32 $0x1000, s10;
	s16 =	smov.u32 s10;
	p2 =	sgt.s32 s14, $0xC7  }
0x16: {  	s16 =	smov.u32 @p2 s12  }
0x17: {  	s14 =	simm.s32 @p2 $0x0;
	p2 =	sgt.s32 s16, $0xFFF  }
0x18: {  	s16 =	smov.u32 @p2 s2;
	p2 =	sne.s32 s11, s7  }
.Ltmp1:
0x19: {  	p1 =	slt.u32 s11, $0x2;
	(pc) =	sbr.rel @!p2 .LBB1_6-.Ltmp1, $4  }
0x1a: {  	s15 =	simm.s32 @!p1 $0x2  }
0x1b: {  	s13 =	smov.u32 s10;
	p0 =	por !p0, !p0;
	_ =	swait.ge @!p1 [sflag:s15], $0x2000  }
0x1c: {  	s12 =	smov.u32 s9;
	[sflag:s15] =	ssyncset.done @!p1 $0x0;
	s9 =	smov.u32 s14  }
0x1d: {  	s11 =	sadd.s32 $0x1, s11;
	[sflag:s15] =	ssyncadd.s32 @!p1 $0xFFFFE000;
	s10 =	smov.u32 s16  }
.LBB1_1:
0x1e: {  	p1 =	sge.u32 s11, s5  }
0x1f: {  	s14 =	sand.u32 @!p1 $0x1FFFFFF, s9  }
0x20: {  	s15 =	smulhi.u32 @!p1 $0x147AE15, s14;
	_ =	sdelay $0x1  }
0x21: {  	s15 =	smul.u32 @!p1 $0xC8, s15  }
0x22: {  	s16 =	sxor.u32 @!p1 $0xFFFFFFFF, s11;
	s17 =	smul.u32 @!p1 $0xC80, s10  }
0x23: {  	s31 =	sadd.s32 $0xFFFFFFFF, s11;
	s16 =	sshll.u32 @!p1 s16, $0xD;
	s14 =	ssub.s32 @!p1 s14, s15  }
0x24: {  	s15 =	sand.u32 @!p1 $0x2000, s16;
	s16 =	sadd.s32 @!p1 s6, s17;
	s14 =	sshll.u32 @!p1 s14, $0x4  }
0x25: {  	s17 =	simm.s32 @!p1 $0x6400;
	s14 =	sadd.s32 @!p1 s14, s16;
	s16 =	simm.s32 @!p1 $0x40  }
0x26: {  	[tilespmem:s15], [sflag:$0x1] =	stream.strided.gather @!p1 [hbm4b:s14+s16], $0x2000, s17, s16, $0x38;
	[tilespmem:$0x8080] =	vst v63  }
0x27: {  	p1 =	sge.u32 s31, s5  }
.Ltmp2:
0x28: {  	_ = 	snop;
	(pc) =	sbr.rel @p1 .LBB1_5-.Ltmp2, $1  }
0x29: {  	_ =	sdelay $0x3  }
0x2a: {  	s14 =	simm.s32 $0x1  }
0x2b: {  	_ =	swait.ge [sflag:s4], $0x2000;
	s14 =	simm.s32 @!p0 $0x0  }
0x2c: {  	[sflag:s4] =	ssyncset.done $0x0;
	s15 =	sshll.u32 s14, $0xD  }
0x2d: {  	[sflag:s4] =	ssyncadd.s32 $0xFFFFE000;
	s18 =	sor.u32 $0x20, s15  }
0x2e: {  	s14 =	smul.u32 $0x8100, s14;
	v3 =	vld [tilespmem:s18+$0x10]  }
0x2f: {  	s30 =	sand.u32 $0x1, s11;
	v2 =	vld [tilespmem:s18+$0xFFFFFFF0]  }
0x30: {  	s15 =	smul.u32 $0x8100, s30;
	s14 =	sshrl.u32 s14, $0x2;
	v0 =	vld [tilespmem:s18+$0x0]  }
0x31: {  	v1 =	vld [tilespmem:s18+$0xFFFFFFE0];
	s16 =	sor.u32 $0x4000, s14  }
0x32: {  	s31 =	sshrl.u32 s15, $0x2;
	s15 =	sadd.s32 $0x0, s16  }
0x33: {  	s17 =	simm.s32 $0x4;
	s18 =	sadd.s32 $0x40, s18;
	s14 =	sor.u32 $0x4000, s31;
	[tilespmem:s15+$0x1830 ss:$0x81] =	vst.msk $0xffff, v3  }
.LBB1_3:
0x34: {  	v3 =	vld [tilespmem:s18+$0x10];
	p1 =	sne.s32 s17, $0x1FC;
	[tilespmem:s15+$0x810 ss:$0x81] =	vst.msk $0xffff, v2;
	s19 =	smov.u32 s17;
	s17 =	sadd.s32 $0x4, s17  }
.Ltmp3:
0x35: {  	v2 =	vld [tilespmem:s18+$0xFFFFFFF0];
	[tilespmem:s15+$0x1020 ss:$0x81] =	vst.msk $0xffff, v0;
	(pc) =	sbr.rel @p1 .LBB1_3-.Ltmp3, $4  }
0x36: {  	v0 =	vld [tilespmem:s18+$0x0];
	[tilespmem:s15+$0x0 ss:$0x81] =	vst.msk $0xffff, v1  }
0x37: {  	s15 =	sshra.s32 s19, $0x2;
	v1 =	vld [tilespmem:s18+$0xFFFFFFE0]  }
0x38: {  	s15 =	sadd.s32 s15, s16  }
0x39: {  	s18 =	sadd.s32 $0x40, s18;
	[tilespmem:s15+$0x1830 ss:$0x81] =	vst.msk $0xffff, v3  }
.Ltmp4:
0x3a: {  	_ = 	snop;
	(pc) =	sbr.rel .LBB1_4-.Ltmp4, $1  }
0x3b: {  	_ =	sdelay $0x3  }
.LBB1_6:
0x3c: {  	_ =	sfence.sel $0x180000  }
0x3d: {  	s2 =	simm.s32 $0x1;
	[bflag:$0x0] =	sbarrier.arrive $0xFFFF  }
0x3e: {  	s31 =	simm.s32 $0x2;
	[sflag:s2] =	ssyncpa.u1 $0x1  }
0x3f: {  	[sflag:s31] =	ssyncpa.u1 $0x1  }
0x40: {  	p0 =	sne.s32 s0, $0x0;
	_ =	strace $0x9000004A  }
0x41: {  	s0 =	sadd.s32 @!p0 $0x100000, s1;
	[bflag:$0x2] =	sbarrier.arrive $0xFFFF  }
0x42: {  	[sflag:s0] =	ssyncadd.tile.s32 @!p0 $0x1;
	_ =	shalt  }
.Lfunc_end1:
_tile_overlayer_lowered:
.L_overlay_start_2:
0x43: {  	(tag) =	ssettag $0x2  }
0x44: {  	s0 =	rddreg [dreg:$0x0];
	s2 =	stileid.u32  }
0x45: {  	s1 =	rddreg [dreg:$0x1];
	p0 =	sne.s32 s2, $0x0  }
0x46: {  	s3 =	rddreg [dreg:$0x2];
	[bflag:$0x3] =	sbarrier.arrive $0xFFFF;
	s2 =	simm.s32 @!p0 $0x1C01  }
0x47: {  	[timem:s3], [sflag:s2] =	dma.local @!p0 [hbm:s0], s1  }
0x48: {  	s0 =	simm.s32 @!p0 $0x1  }
0x49: {  	_ =	swait.ge @!p0 [sflag:s0], s1  }
0x4a: {  	s1 =	ssub.s32 @!p0 $0x0, s1;
	[sflag:s0] =	ssyncset.done @!p0 $0x0  }
0x4b: {  	[sflag:s0] =	ssyncadd.s32 @!p0 s1  }
0x4c: {  	[bflag:$0x3] =	sbarrier.arrive $0xFFFF  }
0x4d: {  	_ =	shalt  }

</sc_bundles>
